<compile_context>
chip_gen: v7x
topology: tpu7x:2x2x1
jax: 0.10.2.dev20260603
libtpu: 0.0.44.dev20260713+nightly
codegen_flags: <defaults>
</compile_context>

<pallas_src>
import functools

import jax
import jax.numpy as jnp
from jax import lax
from jax.experimental import pallas as pl
from jax.experimental.pallas import tpu as pltpu
from jax.experimental.pallas import tpu_sc as plsc

BATCH = 16384
EMBED_DIM = 128
NUM_RELATIONS = 1000
REL_PAD = 1024

SC_ROWS = 12288

NUM_CORES = 2
NUM_SUBCORES = 16
NUM_WORKERS = NUM_CORES * NUM_SUBCORES
ROWS_PER_WORKER = SC_ROWS // NUM_WORKERS
CHUNK = 64
NUM_CHUNKS = ROWS_PER_WORKER // CHUNK
NBUF = 3
LANES = 16

TC_BLOCK = 512


def _sc_body(head_hbm, idx_hbm, tail_hbm, rel_hbm, out_hbm,
             idx_v, out_v, h_v, t_v, r_v, sems):
    wid = lax.axis_index("s") * NUM_CORES + lax.axis_index("c")
    base = wid * ROWS_PER_WORKER
    lane_iota = lax.iota(jnp.int32, LANES)

    pltpu.sync_copy(idx_hbm.at[pl.ds(base, ROWS_PER_WORKER)], idx_v)

    def fire(ci):
        b = ci % NBUF
        cbase = base + ci * CHUNK
        idx_slice = idx_v.at[pl.ds(ci * CHUNK, CHUNK)]
        return (
            pltpu.async_copy(rel_hbm.at[idx_slice], r_v.at[b], sems.at[b]),
            pltpu.async_copy(head_hbm.at[pl.ds(cbase, CHUNK)], h_v.at[b],
                             sems.at[b]),
            pltpu.async_copy(tail_hbm.at[pl.ds(cbase, CHUNK)], t_v.at[b],
                             sems.at[b]),
        )

    def compute(ci):
        b = ci % NBUF
        bvec = jnp.full((LANES,), b, jnp.int32)

        def group_body(g, carry2):
            rows = g * LANES + lane_iota

            def d_body(dd, carry3):
                acc, dvec = carry3
                hh = plsc.load_gather(h_v, [bvec, rows, dvec])
                rr = plsc.load_gather(r_v, [bvec, rows, dvec])
                tt = plsc.load_gather(t_v, [bvec, rows, dvec])
                return acc + (hh * rr) * tt, (dvec + 1) & (EMBED_DIM - 1)

            acc, _ = lax.fori_loop(
                0, EMBED_DIM, d_body,
                (jnp.zeros((LANES,), jnp.float32), lane_iota),
                unroll=8)
            out_v[pl.ds(ci * CHUNK + g * LANES, LANES)] = acc
            return carry2

        lax.fori_loop(0, CHUNK // LANES, group_body, 0)

    copies = fire(0)
    for ci in range(NUM_CHUNKS):
        nxt = fire(ci + 1) if ci + 1 < NUM_CHUNKS else ()
        for c in copies:
            c.wait()
        compute(ci)
        copies = nxt

    pltpu.sync_copy(out_v, out_hbm.at[pl.ds(base, ROWS_PER_WORKER)])


def _sc_call(head_e, rel_idx, tail_e, rel_embedding):
    mesh = plsc.VectorSubcoreMesh(core_axis_name="c", subcore_axis_name="s")
    kern = functools.partial(
        pl.kernel,
        mesh=mesh,
        compiler_params=pltpu.CompilerParams(needs_layout_passes=False),
        out_type=jax.ShapeDtypeStruct((SC_ROWS,), jnp.float32),
        scratch_types=[
            pltpu.VMEM((ROWS_PER_WORKER,), jnp.int32),
            pltpu.VMEM((ROWS_PER_WORKER,), jnp.float32),
            pltpu.VMEM((NBUF, CHUNK, EMBED_DIM), jnp.float32),
            pltpu.VMEM((NBUF, CHUNK, EMBED_DIM), jnp.float32),
            pltpu.VMEM((NBUF, CHUNK, EMBED_DIM), jnp.float32),
            pltpu.SemaphoreType.DMA((NBUF,)),
        ],
    )(_sc_body)
    return kern(head_e, rel_idx, tail_e, rel_embedding)


def _tc_body(h_ref, idx_ref, t_ref, tab_hbm, out_ref, tab_v, sem):
    @pl.when(pl.program_id(0) == 0)
    def _():
        cp = pltpu.make_async_copy(tab_hbm,
                                   tab_v.at[pl.ds(0, NUM_RELATIONS)], sem)
        cp.start()
        tab_v[pl.ds(NUM_RELATIONS, REL_PAD - NUM_RELATIONS), :] = jnp.zeros(
            (REL_PAD - NUM_RELATIONS, EMBED_DIM), jnp.float32)
        cp.wait()

    idx = idx_ref[...]
    onehot = (idx[:, None] ==
              lax.broadcasted_iota(jnp.int32, (1, REL_PAD), 1)
              ).astype(jnp.float32)
    rel = jax.lax.dot_general(
        onehot, tab_v[...],
        dimension_numbers=(((1,), (0,)), ((), ())),
        preferred_element_type=jnp.float32)
    out_ref[...] = jnp.sum(h_ref[...] * rel * t_ref[...], axis=1)


def _tc_call(head_e, rel_idx, tail_e, rel_embedding):
    off = SC_ROWS // TC_BLOCK
    grid = ((BATCH - SC_ROWS) // TC_BLOCK,)
    return pl.pallas_call(
        _tc_body,
        grid=grid,
        in_specs=[
            pl.BlockSpec((TC_BLOCK, EMBED_DIM), lambda i: (off + i, 0)),
            pl.BlockSpec((TC_BLOCK,), lambda i: (off + i,)),
            pl.BlockSpec((TC_BLOCK, EMBED_DIM), lambda i: (off + i, 0)),
            pl.BlockSpec(memory_space=pl.ANY),
        ],
        out_specs=pl.BlockSpec((TC_BLOCK,), lambda i: (i,)),
        out_shape=jax.ShapeDtypeStruct((BATCH - SC_ROWS,), jnp.float32),
        scratch_shapes=[
            pltpu.VMEM((REL_PAD, EMBED_DIM), jnp.float32),
            pltpu.SemaphoreType.DMA,
        ],
    )(head_e, rel_idx, tail_e, rel_embedding)


@jax.jit
def _distmult(head_e, rel_idx, tail_e, rel_embedding):
    sc_out = _sc_call(head_e, rel_idx, tail_e, rel_embedding)
    tc_out = _tc_call(head_e, rel_idx, tail_e, rel_embedding)
    return jnp.concatenate([sc_out, tc_out])


def kernel(head_e, rel_idx, tail_e, rel_embedding):
    return _distmult(head_e, rel_idx.astype(jnp.int32), tail_e,
                     rel_embedding)

# --- scband reference (transcript-rebuilt; emitter-appended) ---
"""Pipeline reference for scband-dist-mult-47931835023833 (READ-ONLY COPY).

The authoritative reference and input builder live on the scoring server;
editing this copy changes nothing except your own understanding.
"""

import jax, jax.numpy as jnp
import numpy as np

NUM_RELATIONS = 1000
EMBED_DIM = 128
BATCH = 16384

def setup_inputs(seed: int = 0) -> dict:
    key = jax.random.key(seed)
    k1, k2, k3, k4 = jax.random.split(key, 4)
    head_e = jax.random.normal(k1, (BATCH, EMBED_DIM), dtype=jnp.float32)
    tail_e = jax.random.normal(k2, (BATCH, EMBED_DIM), dtype=jnp.float32)
    rel_idx = jax.random.randint(k3, (BATCH,), 0, NUM_RELATIONS, dtype=jnp.int64 if jax.config.jax_enable_x64 else jnp.int32)
    # keras 'random_normal' initializer: stddev=0.05
    rel_embedding = jax.random.normal(k4, (NUM_RELATIONS, EMBED_DIM), dtype=jnp.float32) * 0.05
    return {"head_e": head_e, "rel_idx": rel_idx, "tail_e": tail_e, "rel_embedding": rel_embedding}

def reference(head_e, rel_idx, tail_e, rel_embedding):
    # embedding_lookup_v2 -> gather rows of relation table
    rel_e = jnp.take(rel_embedding, rel_idx, axis=0)
    # DistMult score: sum(h * r * t) over embedding dim
    return jnp.sum(head_e * rel_e * tail_e, axis=-1)

if __name__ == "__main__":
    import jax
    _d = setup_inputs()
    print(jax.jit(kernel)(*tuple(_d.values())))

</pallas_src>

<mosaic_0001>
#map = affine_map<(d0, d1) -> (0, 0)>
#map1 = affine_map<(d0, d1) -> (0)>
module attributes {stable_mosaic.version = 14 : i64} {
  func.func @_sc_body(%arg0: i32, %arg1: i32, %arg2: memref<16384x128xf32, #tpu.memory_space<hbm>>, %arg3: memref<16384xi32, #tpu.memory_space<hbm>>, %arg4: memref<16384x128xf32, #tpu.memory_space<hbm>>, %arg5: memref<1000x128xf32, #tpu.memory_space<hbm>>, %arg6: memref<12288xf32, #tpu.memory_space<hbm>>, %arg7: memref<384xi32, #tpu.memory_space<vmem>>, %arg8: memref<384xf32, #tpu.memory_space<vmem>>, %arg9: memref<3x64x128xf32, #tpu.memory_space<vmem>>, %arg10: memref<3x64x128xf32, #tpu.memory_space<vmem>>, %arg11: memref<3x64x128xf32, #tpu.memory_space<vmem>>, %arg12: memref<3x!tpu.dma_semaphore, #tpu.memory_space<semaphore_mem>>) attributes {dimension_semantics = [#tpu.dimension_semantics<core_parallel>, #tpu.dimension_semantics<subcore_parallel>], iteration_bounds = array<i64: 2, 16>, scalar_prefetch = 0 : i64, scratch_operands = 6 : i64, tpu.core_type = #tpu.core_type<sc_vector_subcore>, window_params = [{transform_indices = #map}, {transform_indices = #map1}, {transform_indices = #map}, {transform_indices = #map}, {transform_indices = #map1}]} {
    %mul3A = arith.constant 2 : i32
    %mul3A_0 = arith.muli %arg1, %mul3A : i32
    %add3A = arith.addi %mul3A_0, %arg0 : i32
    %mul3A_1 = arith.constant 384 : i32
    %mul3A_2 = arith.muli %add3A, %mul3A_1 : i32
    %iota3A = tpu.iota {dimensions = array<i32: 0>} : vector<16xi32>
    "tpu.region"() ({
      %run_scoped3A = tpu.sem_alloc : memref<!tpu.dma_semaphore, #tpu.memory_space<semaphore_mem>>
      %dma_start3A_599 = tpu.memref_slice %arg3[%mul3A_2] : memref<16384xi32, #tpu.memory_space<hbm>> -> memref<384xi32, #tpu.memory_space<hbm>>
      %dma_start3A_600 = tpu.memref_slice %arg3[%mul3A_2] : memref<16384xi32, #tpu.memory_space<hbm>> -> memref<384xi32, #tpu.memory_space<hbm>>
      tpu.enqueue_dma source(%dma_start3A_600 : memref<384xi32, #tpu.memory_space<hbm>>) target(%arg7 : memref<384xi32, #tpu.memory_space<vmem>>) target_semaphore(%run_scoped3A : memref<!tpu.dma_semaphore, #tpu.memory_space<semaphore_mem>>)
      %dma_wait3A_601 = tpu.memref_slice %arg3[%mul3A_2] : memref<16384xi32, #tpu.memory_space<hbm>> -> memref<384xi32, #tpu.memory_space<hbm>>
      %dma_wait3A_602 = tpu.memref_slice %arg3[%mul3A_2] : memref<16384xi32, #tpu.memory_space<hbm>> -> memref<384xi32, #tpu.memory_space<hbm>>
      tpu.wait_dma2 semaphore(%run_scoped3A : memref<!tpu.dma_semaphore, #tpu.memory_space<semaphore_mem>>) src(%dma_wait3A_602 : memref<384xi32, #tpu.memory_space<hbm>>) dst(%arg7 : memref<384xi32, #tpu.memory_space<vmem>>)
      tpu.yield
    }) : () -> ()
    %add3A_3 = arith.constant 0 : i32
    %add3A_4 = arith.addi %mul3A_2, %add3A_3 : i32
    %dma_start3A = arith.constant 0 : i32
    %dma_start3A_5 = arith.constant 0 : i32
    %dma_start3A_6 = arith.constant 0 : i32
    %dma_start3A_7 = arith.constant 0 : i32
    %dma_start3A_8 = tpu.memref_slice %arg11[%dma_start3A, %dma_start3A_6, %dma_start3A_7] : memref<3x64x128xf32, #tpu.memory_space<vmem>> -> memref<1x64x128xf32, #tpu.memory_space<vmem>>
    %dma_start3A_9 = tpu.memref_squeeze %dma_start3A_8 : memref<1x64x128xf32, #tpu.memory_space<vmem>> -> memref<64x128xf32, #tpu.memory_space<vmem>>
    %dma_start3A_10 = arith.constant 0 : i32
    %dma_start3A_11 = tpu.memref_slice %arg7[%dma_start3A_10] : memref<384xi32, #tpu.memory_space<vmem>> -> memref<64xi32, #tpu.memory_space<vmem>>
    %dma_start3A_12 = arith.constant 0 : i32
    %dma_start3A_13 = arith.constant 0 : i32
    %dma_start3A_14 = tpu.memref_slice %arg5[%dma_start3A_12, %dma_start3A_13] : memref<1000x128xf32, #tpu.memory_space<hbm>> -> memref<1000x128xf32, #tpu.memory_space<hbm>>
    %dma_start3A_15 = tpu.memref_slice %arg12[%dma_start3A_5] : memref<3x!tpu.dma_semaphore, #tpu.memory_space<semaphore_mem>> -> memref<1x!tpu.dma_semaphore, #tpu.memory_space<semaphore_mem>>
    %dma_start3A_16 = tpu.memref_squeeze %dma_start3A_15 : memref<1x!tpu.dma_semaphore, #tpu.memory_space<semaphore_mem>> -> memref<!tpu.dma_semaphore, #tpu.memory_space<semaphore_mem>>
    tpu.enqueue_indirect_dma source(%dma_start3A_14 : memref<1000x128xf32, #tpu.memory_space<hbm>>) target(%dma_start3A_9 : memref<64x128xf32, #tpu.memory_space<vmem>>) offsets(%dma_start3A_11 : memref<64xi32, #tpu.memory_space<vmem>>) semaphore(%dma_start3A_16 : memref<!tpu.dma_semaphore, #tpu.memory_space<semaphore_mem>>)
    %dma_start3A_17 = arith.constant 0 : i32
    %dma_start3A_18 = arith.constant 0 : i32
    %dma_start3A_19 = arith.constant 0 : i32
    %dma_start3A_20 = arith.constant 0 : i32
    %dma_start3A_21 = tpu.memref_slice %arg9[%dma_start3A_17, %dma_start3A_19, %dma_start3A_20] : memref<3x64x128xf32, #tpu.memory_space<vmem>> -> memref<1x64x128xf32, #tpu.memory_space<vmem>>
    %dma_start3A_22 = tpu.memref_squeeze %dma_start3A_21 : memref<1x64x128xf32, #tpu.memory_space<vmem>> -> memref<64x128xf32, #tpu.memory_space<vmem>>
    %dma_start3A_23 = arith.constant 0 : i32
    %dma_start3A_24 = tpu.memref_slice %arg2[%add3A_4, %dma_start3A_23] : memref<16384x128xf32, #tpu.memory_space<hbm>> -> memref<64x128xf32, #tpu.memory_space<hbm>>
    %dma_start3A_25 = tpu.memref_slice %arg12[%dma_start3A_18] : memref<3x!tpu.dma_semaphore, #tpu.memory_space<semaphore_mem>> -> memref<1x!tpu.dma_semaphore, #tpu.memory_space<semaphore_mem>>
    %dma_start3A_26 = tpu.memref_squeeze %dma_start3A_25 : memref<1x!tpu.dma_semaphore, #tpu.memory_space<semaphore_mem>> -> memref<!tpu.dma_semaphore, #tpu.memory_space<semaphore_mem>>
    %dma_start3A_27 = arith.constant 0 : i32
    %dma_start3A_28 = arith.constant 0 : i32
    %dma_start3A_29 = tpu.memref_slice %arg9[%dma_start3A_17, %dma_start3A_27, %dma_start3A_28] : memref<3x64x128xf32, #tpu.memory_space<vmem>> -> memref<1x64x128xf32, #tpu.memory_space<vmem>>
    %dma_start3A_30 = tpu.memref_squeeze %dma_start3A_29 : memref<1x64x128xf32, #tpu.memory_space<vmem>> -> memref<64x128xf32, #tpu.memory_space<vmem>>
    %dma_start3A_31 = arith.constant 0 : i32
    %dma_start3A_32 = tpu.memref_slice %arg2[%add3A_4, %dma_start3A_31] : memref<16384x128xf32, #tpu.memory_space<hbm>> -> memref<64x128xf32, #tpu.memory_space<hbm>>
    tpu.enqueue_dma source(%dma_start3A_32 : memref<64x128xf32, #tpu.memory_space<hbm>>) target(%dma_start3A_30 : memref<64x128xf32, #tpu.memory_space<vmem>>) target_semaphore(%dma_start3A_26 : memref<!tpu.dma_semaphore, #tpu.memory_space<semaphore_mem>>)
    %dma_start3A_33 = arith.constant 0 : i32
    %dma_start3A_34 = arith.constant 0 : i32
    %dma_start3A_35 = arith.constant 0 : i32
    %dma_start3A_36 = arith.constant 0 : i32
    %dma_start3A_37 = tpu.memref_slice %arg10[%dma_start3A_33, %dma_start3A_35, %dma_start3A_36] : memref<3x64x128xf32, #tpu.memory_space<vmem>> -> memref<1x64x128xf32, #tpu.memory_space<vmem>>
    %dma_start3A_38 = tpu.memref_squeeze %dma_start3A_37 : memref<1x64x128xf32, #tpu.memory_space<vmem>> -> memref<64x128xf32, #tpu.memory_space<vmem>>
    %dma_start3A_39 = arith.constant 0 : i32
    %dma_start3A_40 = tpu.memref_slice %arg4[%add3A_4, %dma_start3A_39] : memref<16384x128xf32, #tpu.memory_space<hbm>> -> memref<64x128xf32, #tpu.memory_space<hbm>>
    %dma_start3A_41 = tpu.memref_slice %arg12[%dma_start3A_34] : memref<3x!tpu.dma_semaphore, #tpu.memory_space<semaphore_mem>> -> memref<1x!tpu.dma_semaphore, #tpu.memory_space<semaphore_mem>>
    %dma_start3A_42 = tpu.memref_squeeze %dma_start3A_41 : memref<1x!tpu.dma_semaphore, #tpu.memory_space<semaphore_mem>> -> memref<!tpu.dma_semaphore, #tpu.memory_space<semaphore_mem>>
    %dma_start3A_43 = arith.constant 0 : i32
    %dma_start3A_44 = arith.constant 0 : i32
    %dma_start3A_45 = tpu.memref_slice %arg10[%dma_start3A_33, %dma_start3A_43, %dma_start3A_44] : memref<3x64x128xf32, #tpu.memory_space<vmem>> -> memref<1x64x128xf32, #tpu.memory_space<vmem>>
    %dma_start3A_46 = tpu.memref_squeeze %dma_start3A_45 : memref<1x64x128xf32, #tpu.memory_space<vmem>> -> memref<64x128xf32, #tpu.memory_space<vmem>>
    %dma_start3A_47 = arith.constant 0 : i32
    %dma_start3A_48 = tpu.memref_slice %arg4[%add3A_4, %dma_start3A_47] : memref<16384x128xf32, #tpu.memory_space<hbm>> -> memref<64x128xf32, #tpu.memory_space<hbm>>
    tpu.enqueue_dma source(%dma_start3A_48 : memref<64x128xf32, #tpu.memory_space<hbm>>) target(%dma_start3A_46 : memref<64x128xf32, #tpu.memory_space<vmem>>) target_semaphore(%dma_start3A_42 : memref<!tpu.dma_semaphore, #tpu.memory_space<semaphore_mem>>)
    %add3A_49 = arith.constant 64 : i32
    %add3A_50 = arith.addi %mul3A_2, %add3A_49 : i32
    %dma_start3A_51 = arith.constant 1 : i32
    %dma_start3A_52 = arith.constant 1 : i32
    %dma_start3A_53 = arith.constant 0 : i32
    %dma_start3A_54 = arith.constant 0 : i32
    %dma_start3A_55 = tpu.memref_slice %arg11[%dma_start3A_51, %dma_start3A_53, %dma_start3A_54] : memref<3x64x128xf32, #tpu.memory_space<vmem>> -> memref<1x64x128xf32, #tpu.memory_space<vmem>>
    %dma_start3A_56 = tpu.memref_squeeze %dma_start3A_55 : memref<1x64x128xf32, #tpu.memory_space<vmem>> -> memref<64x128xf32, #tpu.memory_space<vmem>>
    %dma_start3A_57 = arith.constant 64 : i32
    %dma_start3A_58 = tpu.memref_slice %arg7[%dma_start3A_57] : memref<384xi32, #tpu.memory_space<vmem>> -> memref<64xi32, #tpu.memory_space<vmem>>
    %dma_start3A_59 = arith.constant 0 : i32
    %dma_start3A_60 = arith.constant 0 : i32
    %dma_start3A_61 = tpu.memref_slice %arg5[%dma_start3A_59, %dma_start3A_60] : memref<1000x128xf32, #tpu.memory_space<hbm>> -> memref<1000x128xf32, #tpu.memory_space<hbm>>
    %dma_start3A_62 = tpu.memref_slice %arg12[%dma_start3A_52] : memref<3x!tpu.dma_semaphore, #tpu.memory_space<semaphore_mem>> -> memref<1x!tpu.dma_semaphore, #tpu.memory_space<semaphore_mem>>
    %dma_start3A_63 = tpu.memref_squeeze %dma_start3A_62 : memref<1x!tpu.dma_semaphore, #tpu.memory_space<semaphore_mem>> -> memref<!tpu.dma_semaphore, #tpu.memory_space<semaphore_mem>>
    tpu.enqueue_indirect_dma source(%dma_start3A_61 : memref<1000x128xf32, #tpu.memory_space<hbm>>) target(%dma_start3A_56 : memref<64x128xf32, #tpu.memory_space<vmem>>) offsets(%dma_start3A_58 : memref<64xi32, #tpu.memory_space<vmem>>) semaphore(%dma_start3A_63 : memref<!tpu.dma_semaphore, #tpu.memory_space<semaphore_mem>>)
    %dma_start3A_64 = arith.constant 1 : i32
    %dma_start3A_65 = arith.constant 1 : i32
    %dma_start3A_66 = arith.constant 0 : i32
    %dma_start3A_67 = arith.constant 0 : i32
    %dma_start3A_68 = tpu.memref_slice %arg9[%dma_start3A_64, %dma_start3A_66, %dma_start3A_67] : memref<3x64x128xf32, #tpu.memory_space<vmem>> -> memref<1x64x128xf32, #tpu.memory_space<vmem>>
    %dma_start3A_69 = tpu.memref_squeeze %dma_start3A_68 : memref<1x64x128xf32, #tpu.memory_space<vmem>> -> memref<64x128xf32, #tpu.memory_space<vmem>>
    %dma_start3A_70 = arith.constant 0 : i32
    %dma_start3A_71 = tpu.memref_slice %arg2[%add3A_50, %dma_start3A_70] : memref<16384x128xf32, #tpu.memory_space<hbm>> -> memref<64x128xf32, #tpu.memory_space<hbm>>
    %dma_start3A_72 = tpu.memref_slice %arg12[%dma_start3A_65] : memref<3x!tpu.dma_semaphore, #tpu.memory_space<semaphore_mem>> -> memref<1x!tpu.dma_semaphore, #tpu.memory_space<semaphore_mem>>
    %dma_start3A_73 = tpu.memref_squeeze %dma_start3A_72 : memref<1x!tpu.dma_semaphore, #tpu.memory_space<semaphore_mem>> -> memref<!tpu.dma_semaphore, #tpu.memory_space<semaphore_mem>>
    %dma_start3A_74 = arith.constant 0 : i32
    %dma_start3A_75 = arith.constant 0 : i32
    %dma_start3A_76 = tpu.memref_slice %arg9[%dma_start3A_64, %dma_start3A_74, %dma_start3A_75] : memref<3x64x128xf32, #tpu.memory_space<vmem>> -> memref<1x64x128xf32, #tpu.memory_space<vmem>>
    %dma_start3A_77 = tpu.memref_squeeze %dma_start3A_76 : memref<1x64x128xf32, #tpu.memory_space<vmem>> -> memref<64x128xf32, #tpu.memory_space<vmem>>
    %dma_start3A_78 = arith.constant 0 : i32
    %dma_start3A_79 = tpu.memref_slice %arg2[%add3A_50, %dma_start3A_78] : memref<16384x128xf32, #tpu.memory_space<hbm>> -> memref<64x128xf32, #tpu.memory_space<hbm>>
    tpu.enqueue_dma source(%dma_start3A_79 : memref<64x128xf32, #tpu.memory_space<hbm>>) target(%dma_start3A_77 : memref<64x128xf32, #tpu.memory_space<vmem>>) target_semaphore(%dma_start3A_73 : memref<!tpu.dma_semaphore, #tpu.memory_space<semaphore_mem>>)
    %dma_start3A_80 = arith.constant 1 : i32
    %dma_start3A_81 = arith.constant 1 : i32
    %dma_start3A_82 = arith.constant 0 : i32
    %dma_start3A_83 = arith.constant 0 : i32
    %dma_start3A_84 = tpu.memref_slice %arg10[%dma_start3A_80, %dma_start3A_82, %dma_start3A_83] : memref<3x64x128xf32, #tpu.memory_space<vmem>> -> memref<1x64x128xf32, #tpu.memory_space<vmem>>
    %dma_start3A_85 = tpu.memref_squeeze %dma_start3A_84 : memref<1x64x128xf32, #tpu.memory_space<vmem>> -> memref<64x128xf32, #tpu.memory_space<vmem>>
    %dma_start3A_86 = arith.constant 0 : i32
    %dma_start3A_87 = tpu.memref_slice %arg4[%add3A_50, %dma_start3A_86] : memref<16384x128xf32, #tpu.memory_space<hbm>> -> memref<64x128xf32, #tpu.memory_space<hbm>>
    %dma_start3A_88 = tpu.memref_slice %arg12[%dma_start3A_81] : memref<3x!tpu.dma_semaphore, #tpu.memory_space<semaphore_mem>> -> memref<1x!tpu.dma_semaphore, #tpu.memory_space<semaphore_mem>>
    %dma_start3A_89 = tpu.memref_squeeze %dma_start3A_88 : memref<1x!tpu.dma_semaphore, #tpu.memory_space<semaphore_mem>> -> memref<!tpu.dma_semaphore, #tpu.memory_space<semaphore_mem>>
    %dma_start3A_90 = arith.constant 0 : i32
    %dma_start3A_91 = arith.constant 0 : i32
    %dma_start3A_92 = tpu.memref_slice %arg10[%dma_start3A_80, %dma_start3A_90, %dma_start3A_91] : memref<3x64x128xf32, #tpu.memory_space<vmem>> -> memref<1x64x128xf32, #tpu.memory_space<vmem>>
    %dma_start3A_93 = tpu.memref_squeeze %dma_start3A_92 : memref<1x64x128xf32, #tpu.memory_space<vmem>> -> memref<64x128xf32, #tpu.memory_space<vmem>>
    %dma_start3A_94 = arith.constant 0 : i32
    %dma_start3A_95 = tpu.memref_slice %arg4[%add3A_50, %dma_start3A_94] : memref<16384x128xf32, #tpu.memory_space<hbm>> -> memref<64x128xf32, #tpu.memory_space<hbm>>
    tpu.enqueue_dma source(%dma_start3A_95 : memref<64x128xf32, #tpu.memory_space<hbm>>) target(%dma_start3A_93 : memref<64x128xf32, #tpu.memory_space<vmem>>) target_semaphore(%dma_start3A_89 : memref<!tpu.dma_semaphore, #tpu.memory_space<semaphore_mem>>)
    %dma_wait3A = arith.constant 0 : i32
    %dma_wait3A_96 = arith.constant 0 : i32
    %dma_wait3A_97 = arith.constant 0 : i32
    %dma_wait3A_98 = arith.constant 0 : i32
    %dma_wait3A_99 = tpu.memref_slice %arg11[%dma_wait3A, %dma_wait3A_97, %dma_wait3A_98] : memref<3x64x128xf32, #tpu.memory_space<vmem>> -> memref<1x64x128xf32, #tpu.memory_space<vmem>>
    %dma_wait3A_100 = tpu.memref_squeeze %dma_wait3A_99 : memref<1x64x128xf32, #tpu.memory_space<vmem>> -> memref<64x128xf32, #tpu.memory_space<vmem>>
    %dma_wait3A_101 = arith.constant 0 : i32
    %dma_wait3A_102 = tpu.memref_slice %arg7[%dma_wait3A_101] : memref<384xi32, #tpu.memory_space<vmem>> -> memref<64xi32, #tpu.memory_space<vmem>>
    %dma_wait3A_103 = arith.constant 0 : i32
    %dma_wait3A_104 = arith.constant 0 : i32
    %dma_wait3A_105 = tpu.memref_slice %arg5[%dma_wait3A_103, %dma_wait3A_104] : memref<1000x128xf32, #tpu.memory_space<hbm>> -> memref<1000x128xf32, #tpu.memory_space<hbm>>
    %dma_wait3A_106 = tpu.memref_slice %arg12[%dma_wait3A_96] : memref<3x!tpu.dma_semaphore, #tpu.memory_space<semaphore_mem>> -> memref<1x!tpu.dma_semaphore, #tpu.memory_space<semaphore_mem>>
    %dma_wait3A_107 = tpu.memref_squeeze %dma_wait3A_106 : memref<1x!tpu.dma_semaphore, #tpu.memory_space<semaphore_mem>> -> memref<!tpu.dma_semaphore, #tpu.memory_space<semaphore_mem>>
    tpu.wait_indirect_dma semaphore(%dma_wait3A_107 : memref<!tpu.dma_semaphore, #tpu.memory_space<semaphore_mem>>) src(%dma_wait3A_105 : memref<1000x128xf32, #tpu.memory_space<hbm>>) dst(%dma_wait3A_100 : memref<64x128xf32, #tpu.memory_space<vmem>>)
    %dma_wait3A_108 = arith.constant 0 : i32
    %dma_wait3A_109 = arith.constant 0 : i32
    %dma_wait3A_110 = arith.constant 0 : i32
    %dma_wait3A_111 = arith.constant 0 : i32
    %dma_wait3A_112 = tpu.memref_slice %arg9[%dma_wait3A_108, %dma_wait3A_110, %dma_wait3A_111] : memref<3x64x128xf32, #tpu.memory_space<vmem>> -> memref<1x64x128xf32, #tpu.memory_space<vmem>>
    %dma_wait3A_113 = tpu.memref_squeeze %dma_wait3A_112 : memref<1x64x128xf32, #tpu.memory_space<vmem>> -> memref<64x128xf32, #tpu.memory_space<vmem>>
    %dma_wait3A_114 = arith.constant 0 : i32
    %dma_wait3A_115 = tpu.memref_slice %arg2[%add3A_4, %dma_wait3A_114] : memref<16384x128xf32, #tpu.memory_space<hbm>> -> memref<64x128xf32, #tpu.memory_space<hbm>>
    %dma_wait3A_116 = tpu.memref_slice %arg12[%dma_wait3A_109] : memref<3x!tpu.dma_semaphore, #tpu.memory_space<semaphore_mem>> -> memref<1x!tpu.dma_semaphore, #tpu.memory_space<semaphore_mem>>
    %dma_wait3A_117 = tpu.memref_squeeze %dma_wait3A_116 : memref<1x!tpu.dma_semaphore, #tpu.memory_space<semaphore_mem>> -> memref<!tpu.dma_semaphore, #tpu.memory_space<semaphore_mem>>
    %dma_wait3A_118 = arith.constant 0 : i32
    %dma_wait3A_119 = arith.constant 0 : i32
    %dma_wait3A_120 = tpu.memref_slice %arg9[%dma_wait3A_108, %dma_wait3A_118, %dma_wait3A_119] : memref<3x64x128xf32, #tpu.memory_space<vmem>> -> memref<1x64x128xf32, #tpu.memory_space<vmem>>
    %dma_wait3A_121 = tpu.memref_squeeze %dma_wait3A_120 : memref<1x64x128xf32, #tpu.memory_space<vmem>> -> memref<64x128xf32, #tpu.memory_space<vmem>>
    %dma_wait3A_122 = arith.constant 0 : i32
    %dma_wait3A_123 = tpu.memref_slice %arg2[%add3A_4, %dma_wait3A_122] : memref<16384x128xf32, #tpu.memory_space<hbm>> -> memref<64x128xf32, #tpu.memory_space<hbm>>
    tpu.wait_dma2 semaphore(%dma_wait3A_117 : memref<!tpu.dma_semaphore, #tpu.memory_space<semaphore_mem>>) src(%dma_wait3A_123 : memref<64x128xf32, #tpu.memory_space<hbm>>) dst(%dma_wait3A_121 : memref<64x128xf32, #tpu.memory_space<vmem>>)
    %dma_wait3A_124 = arith.constant 0 : i32
    %dma_wait3A_125 = arith.constant 0 : i32
    %dma_wait3A_126 = arith.constant 0 : i32
    %dma_wait3A_127 = arith.constant 0 : i32
    %dma_wait3A_128 = tpu.memref_slice %arg10[%dma_wait3A_124, %dma_wait3A_126, %dma_wait3A_127] : memref<3x64x128xf32, #tpu.memory_space<vmem>> -> memref<1x64x128xf32, #tpu.memory_space<vmem>>
    %dma_wait3A_129 = tpu.memref_squeeze %dma_wait3A_128 : memref<1x64x128xf32, #tpu.memory_space<vmem>> -> memref<64x128xf32, #tpu.memory_space<vmem>>
    %dma_wait3A_130 = arith.constant 0 : i32
    %dma_wait3A_131 = tpu.memref_slice %arg4[%add3A_4, %dma_wait3A_130] : memref<16384x128xf32, #tpu.memory_space<hbm>> -> memref<64x128xf32, #tpu.memory_space<hbm>>
    %dma_wait3A_132 = tpu.memref_slice %arg12[%dma_wait3A_125] : memref<3x!tpu.dma_semaphore, #tpu.memory_space<semaphore_mem>> -> memref<1x!tpu.dma_semaphore, #tpu.memory_space<semaphore_mem>>
    %dma_wait3A_133 = tpu.memref_squeeze %dma_wait3A_132 : memref<1x!tpu.dma_semaphore, #tpu.memory_space<semaphore_mem>> -> memref<!tpu.dma_semaphore, #tpu.memory_space<semaphore_mem>>
    %dma_wait3A_134 = arith.constant 0 : i32
    %dma_wait3A_135 = arith.constant 0 : i32
    %dma_wait3A_136 = tpu.memref_slice %arg10[%dma_wait3A_124, %dma_wait3A_134, %dma_wait3A_135] : memref<3x64x128xf32, #tpu.memory_space<vmem>> -> memref<1x64x128xf32, #tpu.memory_space<vmem>>
    %dma_wait3A_137 = tpu.memref_squeeze %dma_wait3A_136 : memref<1x64x128xf32, #tpu.memory_space<vmem>> -> memref<64x128xf32, #tpu.memory_space<vmem>>
    %dma_wait3A_138 = arith.constant 0 : i32
    %dma_wait3A_139 = tpu.memref_slice %arg4[%add3A_4, %dma_wait3A_138] : memref<16384x128xf32, #tpu.memory_space<hbm>> -> memref<64x128xf32, #tpu.memory_space<hbm>>
    tpu.wait_dma2 semaphore(%dma_wait3A_133 : memref<!tpu.dma_semaphore, #tpu.memory_space<semaphore_mem>>) src(%dma_wait3A_139 : memref<64x128xf32, #tpu.memory_space<hbm>>) dst(%dma_wait3A_137 : memref<64x128xf32, #tpu.memory_space<vmem>>)
    %broadcast_in_dim3A = arith.constant 0 : i32
    %broadcast_in_dim3A_140 = vector.broadcast %broadcast_in_dim3A : i32 to vector<16xi32>
    %scan3A = arith.constant 0 : i32
    %scan3A_141 = arith.constant 0 : i32
    %scan3A_142 = arith.constant 4 : i32
    %scan3A_143 = arith.addi %scan3A_141, %scan3A_142 : i32
    %scan3A_144 = arith.constant 1 : i32
    scf.for %scan3A_599 = %scan3A_141 to %scan3A_143 step %scan3A_144  : i32 {
      %mul3A_600 = arith.constant 16 : i32
      %mul3A_601 = arith.muli %scan3A_599, %mul3A_600 : i32
      %add3A_602 = vector.broadcast %mul3A_601 : i32 to vector<16xi32>
      %add3A_603 = arith.addi %add3A_602, %iota3A : vector<16xi32>
      %broadcast_in_dim3A_604 = arith.constant 0.000000e+00 : f32
      %broadcast_in_dim3A_605 = vector.broadcast %broadcast_in_dim3A_604 : f32 to vector<16xf32>
      %scan3A_606 = arith.constant 0 : i32
      %scan3A_607 = arith.constant 128 : i32
      %scan3A_608 = arith.addi %scan3A_606, %scan3A_607 : i32
      %scan3A_609 = arith.constant 8 : i32
      %scan3A_610:2 = scf.for %scan3A_617 = %scan3A_606 to %scan3A_608 step %scan3A_609 iter_args(%scan3A_618 = %broadcast_in_dim3A_605, %scan3A_619 = %iota3A) -> (vector<16xf32>, vector<16xi32>)  : i32 {
        %gather3A = tpu.vector_load_idx %arg9[%broadcast_in_dim3A_140, %add3A_603, %scan3A_619] : memref<3x64x128xf32, #tpu.memory_space<vmem>>[vector<16xi32>, vector<16xi32>, vector<16xi32>], vector<16xf32>,
        %gather3A_620 = tpu.vector_load_idx %arg11[%broadcast_in_dim3A_140, %add3A_603, %scan3A_619] : memref<3x64x128xf32, #tpu.memory_space<vmem>>[vector<16xi32>, vector<16xi32>, vector<16xi32>], vector<16xf32>,
        %gather3A_621 = tpu.vector_load_idx %arg10[%broadcast_in_dim3A_140, %add3A_603, %scan3A_619] : memref<3x64x128xf32, #tpu.memory_space<vmem>>[vector<16xi32>, vector<16xi32>, vector<16xi32>], vector<16xf32>,
        %mul3A_622 = arith.mulf %gather3A, %gather3A_620 : vector<16xf32>
        %mul3A_623 = arith.mulf %mul3A_622, %gather3A_621 : vector<16xf32>
        %add3A_624 = arith.addf %scan3A_618, %mul3A_623 : vector<16xf32>
        %add3A_625 = arith.constant 1 : i32
        %add3A_626 = vector.broadcast %add3A_625 : i32 to vector<16xi32>
        %add3A_627 = arith.addi %scan3A_619, %add3A_626 : vector<16xi32>
        %and3A = arith.constant 127 : i32
        %and3A_628 = vector.broadcast %and3A : i32 to vector<16xi32>
        %and3A_629 = arith.andi %add3A_627, %and3A_628 : vector<16xi32>
        %scan3A_630 = arith.constant 1 : i32
        %scan3A_631 = arith.addi %scan3A_617, %scan3A_630 : i32
        %gather3A_632 = tpu.vector_load_idx %arg9[%broadcast_in_dim3A_140, %add3A_603, %and3A_629] : memref<3x64x128xf32, #tpu.memory_space<vmem>>[vector<16xi32>, vector<16xi32>, vector<16xi32>], vector<16xf32>,
        %gather3A_633 = tpu.vector_load_idx %arg11[%broadcast_in_dim3A_140, %add3A_603, %and3A_629] : memref<3x64x128xf32, #tpu.memory_space<vmem>>[vector<16xi32>, vector<16xi32>, vector<16xi32>], vector<16xf32>,
        %gather3A_634 = tpu.vector_load_idx %arg10[%broadcast_in_dim3A_140, %add3A_603, %and3A_629] : memref<3x64x128xf32, #tpu.memory_space<vmem>>[vector<16xi32>, vector<16xi32>, vector<16xi32>], vector<16xf32>,
        %mul3A_635 = arith.mulf %gather3A_632, %gather3A_633 : vector<16xf32>
        %mul3A_636 = arith.mulf %mul3A_635, %gather3A_634 : vector<16xf32>
        %add3A_637 = arith.addf %add3A_624, %mul3A_636 : vector<16xf32>
        %add3A_638 = arith.constant 1 : i32
        %add3A_639 = vector.broadcast %add3A_638 : i32 to vector<16xi32>
        %add3A_640 = arith.addi %and3A_629, %add3A_639 : vector<16xi32>
        %and3A_641 = arith.constant 127 : i32
        %and3A_642 = vector.broadcast %and3A_641 : i32 to vector<16xi32>
        %and3A_643 = arith.andi %add3A_640, %and3A_642 : vector<16xi32>
        %scan3A_644 = arith.constant 2 : i32
        %scan3A_645 = arith.addi %scan3A_617, %scan3A_644 : i32
        %gather3A_646 = tpu.vector_load_idx %arg9[%broadcast_in_dim3A_140, %add3A_603, %and3A_643] : memref<3x64x128xf32, #tpu.memory_space<vmem>>[vector<16xi32>, vector<16xi32>, vector<16xi32>], vector<16xf32>,
        %gather3A_647 = tpu.vector_load_idx %arg11[%broadcast_in_dim3A_140, %add3A_603, %and3A_643] : memref<3x64x128xf32, #tpu.memory_space<vmem>>[vector<16xi32>, vector<16xi32>, vector<16xi32>], vector<16xf32>,
        %gather3A_648 = tpu.vector_load_idx %arg10[%broadcast_in_dim3A_140, %add3A_603, %and3A_643] : memref<3x64x128xf32, #tpu.memory_space<vmem>>[vector<16xi32>, vector<16xi32>, vector<16xi32>], vector<16xf32>,
        %mul3A_649 = arith.mulf %gather3A_646, %gather3A_647 : vector<16xf32>
        %mul3A_650 = arith.mulf %mul3A_649, %gather3A_648 : vector<16xf32>
        %add3A_651 = arith.addf %add3A_637, %mul3A_650 : vector<16xf32>
        %add3A_652 = arith.constant 1 : i32
        %add3A_653 = vector.broadcast %add3A_652 : i32 to vector<16xi32>
        %add3A_654 = arith.addi %and3A_643, %add3A_653 : vector<16xi32>
        %and3A_655 = arith.constant 127 : i32
        %and3A_656 = vector.broadcast %and3A_655 : i32 to vector<16xi32>
        %and3A_657 = arith.andi %add3A_654, %and3A_656 : vector<16xi32>
        %scan3A_658 = arith.constant 3 : i32
        %scan3A_659 = arith.addi %scan3A_617, %scan3A_658 : i32
        %gather3A_660 = tpu.vector_load_idx %arg9[%broadcast_in_dim3A_140, %add3A_603, %and3A_657] : memref<3x64x128xf32, #tpu.memory_space<vmem>>[vector<16xi32>, vector<16xi32>, vector<16xi32>], vector<16xf32>,
        %gather3A_661 = tpu.vector_load_idx %arg11[%broadcast_in_dim3A_140, %add3A_603, %and3A_657] : memref<3x64x128xf32, #tpu.memory_space<vmem>>[vector<16xi32>, vector<16xi32>, vector<16xi32>], vector<16xf32>,
        %gather3A_662 = tpu.vector_load_idx %arg10[%broadcast_in_dim3A_140, %add3A_603, %and3A_657] : memref<3x64x128xf32, #tpu.memory_space<vmem>>[vector<16xi32>, vector<16xi32>, vector<16xi32>], vector<16xf32>,
        %mul3A_663 = arith.mulf %gather3A_660, %gather3A_661 : vector<16xf32>
        %mul3A_664 = arith.mulf %mul3A_663, %gather3A_662 : vector<16xf32>
        %add3A_665 = arith.addf %add3A_651, %mul3A_664 : vector<16xf32>
        %add3A_666 = arith.constant 1 : i32
        %add3A_667 = vector.broadcast %add3A_666 : i32 to vector<16xi32>
        %add3A_668 = arith.addi %and3A_657, %add3A_667 : vector<16xi32>
        %and3A_669 = arith.constant 127 : i32
        %and3A_670 = vector.broadcast %and3A_669 : i32 to vector<16xi32>
        %and3A_671 = arith.andi %add3A_668, %and3A_670 : vector<16xi32>
        %scan3A_672 = arith.constant 4 : i32
        %scan3A_673 = arith.addi %scan3A_617, %scan3A_672 : i32
        %gather3A_674 = tpu.vector_load_idx %arg9[%broadcast_in_dim3A_140, %add3A_603, %and3A_671] : memref<3x64x128xf32, #tpu.memory_space<vmem>>[vector<16xi32>, vector<16xi32>, vector<16xi32>], vector<16xf32>,
        %gather3A_675 = tpu.vector_load_idx %arg11[%broadcast_in_dim3A_140, %add3A_603, %and3A_671] : memref<3x64x128xf32, #tpu.memory_space<vmem>>[vector<16xi32>, vector<16xi32>, vector<16xi32>], vector<16xf32>,
        %gather3A_676 = tpu.vector_load_idx %arg10[%broadcast_in_dim3A_140, %add3A_603, %and3A_671] : memref<3x64x128xf32, #tpu.memory_space<vmem>>[vector<16xi32>, vector<16xi32>, vector<16xi32>], vector<16xf32>,
        %mul3A_677 = arith.mulf %gather3A_674, %gather3A_675 : vector<16xf32>
        %mul3A_678 = arith.mulf %mul3A_677, %gather3A_676 : vector<16xf32>
        %add3A_679 = arith.addf %add3A_665, %mul3A_678 : vector<16xf32>
        %add3A_680 = arith.constant 1 : i32
        %add3A_681 = vector.broadcast %add3A_680 : i32 to vector<16xi32>
        %add3A_682 = arith.addi %and3A_671, %add3A_681 : vector<16xi32>
        %and3A_683 = arith.constant 127 : i32
        %and3A_684 = vector.broadcast %and3A_683 : i32 to vector<16xi32>
        %and3A_685 = arith.andi %add3A_682, %and3A_684 : vector<16xi32>
        %scan3A_686 = arith.constant 5 : i32
        %scan3A_687 = arith.addi %scan3A_617, %scan3A_686 : i32
        %gather3A_688 = tpu.vector_load_idx %arg9[%broadcast_in_dim3A_140, %add3A_603, %and3A_685] : memref<3x64x128xf32, #tpu.memory_space<vmem>>[vector<16xi32>, vector<16xi32>, vector<16xi32>], vector<16xf32>,
        %gather3A_689 = tpu.vector_load_idx %arg11[%broadcast_in_dim3A_140, %add3A_603, %and3A_685] : memref<3x64x128xf32, #tpu.memory_space<vmem>>[vector<16xi32>, vector<16xi32>, vector<16xi32>], vector<16xf32>,
        %gather3A_690 = tpu.vector_load_idx %arg10[%broadcast_in_dim3A_140, %add3A_603, %and3A_685] : memref<3x64x128xf32, #tpu.memory_space<vmem>>[vector<16xi32>, vector<16xi32>, vector<16xi32>], vector<16xf32>,
        %mul3A_691 = arith.mulf %gather3A_688, %gather3A_689 : vector<16xf32>
        %mul3A_692 = arith.mulf %mul3A_691, %gather3A_690 : vector<16xf32>
        %add3A_693 = arith.addf %add3A_679, %mul3A_692 : vector<16xf32>
        %add3A_694 = arith.constant 1 : i32
        %add3A_695 = vector.broadcast %add3A_694 : i32 to vector<16xi32>
        %add3A_696 = arith.addi %and3A_685, %add3A_695 : vector<16xi32>
        %and3A_697 = arith.constant 127 : i32
        %and3A_698 = vector.broadcast %and3A_697 : i32 to vector<16xi32>
        %and3A_699 = arith.andi %add3A_696, %and3A_698 : vector<16xi32>
        %scan3A_700 = arith.constant 6 : i32
        %scan3A_701 = arith.addi %scan3A_617, %scan3A_700 : i32
        %gather3A_702 = tpu.vector_load_idx %arg9[%broadcast_in_dim3A_140, %add3A_603, %and3A_699] : memref<3x64x128xf32, #tpu.memory_space<vmem>>[vector<16xi32>, vector<16xi32>, vector<16xi32>], vector<16xf32>,
        %gather3A_703 = tpu.vector_load_idx %arg11[%broadcast_in_dim3A_140, %add3A_603, %and3A_699] : memref<3x64x128xf32, #tpu.memory_space<vmem>>[vector<16xi32>, vector<16xi32>, vector<16xi32>], vector<16xf32>,
        %gather3A_704 = tpu.vector_load_idx %arg10[%broadcast_in_dim3A_140, %add3A_603, %and3A_699] : memref<3x64x128xf32, #tpu.memory_space<vmem>>[vector<16xi32>, vector<16xi32>, vector<16xi32>], vector<16xf32>,
        %mul3A_705 = arith.mulf %gather3A_702, %gather3A_703 : vector<16xf32>
        %mul3A_706 = arith.mulf %mul3A_705, %gather3A_704 : vector<16xf32>
        %add3A_707 = arith.addf %add3A_693, %mul3A_706 : vector<16xf32>
        %add3A_708 = arith.constant 1 : i32
        %add3A_709 = vector.broadcast %add3A_708 : i32 to vector<16xi32>
        %add3A_710 = arith.addi %and3A_699, %add3A_709 : vector<16xi32>
        %and3A_711 = arith.constant 127 : i32
        %and3A_712 = vector.broadcast %and3A_711 : i32 to vector<16xi32>
        %and3A_713 = arith.andi %add3A_710, %and3A_712 : vector<16xi32>
        %scan3A_714 = arith.constant 7 : i32
        %scan3A_715 = arith.addi %scan3A_617, %scan3A_714 : i32
        %gather3A_716 = tpu.vector_load_idx %arg9[%broadcast_in_dim3A_140, %add3A_603, %and3A_713] : memref<3x64x128xf32, #tpu.memory_space<vmem>>[vector<16xi32>, vector<16xi32>, vector<16xi32>], vector<16xf32>,
        %gather3A_717 = tpu.vector_load_idx %arg11[%broadcast_in_dim3A_140, %add3A_603, %and3A_713] : memref<3x64x128xf32, #tpu.memory_space<vmem>>[vector<16xi32>, vector<16xi32>, vector<16xi32>], vector<16xf32>,
        %gather3A_718 = tpu.vector_load_idx %arg10[%broadcast_in_dim3A_140, %add3A_603, %and3A_713] : memref<3x64x128xf32, #tpu.memory_space<vmem>>[vector<16xi32>, vector<16xi32>, vector<16xi32>], vector<16xf32>,
        %mul3A_719 = arith.mulf %gather3A_716, %gather3A_717 : vector<16xf32>
        %mul3A_720 = arith.mulf %mul3A_719, %gather3A_718 : vector<16xf32>
        %add3A_721 = arith.addf %add3A_707, %mul3A_720 : vector<16xf32>
        %add3A_722 = arith.constant 1 : i32
        %add3A_723 = vector.broadcast %add3A_722 : i32 to vector<16xi32>
        %add3A_724 = arith.addi %and3A_713, %add3A_723 : vector<16xi32>
        %and3A_725 = arith.constant 127 : i32
        %and3A_726 = vector.broadcast %and3A_725 : i32 to vector<16xi32>
        %and3A_727 = arith.andi %add3A_724, %and3A_726 : vector<16xi32>
        scf.yield %add3A_721, %and3A_727 : vector<16xf32>, vector<16xi32>
      }
      %scan3A_611 = arith.constant 128 : i32
      %mul3A_612 = arith.constant 16 : i32
      %mul3A_613 = arith.muli %scan3A_599, %mul3A_612 : i32
      %add3A_614 = arith.constant 0 : i32
      %add3A_615 = arith.addi %add3A_614, %mul3A_613 : i32
      %swap3A = arith.index_cast %add3A_615 : i32 to index
      %swap3A_616 = tpu.vector_load %arg8[%swap3A] {strides = array<i32>} : memref<384xf32, #tpu.memory_space<vmem>>, vector<16xf32>,
      tpu.vector_store %arg8[%swap3A], %scan3A_610#0 {strides = array<i32>} : memref<384xf32, #tpu.memory_space<vmem>>, vector<16xf32>,
    }
    %scan3A_145 = arith.constant 4 : i32
    %add3A_146 = arith.constant 128 : i32
    %add3A_147 = arith.addi %mul3A_2, %add3A_146 : i32
    %dma_start3A_148 = arith.constant 2 : i32
    %dma_start3A_149 = arith.constant 2 : i32
    %dma_start3A_150 = arith.constant 0 : i32
    %dma_start3A_151 = arith.constant 0 : i32
    %dma_start3A_152 = tpu.memref_slice %arg11[%dma_start3A_148, %dma_start3A_150, %dma_start3A_151] : memref<3x64x128xf32, #tpu.memory_space<vmem>> -> memref<1x64x128xf32, #tpu.memory_space<vmem>>
    %dma_start3A_153 = tpu.memref_squeeze %dma_start3A_152 : memref<1x64x128xf32, #tpu.memory_space<vmem>> -> memref<64x128xf32, #tpu.memory_space<vmem>>
    %dma_start3A_154 = arith.constant 128 : i32
    %dma_start3A_155 = tpu.memref_slice %arg7[%dma_start3A_154] : memref<384xi32, #tpu.memory_space<vmem>> -> memref<64xi32, #tpu.memory_space<vmem>>
    %dma_start3A_156 = arith.constant 0 : i32
    %dma_start3A_157 = arith.constant 0 : i32
    %dma_start3A_158 = tpu.memref_slice %arg5[%dma_start3A_156, %dma_start3A_157] : memref<1000x128xf32, #tpu.memory_space<hbm>> -> memref<1000x128xf32, #tpu.memory_space<hbm>>
    %dma_start3A_159 = tpu.memref_slice %arg12[%dma_start3A_149] : memref<3x!tpu.dma_semaphore, #tpu.memory_space<semaphore_mem>> -> memref<1x!tpu.dma_semaphore, #tpu.memory_space<semaphore_mem>>
    %dma_start3A_160 = tpu.memref_squeeze %dma_start3A_159 : memref<1x!tpu.dma_semaphore, #tpu.memory_space<semaphore_mem>> -> memref<!tpu.dma_semaphore, #tpu.memory_space<semaphore_mem>>
    tpu.enqueue_indirect_dma source(%dma_start3A_158 : memref<1000x128xf32, #tpu.memory_space<hbm>>) target(%dma_start3A_153 : memref<64x128xf32, #tpu.memory_space<vmem>>) offsets(%dma_start3A_155 : memref<64xi32, #tpu.memory_space<vmem>>) semaphore(%dma_start3A_160 : memref<!tpu.dma_semaphore, #tpu.memory_space<semaphore_mem>>)
    %dma_start3A_161 = arith.constant 2 : i32
    %dma_start3A_162 = arith.constant 2 : i32
    %dma_start3A_163 = arith.constant 0 : i32
    %dma_start3A_164 = arith.constant 0 : i32
    %dma_start3A_165 = tpu.memref_slice %arg9[%dma_start3A_161, %dma_start3A_163, %dma_start3A_164] : memref<3x64x128xf32, #tpu.memory_space<vmem>> -> memref<1x64x128xf32, #tpu.memory_space<vmem>>
    %dma_start3A_166 = tpu.memref_squeeze %dma_start3A_165 : memref<1x64x128xf32, #tpu.memory_space<vmem>> -> memref<64x128xf32, #tpu.memory_space<vmem>>
    %dma_start3A_167 = arith.constant 0 : i32
    %dma_start3A_168 = tpu.memref_slice %arg2[%add3A_147, %dma_start3A_167] : memref<16384x128xf32, #tpu.memory_space<hbm>> -> memref<64x128xf32, #tpu.memory_space<hbm>>
    %dma_start3A_169 = tpu.memref_slice %arg12[%dma_start3A_162] : memref<3x!tpu.dma_semaphore, #tpu.memory_space<semaphore_mem>> -> memref<1x!tpu.dma_semaphore, #tpu.memory_space<semaphore_mem>>
    %dma_start3A_170 = tpu.memref_squeeze %dma_start3A_169 : memref<1x!tpu.dma_semaphore, #tpu.memory_space<semaphore_mem>> -> memref<!tpu.dma_semaphore, #tpu.memory_space<semaphore_mem>>
    %dma_start3A_171 = arith.constant 0 : i32
    %dma_start3A_172 = arith.constant 0 : i32
    %dma_start3A_173 = tpu.memref_slice %arg9[%dma_start3A_161, %dma_start3A_171, %dma_start3A_172] : memref<3x64x128xf32, #tpu.memory_space<vmem>> -> memref<1x64x128xf32, #tpu.memory_space<vmem>>
    %dma_start3A_174 = tpu.memref_squeeze %dma_start3A_173 : memref<1x64x128xf32, #tpu.memory_space<vmem>> -> memref<64x128xf32, #tpu.memory_space<vmem>>
    %dma_start3A_175 = arith.constant 0 : i32
    %dma_start3A_176 = tpu.memref_slice %arg2[%add3A_147, %dma_start3A_175] : memref<16384x128xf32, #tpu.memory_space<hbm>> -> memref<64x128xf32, #tpu.memory_space<hbm>>
    tpu.enqueue_dma source(%dma_start3A_176 : memref<64x128xf32, #tpu.memory_space<hbm>>) target(%dma_start3A_174 : memref<64x128xf32, #tpu.memory_space<vmem>>) target_semaphore(%dma_start3A_170 : memref<!tpu.dma_semaphore, #tpu.memory_space<semaphore_mem>>)
    %dma_start3A_177 = arith.constant 2 : i32
    %dma_start3A_178 = arith.constant 2 : i32
    %dma_start3A_179 = arith.constant 0 : i32
    %dma_start3A_180 = arith.constant 0 : i32
    %dma_start3A_181 = tpu.memref_slice %arg10[%dma_start3A_177, %dma_start3A_179, %dma_start3A_180] : memref<3x64x128xf32, #tpu.memory_space<vmem>> -> memref<1x64x128xf32, #tpu.memory_space<vmem>>
    %dma_start3A_182 = tpu.memref_squeeze %dma_start3A_181 : memref<1x64x128xf32, #tpu.memory_space<vmem>> -> memref<64x128xf32, #tpu.memory_space<vmem>>
    %dma_start3A_183 = arith.constant 0 : i32
    %dma_start3A_184 = tpu.memref_slice %arg4[%add3A_147, %dma_start3A_183] : memref<16384x128xf32, #tpu.memory_space<hbm>> -> memref<64x128xf32, #tpu.memory_space<hbm>>
    %dma_start3A_185 = tpu.memref_slice %arg12[%dma_start3A_178] : memref<3x!tpu.dma_semaphore, #tpu.memory_space<semaphore_mem>> -> memref<1x!tpu.dma_semaphore, #tpu.memory_space<semaphore_mem>>
    %dma_start3A_186 = tpu.memref_squeeze %dma_start3A_185 : memref<1x!tpu.dma_semaphore, #tpu.memory_space<semaphore_mem>> -> memref<!tpu.dma_semaphore, #tpu.memory_space<semaphore_mem>>
    %dma_start3A_187 = arith.constant 0 : i32
    %dma_start3A_188 = arith.constant 0 : i32
    %dma_start3A_189 = tpu.memref_slice %arg10[%dma_start3A_177, %dma_start3A_187, %dma_start3A_188] : memref<3x64x128xf32, #tpu.memory_space<vmem>> -> memref<1x64x128xf32, #tpu.memory_space<vmem>>
    %dma_start3A_190 = tpu.memref_squeeze %dma_start3A_189 : memref<1x64x128xf32, #tpu.memory_space<vmem>> -> memref<64x128xf32, #tpu.memory_space<vmem>>
    %dma_start3A_191 = arith.constant 0 : i32
    %dma_start3A_192 = tpu.memref_slice %arg4[%add3A_147, %dma_start3A_191] : memref<16384x128xf32, #tpu.memory_space<hbm>> -> memref<64x128xf32, #tpu.memory_space<hbm>>
    tpu.enqueue_dma source(%dma_start3A_192 : memref<64x128xf32, #tpu.memory_space<hbm>>) target(%dma_start3A_190 : memref<64x128xf32, #tpu.memory_space<vmem>>) target_semaphore(%dma_start3A_186 : memref<!tpu.dma_semaphore, #tpu.memory_space<semaphore_mem>>)
    %dma_wait3A_193 = arith.constant 1 : i32
    %dma_wait3A_194 = arith.constant 1 : i32
    %dma_wait3A_195 = arith.constant 0 : i32
    %dma_wait3A_196 = arith.constant 0 : i32
    %dma_wait3A_197 = tpu.memref_slice %arg11[%dma_wait3A_193, %dma_wait3A_195, %dma_wait3A_196] : memref<3x64x128xf32, #tpu.memory_space<vmem>> -> memref<1x64x128xf32, #tpu.memory_space<vmem>>
    %dma_wait3A_198 = tpu.memref_squeeze %dma_wait3A_197 : memref<1x64x128xf32, #tpu.memory_space<vmem>> -> memref<64x128xf32, #tpu.memory_space<vmem>>
    %dma_wait3A_199 = arith.constant 64 : i32
    %dma_wait3A_200 = tpu.memref_slice %arg7[%dma_wait3A_199] : memref<384xi32, #tpu.memory_space<vmem>> -> memref<64xi32, #tpu.memory_space<vmem>>
    %dma_wait3A_201 = arith.constant 0 : i32
    %dma_wait3A_202 = arith.constant 0 : i32
    %dma_wait3A_203 = tpu.memref_slice %arg5[%dma_wait3A_201, %dma_wait3A_202] : memref<1000x128xf32, #tpu.memory_space<hbm>> -> memref<1000x128xf32, #tpu.memory_space<hbm>>
    %dma_wait3A_204 = tpu.memref_slice %arg12[%dma_wait3A_194] : memref<3x!tpu.dma_semaphore, #tpu.memory_space<semaphore_mem>> -> memref<1x!tpu.dma_semaphore, #tpu.memory_space<semaphore_mem>>
    %dma_wait3A_205 = tpu.memref_squeeze %dma_wait3A_204 : memref<1x!tpu.dma_semaphore, #tpu.memory_space<semaphore_mem>> -> memref<!tpu.dma_semaphore, #tpu.memory_space<semaphore_mem>>
    tpu.wait_indirect_dma semaphore(%dma_wait3A_205 : memref<!tpu.dma_semaphore, #tpu.memory_space<semaphore_mem>>) src(%dma_wait3A_203 : memref<1000x128xf32, #tpu.memory_space<hbm>>) dst(%dma_wait3A_198 : memref<64x128xf32, #tpu.memory_space<vmem>>)
    %dma_wait3A_206 = arith.constant 1 : i32
    %dma_wait3A_207 = arith.constant 1 : i32
    %dma_wait3A_208 = arith.constant 0 : i32
    %dma_wait3A_209 = arith.constant 0 : i32
    %dma_wait3A_210 = tpu.memref_slice %arg9[%dma_wait3A_206, %dma_wait3A_208, %dma_wait3A_209] : memref<3x64x128xf32, #tpu.memory_space<vmem>> -> memref<1x64x128xf32, #tpu.memory_space<vmem>>
    %dma_wait3A_211 = tpu.memref_squeeze %dma_wait3A_210 : memref<1x64x128xf32, #tpu.memory_space<vmem>> -> memref<64x128xf32, #tpu.memory_space<vmem>>
    %dma_wait3A_212 = arith.constant 0 : i32
    %dma_wait3A_213 = tpu.memref_slice %arg2[%add3A_50, %dma_wait3A_212] : memref<16384x128xf32, #tpu.memory_space<hbm>> -> memref<64x128xf32, #tpu.memory_space<hbm>>
    %dma_wait3A_214 = tpu.memref_slice %arg12[%dma_wait3A_207] : memref<3x!tpu.dma_semaphore, #tpu.memory_space<semaphore_mem>> -> memref<1x!tpu.dma_semaphore, #tpu.memory_space<semaphore_mem>>
    %dma_wait3A_215 = tpu.memref_squeeze %dma_wait3A_214 : memref<1x!tpu.dma_semaphore, #tpu.memory_space<semaphore_mem>> -> memref<!tpu.dma_semaphore, #tpu.memory_space<semaphore_mem>>
    %dma_wait3A_216 = arith.constant 0 : i32
    %dma_wait3A_217 = arith.constant 0 : i32
    %dma_wait3A_218 = tpu.memref_slice %arg9[%dma_wait3A_206, %dma_wait3A_216, %dma_wait3A_217] : memref<3x64x128xf32, #tpu.memory_space<vmem>> -> memref<1x64x128xf32, #tpu.memory_space<vmem>>
    %dma_wait3A_219 = tpu.memref_squeeze %dma_wait3A_218 : memref<1x64x128xf32, #tpu.memory_space<vmem>> -> memref<64x128xf32, #tpu.memory_space<vmem>>
    %dma_wait3A_220 = arith.constant 0 : i32
    %dma_wait3A_221 = tpu.memref_slice %arg2[%add3A_50, %dma_wait3A_220] : memref<16384x128xf32, #tpu.memory_space<hbm>> -> memref<64x128xf32, #tpu.memory_space<hbm>>
    tpu.wait_dma2 semaphore(%dma_wait3A_215 : memref<!tpu.dma_semaphore, #tpu.memory_space<semaphore_mem>>) src(%dma_wait3A_221 : memref<64x128xf32, #tpu.memory_space<hbm>>) dst(%dma_wait3A_219 : memref<64x128xf32, #tpu.memory_space<vmem>>)
    %dma_wait3A_222 = arith.constant 1 : i32
    %dma_wait3A_223 = arith.constant 1 : i32
    %dma_wait3A_224 = arith.constant 0 : i32
    %dma_wait3A_225 = arith.constant 0 : i32
    %dma_wait3A_226 = tpu.memref_slice %arg10[%dma_wait3A_222, %dma_wait3A_224, %dma_wait3A_225] : memref<3x64x128xf32, #tpu.memory_space<vmem>> -> memref<1x64x128xf32, #tpu.memory_space<vmem>>
    %dma_wait3A_227 = tpu.memref_squeeze %dma_wait3A_226 : memref<1x64x128xf32, #tpu.memory_space<vmem>> -> memref<64x128xf32, #tpu.memory_space<vmem>>
    %dma_wait3A_228 = arith.constant 0 : i32
    %dma_wait3A_229 = tpu.memref_slice %arg4[%add3A_50, %dma_wait3A_228] : memref<16384x128xf32, #tpu.memory_space<hbm>> -> memref<64x128xf32, #tpu.memory_space<hbm>>
    %dma_wait3A_230 = tpu.memref_slice %arg12[%dma_wait3A_223] : memref<3x!tpu.dma_semaphore, #tpu.memory_space<semaphore_mem>> -> memref<1x!tpu.dma_semaphore, #tpu.memory_space<semaphore_mem>>
    %dma_wait3A_231 = tpu.memref_squeeze %dma_wait3A_230 : memref<1x!tpu.dma_semaphore, #tpu.memory_space<semaphore_mem>> -> memref<!tpu.dma_semaphore, #tpu.memory_space<semaphore_mem>>
    %dma_wait3A_232 = arith.constant 0 : i32
    %dma_wait3A_233 = arith.constant 0 : i32
    %dma_wait3A_234 = tpu.memref_slice %arg10[%dma_wait3A_222, %dma_wait3A_232, %dma_wait3A_233] : memref<3x64x128xf32, #tpu.memory_space<vmem>> -> memref<1x64x128xf32, #tpu.memory_space<vmem>>
    %dma_wait3A_235 = tpu.memref_squeeze %dma_wait3A_234 : memref<1x64x128xf32, #tpu.memory_space<vmem>> -> memref<64x128xf32, #tpu.memory_space<vmem>>
    %dma_wait3A_236 = arith.constant 0 : i32
    %dma_wait3A_237 = tpu.memref_slice %arg4[%add3A_50, %dma_wait3A_236] : memref<16384x128xf32, #tpu.memory_space<hbm>> -> memref<64x128xf32, #tpu.memory_space<hbm>>
    tpu.wait_dma2 semaphore(%dma_wait3A_231 : memref<!tpu.dma_semaphore, #tpu.memory_space<semaphore_mem>>) src(%dma_wait3A_237 : memref<64x128xf32, #tpu.memory_space<hbm>>) dst(%dma_wait3A_235 : memref<64x128xf32, #tpu.memory_space<vmem>>)
    %broadcast_in_dim3A_238 = arith.constant 1 : i32
    %broadcast_in_dim3A_239 = vector.broadcast %broadcast_in_dim3A_238 : i32 to vector<16xi32>
    %scan3A_240 = arith.constant 0 : i32
    %scan3A_241 = arith.constant 0 : i32
    %scan3A_242 = arith.constant 4 : i32
    %scan3A_243 = arith.addi %scan3A_241, %scan3A_242 : i32
    %scan3A_244 = arith.constant 1 : i32
    scf.for %scan3A_599 = %scan3A_241 to %scan3A_243 step %scan3A_244  : i32 {
      %mul3A_600 = arith.constant 16 : i32
      %mul3A_601 = arith.muli %scan3A_599, %mul3A_600 : i32
      %add3A_602 = vector.broadcast %mul3A_601 : i32 to vector<16xi32>
      %add3A_603 = arith.addi %add3A_602, %iota3A : vector<16xi32>
      %broadcast_in_dim3A_604 = arith.constant 0.000000e+00 : f32
      %broadcast_in_dim3A_605 = vector.broadcast %broadcast_in_dim3A_604 : f32 to vector<16xf32>
      %scan3A_606 = arith.constant 0 : i32
      %scan3A_607 = arith.constant 128 : i32
      %scan3A_608 = arith.addi %scan3A_606, %scan3A_607 : i32
      %scan3A_609 = arith.constant 8 : i32
      %scan3A_610:2 = scf.for %scan3A_617 = %scan3A_606 to %scan3A_608 step %scan3A_609 iter_args(%scan3A_618 = %broadcast_in_dim3A_605, %scan3A_619 = %iota3A) -> (vector<16xf32>, vector<16xi32>)  : i32 {
        %gather3A = tpu.vector_load_idx %arg9[%broadcast_in_dim3A_239, %add3A_603, %scan3A_619] : memref<3x64x128xf32, #tpu.memory_space<vmem>>[vector<16xi32>, vector<16xi32>, vector<16xi32>], vector<16xf32>,
        %gather3A_620 = tpu.vector_load_idx %arg11[%broadcast_in_dim3A_239, %add3A_603, %scan3A_619] : memref<3x64x128xf32, #tpu.memory_space<vmem>>[vector<16xi32>, vector<16xi32>, vector<16xi32>], vector<16xf32>,
        %gather3A_621 = tpu.vector_load_idx %arg10[%broadcast_in_dim3A_239, %add3A_603, %scan3A_619] : memref<3x64x128xf32, #tpu.memory_space<vmem>>[vector<16xi32>, vector<16xi32>, vector<16xi32>], vector<16xf32>,
        %mul3A_622 = arith.mulf %gather3A, %gather3A_620 : vector<16xf32>
        %mul3A_623 = arith.mulf %mul3A_622, %gather3A_621 : vector<16xf32>
        %add3A_624 = arith.addf %scan3A_618, %mul3A_623 : vector<16xf32>
        %add3A_625 = arith.constant 1 : i32
        %add3A_626 = vector.broadcast %add3A_625 : i32 to vector<16xi32>
        %add3A_627 = arith.addi %scan3A_619, %add3A_626 : vector<16xi32>
        %and3A = arith.constant 127 : i32
        %and3A_628 = vector.broadcast %and3A : i32 to vector<16xi32>
        %and3A_629 = arith.andi %add3A_627, %and3A_628 : vector<16xi32>
        %scan3A_630 = arith.constant 1 : i32
        %scan3A_631 = arith.addi %scan3A_617, %scan3A_630 : i32
        %gather3A_632 = tpu.vector_load_idx %arg9[%broadcast_in_dim3A_239, %add3A_603, %and3A_629] : memref<3x64x128xf32, #tpu.memory_space<vmem>>[vector<16xi32>, vector<16xi32>, vector<16xi32>], vector<16xf32>,
        %gather3A_633 = tpu.vector_load_idx %arg11[%broadcast_in_dim3A_239, %add3A_603, %and3A_629] : memref<3x64x128xf32, #tpu.memory_space<vmem>>[vector<16xi32>, vector<16xi32>, vector<16xi32>], vector<16xf32>,
        %gather3A_634 = tpu.vector_load_idx %arg10[%broadcast_in_dim3A_239, %add3A_603, %and3A_629] : memref<3x64x128xf32, #tpu.memory_space<vmem>>[vector<16xi32>, vector<16xi32>, vector<16xi32>], vector<16xf32>,
        %mul3A_635 = arith.mulf %gather3A_632, %gather3A_633 : vector<16xf32>
        %mul3A_636 = arith.mulf %mul3A_635, %gather3A_634 : vector<16xf32>
        %add3A_637 = arith.addf %add3A_624, %mul3A_636 : vector<16xf32>
        %add3A_638 = arith.constant 1 : i32
        %add3A_639 = vector.broadcast %add3A_638 : i32 to vector<16xi32>
        %add3A_640 = arith.addi %and3A_629, %add3A_639 : vector<16xi32>
        %and3A_641 = arith.constant 127 : i32
        %and3A_642 = vector.broadcast %and3A_641 : i32 to vector<16xi32>
        %and3A_643 = arith.andi %add3A_640, %and3A_642 : vector<16xi32>
        %scan3A_644 = arith.constant 2 : i32
        %scan3A_645 = arith.addi %scan3A_617, %scan3A_644 : i32
        %gather3A_646 = tpu.vector_load_idx %arg9[%broadcast_in_dim3A_239, %add3A_603, %and3A_643] : memref<3x64x128xf32, #tpu.memory_space<vmem>>[vector<16xi32>, vector<16xi32>, vector<16xi32>], vector<16xf32>,
        %gather3A_647 = tpu.vector_load_idx %arg11[%broadcast_in_dim3A_239, %add3A_603, %and3A_643] : memref<3x64x128xf32, #tpu.memory_space<vmem>>[vector<16xi32>, vector<16xi32>, vector<16xi32>], vector<16xf32>,
        %gather3A_648 = tpu.vector_load_idx %arg10[%broadcast_in_dim3A_239, %add3A_603, %and3A_643] : memref<3x64x128xf32, #tpu.memory_space<vmem>>[vector<16xi32>, vector<16xi32>, vector<16xi32>], vector<16xf32>,
        %mul3A_649 = arith.mulf %gather3A_646, %gather3A_647 : vector<16xf32>
        %mul3A_650 = arith.mulf %mul3A_649, %gather3A_648 : vector<16xf32>
        %add3A_651 = arith.addf %add3A_637, %mul3A_650 : vector<16xf32>
        %add3A_652 = arith.constant 1 : i32
        %add3A_653 = vector.broadcast %add3A_652 : i32 to vector<16xi32>
        %add3A_654 = arith.addi %and3A_643, %add3A_653 : vector<16xi32>
        %and3A_655 = arith.constant 127 : i32
        %and3A_656 = vector.broadcast %and3A_655 : i32 to vector<16xi32>
        %and3A_657 = arith.andi %add3A_654, %and3A_656 : vector<16xi32>
        %scan3A_658 = arith.constant 3 : i32
        %scan3A_659 = arith.addi %scan3A_617, %scan3A_658 : i32
        %gather3A_660 = tpu.vector_load_idx %arg9[%broadcast_in_dim3A_239, %add3A_603, %and3A_657] : memref<3x64x128xf32, #tpu.memory_space<vmem>>[vector<16xi32>, vector<16xi32>, vector<16xi32>], vector<16xf32>,
        %gather3A_661 = tpu.vector_load_idx %arg11[%broadcast_in_dim3A_239, %add3A_603, %and3A_657] : memref<3x64x128xf32, #tpu.memory_space<vmem>>[vector<16xi32>, vector<16xi32>, vector<16xi32>], vector<16xf32>,
        %gather3A_662 = tpu.vector_load_idx %arg10[%broadcast_in_dim3A_239, %add3A_603, %and3A_657] : memref<3x64x128xf32, #tpu.memory_space<vmem>>[vector<16xi32>, vector<16xi32>, vector<16xi32>], vector<16xf32>,
        %mul3A_663 = arith.mulf %gather3A_660, %gather3A_661 : vector<16xf32>
        %mul3A_664 = arith.mulf %mul3A_663, %gather3A_662 : vector<16xf32>
        %add3A_665 = arith.addf %add3A_651, %mul3A_664 : vector<16xf32>
        %add3A_666 = arith.constant 1 : i32
        %add3A_667 = vector.broadcast %add3A_666 : i32 to vector<16xi32>
        %add3A_668 = arith.addi %and3A_657, %add3A_667 : vector<16xi32>
        %and3A_669 = arith.constant 127 : i32
        %and3A_670 = vector.broadcast %and3A_669 : i32 to vector<16xi32>
        %and3A_671 = arith.andi %add3A_668, %and3A_670 : vector<16xi32>
        %scan3A_672 = arith.constant 4 : i32
        %scan3A_673 = arith.addi %scan3A_617, %scan3A_672 : i32
        %gather3A_674 = tpu.vector_load_idx %arg9[%broadcast_in_dim3A_239, %add3A_603, %and3A_671] : memref<3x64x128xf32, #tpu.memory_space<vmem>>[vector<16xi32>, vector<16xi32>, vector<16xi32>], vector<16xf32>,
        %gather3A_675 = tpu.vector_load_idx %arg11[%broadcast_in_dim3A_239, %add3A_603, %and3A_671] : memref<3x64x128xf32, #tpu.memory_space<vmem>>[vector<16xi32>, vector<16xi32>, vector<16xi32>], vector<16xf32>,
        %gather3A_676 = tpu.vector_load_idx %arg10[%broadcast_in_dim3A_239, %add3A_603, %and3A_671] : memref<3x64x128xf32, #tpu.memory_space<vmem>>[vector<16xi32>, vector<16xi32>, vector<16xi32>], vector<16xf32>,
        %mul3A_677 = arith.mulf %gather3A_674, %gather3A_675 : vector<16xf32>
        %mul3A_678 = arith.mulf %mul3A_677, %gather3A_676 : vector<16xf32>
        %add3A_679 = arith.addf %add3A_665, %mul3A_678 : vector<16xf32>
        %add3A_680 = arith.constant 1 : i32
        %add3A_681 = vector.broadcast %add3A_680 : i32 to vector<16xi32>
        %add3A_682 = arith.addi %and3A_671, %add3A_681 : vector<16xi32>
        %and3A_683 = arith.constant 127 : i32
        %and3A_684 = vector.broadcast %and3A_683 : i32 to vector<16xi32>
        %and3A_685 = arith.andi %add3A_682, %and3A_684 : vector<16xi32>
        %scan3A_686 = arith.constant 5 : i32
        %scan3A_687 = arith.addi %scan3A_617, %scan3A_686 : i32
        %gather3A_688 = tpu.vector_load_idx %arg9[%broadcast_in_dim3A_239, %add3A_603, %and3A_685] : memref<3x64x128xf32, #tpu.memory_space<vmem>>[vector<16xi32>, vector<16xi32>, vector<16xi32>], vector<16xf32>,
        %gather3A_689 = tpu.vector_load_idx %arg11[%broadcast_in_dim3A_239, %add3A_603, %and3A_685] : memref<3x64x128xf32, #tpu.memory_space<vmem>>[vector<16xi32>, vector<16xi32>, vector<16xi32>], vector<16xf32>,
        %gather3A_690 = tpu.vector_load_idx %arg10[%broadcast_in_dim3A_239, %add3A_603, %and3A_685] : memref<3x64x128xf32, #tpu.memory_space<vmem>>[vector<16xi32>, vector<16xi32>, vector<16xi32>], vector<16xf32>,
        %mul3A_691 = arith.mulf %gather3A_688, %gather3A_689 : vector<16xf32>
        %mul3A_692 = arith.mulf %mul3A_691, %gather3A_690 : vector<16xf32>
        %add3A_693 = arith.addf %add3A_679, %mul3A_692 : vector<16xf32>
        %add3A_694 = arith.constant 1 : i32
        %add3A_695 = vector.broadcast %add3A_694 : i32 to vector<16xi32>
        %add3A_696 = arith.addi %and3A_685, %add3A_695 : vector<16xi32>
        %and3A_697 = arith.constant 127 : i32
        %and3A_698 = vector.broadcast %and3A_697 : i32 to vector<16xi32>
        %and3A_699 = arith.andi %add3A_696, %and3A_698 : vector<16xi32>
        %scan3A_700 = arith.constant 6 : i32
        %scan3A_701 = arith.addi %scan3A_617, %scan3A_700 : i32
        %gather3A_702 = tpu.vector_load_idx %arg9[%broadcast_in_dim3A_239, %add3A_603, %and3A_699] : memref<3x64x128xf32, #tpu.memory_space<vmem>>[vector<16xi32>, vector<16xi32>, vector<16xi32>], vector<16xf32>,
        %gather3A_703 = tpu.vector_load_idx %arg11[%broadcast_in_dim3A_239, %add3A_603, %and3A_699] : memref<3x64x128xf32, #tpu.memory_space<vmem>>[vector<16xi32>, vector<16xi32>, vector<16xi32>], vector<16xf32>,
        %gather3A_704 = tpu.vector_load_idx %arg10[%broadcast_in_dim3A_239, %add3A_603, %and3A_699] : memref<3x64x128xf32, #tpu.memory_space<vmem>>[vector<16xi32>, vector<16xi32>, vector<16xi32>], vector<16xf32>,
        %mul3A_705 = arith.mulf %gather3A_702, %gather3A_703 : vector<16xf32>
        %mul3A_706 = arith.mulf %mul3A_705, %gather3A_704 : vector<16xf32>
        %add3A_707 = arith.addf %add3A_693, %mul3A_706 : vector<16xf32>
        %add3A_708 = arith.constant 1 : i32
        %add3A_709 = vector.broadcast %add3A_708 : i32 to vector<16xi32>
        %add3A_710 = arith.addi %and3A_699, %add3A_709 : vector<16xi32>
        %and3A_711 = arith.constant 127 : i32
        %and3A_712 = vector.broadcast %and3A_711 : i32 to vector<16xi32>
        %and3A_713 = arith.andi %add3A_710, %and3A_712 : vector<16xi32>
        %scan3A_714 = arith.constant 7 : i32
        %scan3A_715 = arith.addi %scan3A_617, %scan3A_714 : i32
        %gather3A_716 = tpu.vector_load_idx %arg9[%broadcast_in_dim3A_239, %add3A_603, %and3A_713] : memref<3x64x128xf32, #tpu.memory_space<vmem>>[vector<16xi32>, vector<16xi32>, vector<16xi32>], vector<16xf32>,
        %gather3A_717 = tpu.vector_load_idx %arg11[%broadcast_in_dim3A_239, %add3A_603, %and3A_713] : memref<3x64x128xf32, #tpu.memory_space<vmem>>[vector<16xi32>, vector<16xi32>, vector<16xi32>], vector<16xf32>,
        %gather3A_718 = tpu.vector_load_idx %arg10[%broadcast_in_dim3A_239, %add3A_603, %and3A_713] : memref<3x64x128xf32, #tpu.memory_space<vmem>>[vector<16xi32>, vector<16xi32>, vector<16xi32>], vector<16xf32>,
        %mul3A_719 = arith.mulf %gather3A_716, %gather3A_717 : vector<16xf32>
        %mul3A_720 = arith.mulf %mul3A_719, %gather3A_718 : vector<16xf32>
        %add3A_721 = arith.addf %add3A_707, %mul3A_720 : vector<16xf32>
        %add3A_722 = arith.constant 1 : i32
        %add3A_723 = vector.broadcast %add3A_722 : i32 to vector<16xi32>
        %add3A_724 = arith.addi %and3A_713, %add3A_723 : vector<16xi32>
        %and3A_725 = arith.constant 127 : i32
        %and3A_726 = vector.broadcast %and3A_725 : i32 to vector<16xi32>
        %and3A_727 = arith.andi %add3A_724, %and3A_726 : vector<16xi32>
        scf.yield %add3A_721, %and3A_727 : vector<16xf32>, vector<16xi32>
      }
      %scan3A_611 = arith.constant 128 : i32
      %mul3A_612 = arith.constant 16 : i32
      %mul3A_613 = arith.muli %scan3A_599, %mul3A_612 : i32
      %add3A_614 = arith.constant 64 : i32
      %add3A_615 = arith.addi %add3A_614, %mul3A_613 : i32
      %swap3A = arith.index_cast %add3A_615 : i32 to index
      %swap3A_616 = tpu.vector_load %arg8[%swap3A] {strides = array<i32>} : memref<384xf32, #tpu.memory_space<vmem>>, vector<16xf32>,
      tpu.vector_store %arg8[%swap3A], %scan3A_610#0 {strides = array<i32>} : memref<384xf32, #tpu.memory_space<vmem>>, vector<16xf32>,
    }
    %scan3A_245 = arith.constant 4 : i32
    %add3A_246 = arith.constant 192 : i32
    %add3A_247 = arith.addi %mul3A_2, %add3A_246 : i32
    %dma_start3A_248 = arith.constant 0 : i32
    %dma_start3A_249 = arith.constant 0 : i32
    %dma_start3A_250 = arith.constant 0 : i32
    %dma_start3A_251 = arith.constant 0 : i32
    %dma_start3A_252 = tpu.memref_slice %arg11[%dma_start3A_248, %dma_start3A_250, %dma_start3A_251] : memref<3x64x128xf32, #tpu.memory_space<vmem>> -> memref<1x64x128xf32, #tpu.memory_space<vmem>>
    %dma_start3A_253 = tpu.memref_squeeze %dma_start3A_252 : memref<1x64x128xf32, #tpu.memory_space<vmem>> -> memref<64x128xf32, #tpu.memory_space<vmem>>
    %dma_start3A_254 = arith.constant 192 : i32
    %dma_start3A_255 = tpu.memref_slice %arg7[%dma_start3A_254] : memref<384xi32, #tpu.memory_space<vmem>> -> memref<64xi32, #tpu.memory_space<vmem>>
    %dma_start3A_256 = arith.constant 0 : i32
    %dma_start3A_257 = arith.constant 0 : i32
    %dma_start3A_258 = tpu.memref_slice %arg5[%dma_start3A_256, %dma_start3A_257] : memref<1000x128xf32, #tpu.memory_space<hbm>> -> memref<1000x128xf32, #tpu.memory_space<hbm>>
    %dma_start3A_259 = tpu.memref_slice %arg12[%dma_start3A_249] : memref<3x!tpu.dma_semaphore, #tpu.memory_space<semaphore_mem>> -> memref<1x!tpu.dma_semaphore, #tpu.memory_space<semaphore_mem>>
    %dma_start3A_260 = tpu.memref_squeeze %dma_start3A_259 : memref<1x!tpu.dma_semaphore, #tpu.memory_space<semaphore_mem>> -> memref<!tpu.dma_semaphore, #tpu.memory_space<semaphore_mem>>
    tpu.enqueue_indirect_dma source(%dma_start3A_258 : memref<1000x128xf32, #tpu.memory_space<hbm>>) target(%dma_start3A_253 : memref<64x128xf32, #tpu.memory_space<vmem>>) offsets(%dma_start3A_255 : memref<64xi32, #tpu.memory_space<vmem>>) semaphore(%dma_start3A_260 : memref<!tpu.dma_semaphore, #tpu.memory_space<semaphore_mem>>)
    %dma_start3A_261 = arith.constant 0 : i32
    %dma_start3A_262 = arith.constant 0 : i32
    %dma_start3A_263 = arith.constant 0 : i32
    %dma_start3A_264 = arith.constant 0 : i32
    %dma_start3A_265 = tpu.memref_slice %arg9[%dma_start3A_261, %dma_start3A_263, %dma_start3A_264] : memref<3x64x128xf32, #tpu.memory_space<vmem>> -> memref<1x64x128xf32, #tpu.memory_space<vmem>>
    %dma_start3A_266 = tpu.memref_squeeze %dma_start3A_265 : memref<1x64x128xf32, #tpu.memory_space<vmem>> -> memref<64x128xf32, #tpu.memory_space<vmem>>
    %dma_start3A_267 = arith.constant 0 : i32
    %dma_start3A_268 = tpu.memref_slice %arg2[%add3A_247, %dma_start3A_267] : memref<16384x128xf32, #tpu.memory_space<hbm>> -> memref<64x128xf32, #tpu.memory_space<hbm>>
    %dma_start3A_269 = tpu.memref_slice %arg12[%dma_start3A_262] : memref<3x!tpu.dma_semaphore, #tpu.memory_space<semaphore_mem>> -> memref<1x!tpu.dma_semaphore, #tpu.memory_space<semaphore_mem>>
    %dma_start3A_270 = tpu.memref_squeeze %dma_start3A_269 : memref<1x!tpu.dma_semaphore, #tpu.memory_space<semaphore_mem>> -> memref<!tpu.dma_semaphore, #tpu.memory_space<semaphore_mem>>
    %dma_start3A_271 = arith.constant 0 : i32
    %dma_start3A_272 = arith.constant 0 : i32
    %dma_start3A_273 = tpu.memref_slice %arg9[%dma_start3A_261, %dma_start3A_271, %dma_start3A_272] : memref<3x64x128xf32, #tpu.memory_space<vmem>> -> memref<1x64x128xf32, #tpu.memory_space<vmem>>
    %dma_start3A_274 = tpu.memref_squeeze %dma_start3A_273 : memref<1x64x128xf32, #tpu.memory_space<vmem>> -> memref<64x128xf32, #tpu.memory_space<vmem>>
    %dma_start3A_275 = arith.constant 0 : i32
    %dma_start3A_276 = tpu.memref_slice %arg2[%add3A_247, %dma_start3A_275] : memref<16384x128xf32, #tpu.memory_space<hbm>> -> memref<64x128xf32, #tpu.memory_space<hbm>>
    tpu.enqueue_dma source(%dma_start3A_276 : memref<64x128xf32, #tpu.memory_space<hbm>>) target(%dma_start3A_274 : memref<64x128xf32, #tpu.memory_space<vmem>>) target_semaphore(%dma_start3A_270 : memref<!tpu.dma_semaphore, #tpu.memory_space<semaphore_mem>>)
    %dma_start3A_277 = arith.constant 0 : i32
    %dma_start3A_278 = arith.constant 0 : i32
    %dma_start3A_279 = arith.constant 0 : i32
    %dma_start3A_280 = arith.constant 0 : i32
    %dma_start3A_281 = tpu.memref_slice %arg10[%dma_start3A_277, %dma_start3A_279, %dma_start3A_280] : memref<3x64x128xf32, #tpu.memory_space<vmem>> -> memref<1x64x128xf32, #tpu.memory_space<vmem>>
    %dma_start3A_282 = tpu.memref_squeeze %dma_start3A_281 : memref<1x64x128xf32, #tpu.memory_space<vmem>> -> memref<64x128xf32, #tpu.memory_space<vmem>>
    %dma_start3A_283 = arith.constant 0 : i32
    %dma_start3A_284 = tpu.memref_slice %arg4[%add3A_247, %dma_start3A_283] : memref<16384x128xf32, #tpu.memory_space<hbm>> -> memref<64x128xf32, #tpu.memory_space<hbm>>
    %dma_start3A_285 = tpu.memref_slice %arg12[%dma_start3A_278] : memref<3x!tpu.dma_semaphore, #tpu.memory_space<semaphore_mem>> -> memref<1x!tpu.dma_semaphore, #tpu.memory_space<semaphore_mem>>
    %dma_start3A_286 = tpu.memref_squeeze %dma_start3A_285 : memref<1x!tpu.dma_semaphore, #tpu.memory_space<semaphore_mem>> -> memref<!tpu.dma_semaphore, #tpu.memory_space<semaphore_mem>>
    %dma_start3A_287 = arith.constant 0 : i32
    %dma_start3A_288 = arith.constant 0 : i32
    %dma_start3A_289 = tpu.memref_slice %arg10[%dma_start3A_277, %dma_start3A_287, %dma_start3A_288] : memref<3x64x128xf32, #tpu.memory_space<vmem>> -> memref<1x64x128xf32, #tpu.memory_space<vmem>>
    %dma_start3A_290 = tpu.memref_squeeze %dma_start3A_289 : memref<1x64x128xf32, #tpu.memory_space<vmem>> -> memref<64x128xf32, #tpu.memory_space<vmem>>
    %dma_start3A_291 = arith.constant 0 : i32
    %dma_start3A_292 = tpu.memref_slice %arg4[%add3A_247, %dma_start3A_291] : memref<16384x128xf32, #tpu.memory_space<hbm>> -> memref<64x128xf32, #tpu.memory_space<hbm>>
    tpu.enqueue_dma source(%dma_start3A_292 : memref<64x128xf32, #tpu.memory_space<hbm>>) target(%dma_start3A_290 : memref<64x128xf32, #tpu.memory_space<vmem>>) target_semaphore(%dma_start3A_286 : memref<!tpu.dma_semaphore, #tpu.memory_space<semaphore_mem>>)
    %dma_wait3A_293 = arith.constant 2 : i32
    %dma_wait3A_294 = arith.constant 2 : i32
    %dma_wait3A_295 = arith.constant 0 : i32
    %dma_wait3A_296 = arith.constant 0 : i32
    %dma_wait3A_297 = tpu.memref_slice %arg11[%dma_wait3A_293, %dma_wait3A_295, %dma_wait3A_296] : memref<3x64x128xf32, #tpu.memory_space<vmem>> -> memref<1x64x128xf32, #tpu.memory_space<vmem>>
    %dma_wait3A_298 = tpu.memref_squeeze %dma_wait3A_297 : memref<1x64x128xf32, #tpu.memory_space<vmem>> -> memref<64x128xf32, #tpu.memory_space<vmem>>
    %dma_wait3A_299 = arith.constant 128 : i32
    %dma_wait3A_300 = tpu.memref_slice %arg7[%dma_wait3A_299] : memref<384xi32, #tpu.memory_space<vmem>> -> memref<64xi32, #tpu.memory_space<vmem>>
    %dma_wait3A_301 = arith.constant 0 : i32
    %dma_wait3A_302 = arith.constant 0 : i32
    %dma_wait3A_303 = tpu.memref_slice %arg5[%dma_wait3A_301, %dma_wait3A_302] : memref<1000x128xf32, #tpu.memory_space<hbm>> -> memref<1000x128xf32, #tpu.memory_space<hbm>>
    %dma_wait3A_304 = tpu.memref_slice %arg12[%dma_wait3A_294] : memref<3x!tpu.dma_semaphore, #tpu.memory_space<semaphore_mem>> -> memref<1x!tpu.dma_semaphore, #tpu.memory_space<semaphore_mem>>
    %dma_wait3A_305 = tpu.memref_squeeze %dma_wait3A_304 : memref<1x!tpu.dma_semaphore, #tpu.memory_space<semaphore_mem>> -> memref<!tpu.dma_semaphore, #tpu.memory_space<semaphore_mem>>
    tpu.wait_indirect_dma semaphore(%dma_wait3A_305 : memref<!tpu.dma_semaphore, #tpu.memory_space<semaphore_mem>>) src(%dma_wait3A_303 : memref<1000x128xf32, #tpu.memory_space<hbm>>) dst(%dma_wait3A_298 : memref<64x128xf32, #tpu.memory_space<vmem>>)
    %dma_wait3A_306 = arith.constant 2 : i32
    %dma_wait3A_307 = arith.constant 2 : i32
    %dma_wait3A_308 = arith.constant 0 : i32
    %dma_wait3A_309 = arith.constant 0 : i32
    %dma_wait3A_310 = tpu.memref_slice %arg9[%dma_wait3A_306, %dma_wait3A_308, %dma_wait3A_309] : memref<3x64x128xf32, #tpu.memory_space<vmem>> -> memref<1x64x128xf32, #tpu.memory_space<vmem>>
    %dma_wait3A_311 = tpu.memref_squeeze %dma_wait3A_310 : memref<1x64x128xf32, #tpu.memory_space<vmem>> -> memref<64x128xf32, #tpu.memory_space<vmem>>
    %dma_wait3A_312 = arith.constant 0 : i32
    %dma_wait3A_313 = tpu.memref_slice %arg2[%add3A_147, %dma_wait3A_312] : memref<16384x128xf32, #tpu.memory_space<hbm>> -> memref<64x128xf32, #tpu.memory_space<hbm>>
    %dma_wait3A_314 = tpu.memref_slice %arg12[%dma_wait3A_307] : memref<3x!tpu.dma_semaphore, #tpu.memory_space<semaphore_mem>> -> memref<1x!tpu.dma_semaphore, #tpu.memory_space<semaphore_mem>>
    %dma_wait3A_315 = tpu.memref_squeeze %dma_wait3A_314 : memref<1x!tpu.dma_semaphore, #tpu.memory_space<semaphore_mem>> -> memref<!tpu.dma_semaphore, #tpu.memory_space<semaphore_mem>>
    %dma_wait3A_316 = arith.constant 0 : i32
    %dma_wait3A_317 = arith.constant 0 : i32
    %dma_wait3A_318 = tpu.memref_slice %arg9[%dma_wait3A_306, %dma_wait3A_316, %dma_wait3A_317] : memref<3x64x128xf32, #tpu.memory_space<vmem>> -> memref<1x64x128xf32, #tpu.memory_space<vmem>>
    %dma_wait3A_319 = tpu.memref_squeeze %dma_wait3A_318 : memref<1x64x128xf32, #tpu.memory_space<vmem>> -> memref<64x128xf32, #tpu.memory_space<vmem>>
    %dma_wait3A_320 = arith.constant 0 : i32
    %dma_wait3A_321 = tpu.memref_slice %arg2[%add3A_147, %dma_wait3A_320] : memref<16384x128xf32, #tpu.memory_space<hbm>> -> memref<64x128xf32, #tpu.memory_space<hbm>>
    tpu.wait_dma2 semaphore(%dma_wait3A_315 : memref<!tpu.dma_semaphore, #tpu.memory_space<semaphore_mem>>) src(%dma_wait3A_321 : memref<64x128xf32, #tpu.memory_space<hbm>>) dst(%dma_wait3A_319 : memref<64x128xf32, #tpu.memory_space<vmem>>)
    %dma_wait3A_322 = arith.constant 2 : i32
    %dma_wait3A_323 = arith.constant 2 : i32
    %dma_wait3A_324 = arith.constant 0 : i32
    %dma_wait3A_325 = arith.constant 0 : i32
    %dma_wait3A_326 = tpu.memref_slice %arg10[%dma_wait3A_322, %dma_wait3A_324, %dma_wait3A_325] : memref<3x64x128xf32, #tpu.memory_space<vmem>> -> memref<1x64x128xf32, #tpu.memory_space<vmem>>
    %dma_wait3A_327 = tpu.memref_squeeze %dma_wait3A_326 : memref<1x64x128xf32, #tpu.memory_space<vmem>> -> memref<64x128xf32, #tpu.memory_space<vmem>>
    %dma_wait3A_328 = arith.constant 0 : i32
    %dma_wait3A_329 = tpu.memref_slice %arg4[%add3A_147, %dma_wait3A_328] : memref<16384x128xf32, #tpu.memory_space<hbm>> -> memref<64x128xf32, #tpu.memory_space<hbm>>
    %dma_wait3A_330 = tpu.memref_slice %arg12[%dma_wait3A_323] : memref<3x!tpu.dma_semaphore, #tpu.memory_space<semaphore_mem>> -> memref<1x!tpu.dma_semaphore, #tpu.memory_space<semaphore_mem>>
    %dma_wait3A_331 = tpu.memref_squeeze %dma_wait3A_330 : memref<1x!tpu.dma_semaphore, #tpu.memory_space<semaphore_mem>> -> memref<!tpu.dma_semaphore, #tpu.memory_space<semaphore_mem>>
    %dma_wait3A_332 = arith.constant 0 : i32
    %dma_wait3A_333 = arith.constant 0 : i32
    %dma_wait3A_334 = tpu.memref_slice %arg10[%dma_wait3A_322, %dma_wait3A_332, %dma_wait3A_333] : memref<3x64x128xf32, #tpu.memory_space<vmem>> -> memref<1x64x128xf32, #tpu.memory_space<vmem>>
    %dma_wait3A_335 = tpu.memref_squeeze %dma_wait3A_334 : memref<1x64x128xf32, #tpu.memory_space<vmem>> -> memref<64x128xf32, #tpu.memory_space<vmem>>
    %dma_wait3A_336 = arith.constant 0 : i32
    %dma_wait3A_337 = tpu.memref_slice %arg4[%add3A_147, %dma_wait3A_336] : memref<16384x128xf32, #tpu.memory_space<hbm>> -> memref<64x128xf32, #tpu.memory_space<hbm>>
    tpu.wait_dma2 semaphore(%dma_wait3A_331 : memref<!tpu.dma_semaphore, #tpu.memory_space<semaphore_mem>>) src(%dma_wait3A_337 : memref<64x128xf32, #tpu.memory_space<hbm>>) dst(%dma_wait3A_335 : memref<64x128xf32, #tpu.memory_space<vmem>>)
    %broadcast_in_dim3A_338 = arith.constant 2 : i32
    %broadcast_in_dim3A_339 = vector.broadcast %broadcast_in_dim3A_338 : i32 to vector<16xi32>
    %scan3A_340 = arith.constant 0 : i32
    %scan3A_341 = arith.constant 0 : i32
    %scan3A_342 = arith.constant 4 : i32
    %scan3A_343 = arith.addi %scan3A_341, %scan3A_342 : i32
    %scan3A_344 = arith.constant 1 : i32
    scf.for %scan3A_599 = %scan3A_341 to %scan3A_343 step %scan3A_344  : i32 {
      %mul3A_600 = arith.constant 16 : i32
      %mul3A_601 = arith.muli %scan3A_599, %mul3A_600 : i32
      %add3A_602 = vector.broadcast %mul3A_601 : i32 to vector<16xi32>
      %add3A_603 = arith.addi %add3A_602, %iota3A : vector<16xi32>
      %broadcast_in_dim3A_604 = arith.constant 0.000000e+00 : f32
      %broadcast_in_dim3A_605 = vector.broadcast %broadcast_in_dim3A_604 : f32 to vector<16xf32>
      %scan3A_606 = arith.constant 0 : i32
      %scan3A_607 = arith.constant 128 : i32
      %scan3A_608 = arith.addi %scan3A_606, %scan3A_607 : i32
      %scan3A_609 = arith.constant 8 : i32
      %scan3A_610:2 = scf.for %scan3A_617 = %scan3A_606 to %scan3A_608 step %scan3A_609 iter_args(%scan3A_618 = %broadcast_in_dim3A_605, %scan3A_619 = %iota3A) -> (vector<16xf32>, vector<16xi32>)  : i32 {
        %gather3A = tpu.vector_load_idx %arg9[%broadcast_in_dim3A_339, %add3A_603, %scan3A_619] : memref<3x64x128xf32, #tpu.memory_space<vmem>>[vector<16xi32>, vector<16xi32>, vector<16xi32>], vector<16xf32>,
        %gather3A_620 = tpu.vector_load_idx %arg11[%broadcast_in_dim3A_339, %add3A_603, %scan3A_619] : memref<3x64x128xf32, #tpu.memory_space<vmem>>[vector<16xi32>, vector<16xi32>, vector<16xi32>], vector<16xf32>,
        %gather3A_621 = tpu.vector_load_idx %arg10[%broadcast_in_dim3A_339, %add3A_603, %scan3A_619] : memref<3x64x128xf32, #tpu.memory_space<vmem>>[vector<16xi32>, vector<16xi32>, vector<16xi32>], vector<16xf32>,
        %mul3A_622 = arith.mulf %gather3A, %gather3A_620 : vector<16xf32>
        %mul3A_623 = arith.mulf %mul3A_622, %gather3A_621 : vector<16xf32>
        %add3A_624 = arith.addf %scan3A_618, %mul3A_623 : vector<16xf32>
        %add3A_625 = arith.constant 1 : i32
        %add3A_626 = vector.broadcast %add3A_625 : i32 to vector<16xi32>
        %add3A_627 = arith.addi %scan3A_619, %add3A_626 : vector<16xi32>
        %and3A = arith.constant 127 : i32
        %and3A_628 = vector.broadcast %and3A : i32 to vector<16xi32>
        %and3A_629 = arith.andi %add3A_627, %and3A_628 : vector<16xi32>
        %scan3A_630 = arith.constant 1 : i32
        %scan3A_631 = arith.addi %scan3A_617, %scan3A_630 : i32
        %gather3A_632 = tpu.vector_load_idx %arg9[%broadcast_in_dim3A_339, %add3A_603, %and3A_629] : memref<3x64x128xf32, #tpu.memory_space<vmem>>[vector<16xi32>, vector<16xi32>, vector<16xi32>], vector<16xf32>,
        %gather3A_633 = tpu.vector_load_idx %arg11[%broadcast_in_dim3A_339, %add3A_603, %and3A_629] : memref<3x64x128xf32, #tpu.memory_space<vmem>>[vector<16xi32>, vector<16xi32>, vector<16xi32>], vector<16xf32>,
        %gather3A_634 = tpu.vector_load_idx %arg10[%broadcast_in_dim3A_339, %add3A_603, %and3A_629] : memref<3x64x128xf32, #tpu.memory_space<vmem>>[vector<16xi32>, vector<16xi32>, vector<16xi32>], vector<16xf32>,
        %mul3A_635 = arith.mulf %gather3A_632, %gather3A_633 : vector<16xf32>
        %mul3A_636 = arith.mulf %mul3A_635, %gather3A_634 : vector<16xf32>
        %add3A_637 = arith.addf %add3A_624, %mul3A_636 : vector<16xf32>
        %add3A_638 = arith.constant 1 : i32
        %add3A_639 = vector.broadcast %add3A_638 : i32 to vector<16xi32>
        %add3A_640 = arith.addi %and3A_629, %add3A_639 : vector<16xi32>
        %and3A_641 = arith.constant 127 : i32
        %and3A_642 = vector.broadcast %and3A_641 : i32 to vector<16xi32>
        %and3A_643 = arith.andi %add3A_640, %and3A_642 : vector<16xi32>
        %scan3A_644 = arith.constant 2 : i32
        %scan3A_645 = arith.addi %scan3A_617, %scan3A_644 : i32
        %gather3A_646 = tpu.vector_load_idx %arg9[%broadcast_in_dim3A_339, %add3A_603, %and3A_643] : memref<3x64x128xf32, #tpu.memory_space<vmem>>[vector<16xi32>, vector<16xi32>, vector<16xi32>], vector<16xf32>,
        %gather3A_647 = tpu.vector_load_idx %arg11[%broadcast_in_dim3A_339, %add3A_603, %and3A_643] : memref<3x64x128xf32, #tpu.memory_space<vmem>>[vector<16xi32>, vector<16xi32>, vector<16xi32>], vector<16xf32>,
        %gather3A_648 = tpu.vector_load_idx %arg10[%broadcast_in_dim3A_339, %add3A_603, %and3A_643] : memref<3x64x128xf32, #tpu.memory_space<vmem>>[vector<16xi32>, vector<16xi32>, vector<16xi32>], vector<16xf32>,
        %mul3A_649 = arith.mulf %gather3A_646, %gather3A_647 : vector<16xf32>
        %mul3A_650 = arith.mulf %mul3A_649, %gather3A_648 : vector<16xf32>
        %add3A_651 = arith.addf %add3A_637, %mul3A_650 : vector<16xf32>
        %add3A_652 = arith.constant 1 : i32
        %add3A_653 = vector.broadcast %add3A_652 : i32 to vector<16xi32>
        %add3A_654 = arith.addi %and3A_643, %add3A_653 : vector<16xi32>
        %and3A_655 = arith.constant 127 : i32
        %and3A_656 = vector.broadcast %and3A_655 : i32 to vector<16xi32>
        %and3A_657 = arith.andi %add3A_654, %and3A_656 : vector<16xi32>
        %scan3A_658 = arith.constant 3 : i32
        %scan3A_659 = arith.addi %scan3A_617, %scan3A_658 : i32
        %gather3A_660 = tpu.vector_load_idx %arg9[%broadcast_in_dim3A_339, %add3A_603, %and3A_657] : memref<3x64x128xf32, #tpu.memory_space<vmem>>[vector<16xi32>, vector<16xi32>, vector<16xi32>], vector<16xf32>,
        %gather3A_661 = tpu.vector_load_idx %arg11[%broadcast_in_dim3A_339, %add3A_603, %and3A_657] : memref<3x64x128xf32, #tpu.memory_space<vmem>>[vector<16xi32>, vector<16xi32>, vector<16xi32>], vector<16xf32>,
        %gather3A_662 = tpu.vector_load_idx %arg10[%broadcast_in_dim3A_339, %add3A_603, %and3A_657] : memref<3x64x128xf32, #tpu.memory_space<vmem>>[vector<16xi32>, vector<16xi32>, vector<16xi32>], vector<16xf32>,
        %mul3A_663 = arith.mulf %gather3A_660, %gather3A_661 : vector<16xf32>
        %mul3A_664 = arith.mulf %mul3A_663, %gather3A_662 : vector<16xf32>
        %add3A_665 = arith.addf %add3A_651, %mul3A_664 : vector<16xf32>
        %add3A_666 = arith.constant 1 : i32
        %add3A_667 = vector.broadcast %add3A_666 : i32 to vector<16xi32>
        %add3A_668 = arith.addi %and3A_657, %add3A_667 : vector<16xi32>
        %and3A_669 = arith.constant 127 : i32
        %and3A_670 = vector.broadcast %and3A_669 : i32 to vector<16xi32>
        %and3A_671 = arith.andi %add3A_668, %and3A_670 : vector<16xi32>
        %scan3A_672 = arith.constant 4 : i32
        %scan3A_673 = arith.addi %scan3A_617, %scan3A_672 : i32
        %gather3A_674 = tpu.vector_load_idx %arg9[%broadcast_in_dim3A_339, %add3A_603, %and3A_671] : memref<3x64x128xf32, #tpu.memory_space<vmem>>[vector<16xi32>, vector<16xi32>, vector<16xi32>], vector<16xf32>,
        %gather3A_675 = tpu.vector_load_idx %arg11[%broadcast_in_dim3A_339, %add3A_603, %and3A_671] : memref<3x64x128xf32, #tpu.memory_space<vmem>>[vector<16xi32>, vector<16xi32>, vector<16xi32>], vector<16xf32>,
        %gather3A_676 = tpu.vector_load_idx %arg10[%broadcast_in_dim3A_339, %add3A_603, %and3A_671] : memref<3x64x128xf32, #tpu.memory_space<vmem>>[vector<16xi32>, vector<16xi32>, vector<16xi32>], vector<16xf32>,
        %mul3A_677 = arith.mulf %gather3A_674, %gather3A_675 : vector<16xf32>
        %mul3A_678 = arith.mulf %mul3A_677, %gather3A_676 : vector<16xf32>
        %add3A_679 = arith.addf %add3A_665, %mul3A_678 : vector<16xf32>
        %add3A_680 = arith.constant 1 : i32
        %add3A_681 = vector.broadcast %add3A_680 : i32 to vector<16xi32>
        %add3A_682 = arith.addi %and3A_671, %add3A_681 : vector<16xi32>
        %and3A_683 = arith.constant 127 : i32
        %and3A_684 = vector.broadcast %and3A_683 : i32 to vector<16xi32>
        %and3A_685 = arith.andi %add3A_682, %and3A_684 : vector<16xi32>
        %scan3A_686 = arith.constant 5 : i32
        %scan3A_687 = arith.addi %scan3A_617, %scan3A_686 : i32
        %gather3A_688 = tpu.vector_load_idx %arg9[%broadcast_in_dim3A_339, %add3A_603, %and3A_685] : memref<3x64x128xf32, #tpu.memory_space<vmem>>[vector<16xi32>, vector<16xi32>, vector<16xi32>], vector<16xf32>,
        %gather3A_689 = tpu.vector_load_idx %arg11[%broadcast_in_dim3A_339, %add3A_603, %and3A_685] : memref<3x64x128xf32, #tpu.memory_space<vmem>>[vector<16xi32>, vector<16xi32>, vector<16xi32>], vector<16xf32>,
        %gather3A_690 = tpu.vector_load_idx %arg10[%broadcast_in_dim3A_339, %add3A_603, %and3A_685] : memref<3x64x128xf32, #tpu.memory_space<vmem>>[vector<16xi32>, vector<16xi32>, vector<16xi32>], vector<16xf32>,
        %mul3A_691 = arith.mulf %gather3A_688, %gather3A_689 : vector<16xf32>
        %mul3A_692 = arith.mulf %mul3A_691, %gather3A_690 : vector<16xf32>
        %add3A_693 = arith.addf %add3A_679, %mul3A_692 : vector<16xf32>
        %add3A_694 = arith.constant 1 : i32
        %add3A_695 = vector.broadcast %add3A_694 : i32 to vector<16xi32>
        %add3A_696 = arith.addi %and3A_685, %add3A_695 : vector<16xi32>
        %and3A_697 = arith.constant 127 : i32
        %and3A_698 = vector.broadcast %and3A_697 : i32 to vector<16xi32>
        %and3A_699 = arith.andi %add3A_696, %and3A_698 : vector<16xi32>
        %scan3A_700 = arith.constant 6 : i32
        %scan3A_701 = arith.addi %scan3A_617, %scan3A_700 : i32
        %gather3A_702 = tpu.vector_load_idx %arg9[%broadcast_in_dim3A_339, %add3A_603, %and3A_699] : memref<3x64x128xf32, #tpu.memory_space<vmem>>[vector<16xi32>, vector<16xi32>, vector<16xi32>], vector<16xf32>,
        %gather3A_703 = tpu.vector_load_idx %arg11[%broadcast_in_dim3A_339, %add3A_603, %and3A_699] : memref<3x64x128xf32, #tpu.memory_space<vmem>>[vector<16xi32>, vector<16xi32>, vector<16xi32>], vector<16xf32>,
        %gather3A_704 = tpu.vector_load_idx %arg10[%broadcast_in_dim3A_339, %add3A_603, %and3A_699] : memref<3x64x128xf32, #tpu.memory_space<vmem>>[vector<16xi32>, vector<16xi32>, vector<16xi32>], vector<16xf32>,
        %mul3A_705 = arith.mulf %gather3A_702, %gather3A_703 : vector<16xf32>
        %mul3A_706 = arith.mulf %mul3A_705, %gather3A_704 : vector<16xf32>
        %add3A_707 = arith.addf %add3A_693, %mul3A_706 : vector<16xf32>
        %add3A_708 = arith.constant 1 : i32
        %add3A_709 = vector.broadcast %add3A_708 : i32 to vector<16xi32>
        %add3A_710 = arith.addi %and3A_699, %add3A_709 : vector<16xi32>
        %and3A_711 = arith.constant 127 : i32
        %and3A_712 = vector.broadcast %and3A_711 : i32 to vector<16xi32>
        %and3A_713 = arith.andi %add3A_710, %and3A_712 : vector<16xi32>
        %scan3A_714 = arith.constant 7 : i32
        %scan3A_715 = arith.addi %scan3A_617, %scan3A_714 : i32
        %gather3A_716 = tpu.vector_load_idx %arg9[%broadcast_in_dim3A_339, %add3A_603, %and3A_713] : memref<3x64x128xf32, #tpu.memory_space<vmem>>[vector<16xi32>, vector<16xi32>, vector<16xi32>], vector<16xf32>,
        %gather3A_717 = tpu.vector_load_idx %arg11[%broadcast_in_dim3A_339, %add3A_603, %and3A_713] : memref<3x64x128xf32, #tpu.memory_space<vmem>>[vector<16xi32>, vector<16xi32>, vector<16xi32>], vector<16xf32>,
        %gather3A_718 = tpu.vector_load_idx %arg10[%broadcast_in_dim3A_339, %add3A_603, %and3A_713] : memref<3x64x128xf32, #tpu.memory_space<vmem>>[vector<16xi32>, vector<16xi32>, vector<16xi32>], vector<16xf32>,
        %mul3A_719 = arith.mulf %gather3A_716, %gather3A_717 : vector<16xf32>
        %mul3A_720 = arith.mulf %mul3A_719, %gather3A_718 : vector<16xf32>
        %add3A_721 = arith.addf %add3A_707, %mul3A_720 : vector<16xf32>
        %add3A_722 = arith.constant 1 : i32
        %add3A_723 = vector.broadcast %add3A_722 : i32 to vector<16xi32>
        %add3A_724 = arith.addi %and3A_713, %add3A_723 : vector<16xi32>
        %and3A_725 = arith.constant 127 : i32
        %and3A_726 = vector.broadcast %and3A_725 : i32 to vector<16xi32>
        %and3A_727 = arith.andi %add3A_724, %and3A_726 : vector<16xi32>
        scf.yield %add3A_721, %and3A_727 : vector<16xf32>, vector<16xi32>
      }
      %scan3A_611 = arith.constant 128 : i32
      %mul3A_612 = arith.constant 16 : i32
      %mul3A_613 = arith.muli %scan3A_599, %mul3A_612 : i32
      %add3A_614 = arith.constant 128 : i32
      %add3A_615 = arith.addi %add3A_614, %mul3A_613 : i32
      %swap3A = arith.index_cast %add3A_615 : i32 to index
      %swap3A_616 = tpu.vector_load %arg8[%swap3A] {strides = array<i32>} : memref<384xf32, #tpu.memory_space<vmem>>, vector<16xf32>,
      tpu.vector_store %arg8[%swap3A], %scan3A_610#0 {strides = array<i32>} : memref<384xf32, #tpu.memory_space<vmem>>, vector<16xf32>,
    }
    %scan3A_345 = arith.constant 4 : i32
    %add3A_346 = arith.constant 256 : i32
    %add3A_347 = arith.addi %mul3A_2, %add3A_346 : i32
    %dma_start3A_348 = arith.constant 1 : i32
    %dma_start3A_349 = arith.constant 1 : i32
    %dma_start3A_350 = arith.constant 0 : i32
    %dma_start3A_351 = arith.constant 0 : i32
    %dma_start3A_352 = tpu.memref_slice %arg11[%dma_start3A_348, %dma_start3A_350, %dma_start3A_351] : memref<3x64x128xf32, #tpu.memory_space<vmem>> -> memref<1x64x128xf32, #tpu.memory_space<vmem>>
    %dma_start3A_353 = tpu.memref_squeeze %dma_start3A_352 : memref<1x64x128xf32, #tpu.memory_space<vmem>> -> memref<64x128xf32, #tpu.memory_space<vmem>>
    %dma_start3A_354 = arith.constant 256 : i32
    %dma_start3A_355 = tpu.memref_slice %arg7[%dma_start3A_354] : memref<384xi32, #tpu.memory_space<vmem>> -> memref<64xi32, #tpu.memory_space<vmem>>
    %dma_start3A_356 = arith.constant 0 : i32
    %dma_start3A_357 = arith.constant 0 : i32
    %dma_start3A_358 = tpu.memref_slice %arg5[%dma_start3A_356, %dma_start3A_357] : memref<1000x128xf32, #tpu.memory_space<hbm>> -> memref<1000x128xf32, #tpu.memory_space<hbm>>
    %dma_start3A_359 = tpu.memref_slice %arg12[%dma_start3A_349] : memref<3x!tpu.dma_semaphore, #tpu.memory_space<semaphore_mem>> -> memref<1x!tpu.dma_semaphore, #tpu.memory_space<semaphore_mem>>
    %dma_start3A_360 = tpu.memref_squeeze %dma_start3A_359 : memref<1x!tpu.dma_semaphore, #tpu.memory_space<semaphore_mem>> -> memref<!tpu.dma_semaphore, #tpu.memory_space<semaphore_mem>>
    tpu.enqueue_indirect_dma source(%dma_start3A_358 : memref<1000x128xf32, #tpu.memory_space<hbm>>) target(%dma_start3A_353 : memref<64x128xf32, #tpu.memory_space<vmem>>) offsets(%dma_start3A_355 : memref<64xi32, #tpu.memory_space<vmem>>) semaphore(%dma_start3A_360 : memref<!tpu.dma_semaphore, #tpu.memory_space<semaphore_mem>>)
    %dma_start3A_361 = arith.constant 1 : i32
    %dma_start3A_362 = arith.constant 1 : i32
    %dma_start3A_363 = arith.constant 0 : i32
    %dma_start3A_364 = arith.constant 0 : i32
    %dma_start3A_365 = tpu.memref_slice %arg9[%dma_start3A_361, %dma_start3A_363, %dma_start3A_364] : memref<3x64x128xf32, #tpu.memory_space<vmem>> -> memref<1x64x128xf32, #tpu.memory_space<vmem>>
    %dma_start3A_366 = tpu.memref_squeeze %dma_start3A_365 : memref<1x64x128xf32, #tpu.memory_space<vmem>> -> memref<64x128xf32, #tpu.memory_space<vmem>>
    %dma_start3A_367 = arith.constant 0 : i32
    %dma_start3A_368 = tpu.memref_slice %arg2[%add3A_347, %dma_start3A_367] : memref<16384x128xf32, #tpu.memory_space<hbm>> -> memref<64x128xf32, #tpu.memory_space<hbm>>
    %dma_start3A_369 = tpu.memref_slice %arg12[%dma_start3A_362] : memref<3x!tpu.dma_semaphore, #tpu.memory_space<semaphore_mem>> -> memref<1x!tpu.dma_semaphore, #tpu.memory_space<semaphore_mem>>
    %dma_start3A_370 = tpu.memref_squeeze %dma_start3A_369 : memref<1x!tpu.dma_semaphore, #tpu.memory_space<semaphore_mem>> -> memref<!tpu.dma_semaphore, #tpu.memory_space<semaphore_mem>>
    %dma_start3A_371 = arith.constant 0 : i32
    %dma_start3A_372 = arith.constant 0 : i32
    %dma_start3A_373 = tpu.memref_slice %arg9[%dma_start3A_361, %dma_start3A_371, %dma_start3A_372] : memref<3x64x128xf32, #tpu.memory_space<vmem>> -> memref<1x64x128xf32, #tpu.memory_space<vmem>>
    %dma_start3A_374 = tpu.memref_squeeze %dma_start3A_373 : memref<1x64x128xf32, #tpu.memory_space<vmem>> -> memref<64x128xf32, #tpu.memory_space<vmem>>
    %dma_start3A_375 = arith.constant 0 : i32
    %dma_start3A_376 = tpu.memref_slice %arg2[%add3A_347, %dma_start3A_375] : memref<16384x128xf32, #tpu.memory_space<hbm>> -> memref<64x128xf32, #tpu.memory_space<hbm>>
    tpu.enqueue_dma source(%dma_start3A_376 : memref<64x128xf32, #tpu.memory_space<hbm>>) target(%dma_start3A_374 : memref<64x128xf32, #tpu.memory_space<vmem>>) target_semaphore(%dma_start3A_370 : memref<!tpu.dma_semaphore, #tpu.memory_space<semaphore_mem>>)
    %dma_start3A_377 = arith.constant 1 : i32
    %dma_start3A_378 = arith.constant 1 : i32
    %dma_start3A_379 = arith.constant 0 : i32
    %dma_start3A_380 = arith.constant 0 : i32
    %dma_start3A_381 = tpu.memref_slice %arg10[%dma_start3A_377, %dma_start3A_379, %dma_start3A_380] : memref<3x64x128xf32, #tpu.memory_space<vmem>> -> memref<1x64x128xf32, #tpu.memory_space<vmem>>
    %dma_start3A_382 = tpu.memref_squeeze %dma_start3A_381 : memref<1x64x128xf32, #tpu.memory_space<vmem>> -> memref<64x128xf32, #tpu.memory_space<vmem>>
    %dma_start3A_383 = arith.constant 0 : i32
    %dma_start3A_384 = tpu.memref_slice %arg4[%add3A_347, %dma_start3A_383] : memref<16384x128xf32, #tpu.memory_space<hbm>> -> memref<64x128xf32, #tpu.memory_space<hbm>>
    %dma_start3A_385 = tpu.memref_slice %arg12[%dma_start3A_378] : memref<3x!tpu.dma_semaphore, #tpu.memory_space<semaphore_mem>> -> memref<1x!tpu.dma_semaphore, #tpu.memory_space<semaphore_mem>>
    %dma_start3A_386 = tpu.memref_squeeze %dma_start3A_385 : memref<1x!tpu.dma_semaphore, #tpu.memory_space<semaphore_mem>> -> memref<!tpu.dma_semaphore, #tpu.memory_space<semaphore_mem>>
    %dma_start3A_387 = arith.constant 0 : i32
    %dma_start3A_388 = arith.constant 0 : i32
    %dma_start3A_389 = tpu.memref_slice %arg10[%dma_start3A_377, %dma_start3A_387, %dma_start3A_388] : memref<3x64x128xf32, #tpu.memory_space<vmem>> -> memref<1x64x128xf32, #tpu.memory_space<vmem>>
    %dma_start3A_390 = tpu.memref_squeeze %dma_start3A_389 : memref<1x64x128xf32, #tpu.memory_space<vmem>> -> memref<64x128xf32, #tpu.memory_space<vmem>>
    %dma_start3A_391 = arith.constant 0 : i32
    %dma_start3A_392 = tpu.memref_slice %arg4[%add3A_347, %dma_start3A_391] : memref<16384x128xf32, #tpu.memory_space<hbm>> -> memref<64x128xf32, #tpu.memory_space<hbm>>
    tpu.enqueue_dma source(%dma_start3A_392 : memref<64x128xf32, #tpu.memory_space<hbm>>) target(%dma_start3A_390 : memref<64x128xf32, #tpu.memory_space<vmem>>) target_semaphore(%dma_start3A_386 : memref<!tpu.dma_semaphore, #tpu.memory_space<semaphore_mem>>)
    %dma_wait3A_393 = arith.constant 0 : i32
    %dma_wait3A_394 = arith.constant 0 : i32
    %dma_wait3A_395 = arith.constant 0 : i32
    %dma_wait3A_396 = arith.constant 0 : i32
    %dma_wait3A_397 = tpu.memref_slice %arg11[%dma_wait3A_393, %dma_wait3A_395, %dma_wait3A_396] : memref<3x64x128xf32, #tpu.memory_space<vmem>> -> memref<1x64x128xf32, #tpu.memory_space<vmem>>
    %dma_wait3A_398 = tpu.memref_squeeze %dma_wait3A_397 : memref<1x64x128xf32, #tpu.memory_space<vmem>> -> memref<64x128xf32, #tpu.memory_space<vmem>>
    %dma_wait3A_399 = arith.constant 192 : i32
    %dma_wait3A_400 = tpu.memref_slice %arg7[%dma_wait3A_399] : memref<384xi32, #tpu.memory_space<vmem>> -> memref<64xi32, #tpu.memory_space<vmem>>
    %dma_wait3A_401 = arith.constant 0 : i32
    %dma_wait3A_402 = arith.constant 0 : i32
    %dma_wait3A_403 = tpu.memref_slice %arg5[%dma_wait3A_401, %dma_wait3A_402] : memref<1000x128xf32, #tpu.memory_space<hbm>> -> memref<1000x128xf32, #tpu.memory_space<hbm>>
    %dma_wait3A_404 = tpu.memref_slice %arg12[%dma_wait3A_394] : memref<3x!tpu.dma_semaphore, #tpu.memory_space<semaphore_mem>> -> memref<1x!tpu.dma_semaphore, #tpu.memory_space<semaphore_mem>>
    %dma_wait3A_405 = tpu.memref_squeeze %dma_wait3A_404 : memref<1x!tpu.dma_semaphore, #tpu.memory_space<semaphore_mem>> -> memref<!tpu.dma_semaphore, #tpu.memory_space<semaphore_mem>>
    tpu.wait_indirect_dma semaphore(%dma_wait3A_405 : memref<!tpu.dma_semaphore, #tpu.memory_space<semaphore_mem>>) src(%dma_wait3A_403 : memref<1000x128xf32, #tpu.memory_space<hbm>>) dst(%dma_wait3A_398 : memref<64x128xf32, #tpu.memory_space<vmem>>)
    %dma_wait3A_406 = arith.constant 0 : i32
    %dma_wait3A_407 = arith.constant 0 : i32
    %dma_wait3A_408 = arith.constant 0 : i32
    %dma_wait3A_409 = arith.constant 0 : i32
    %dma_wait3A_410 = tpu.memref_slice %arg9[%dma_wait3A_406, %dma_wait3A_408, %dma_wait3A_409] : memref<3x64x128xf32, #tpu.memory_space<vmem>> -> memref<1x64x128xf32, #tpu.memory_space<vmem>>
    %dma_wait3A_411 = tpu.memref_squeeze %dma_wait3A_410 : memref<1x64x128xf32, #tpu.memory_space<vmem>> -> memref<64x128xf32, #tpu.memory_space<vmem>>
    %dma_wait3A_412 = arith.constant 0 : i32
    %dma_wait3A_413 = tpu.memref_slice %arg2[%add3A_247, %dma_wait3A_412] : memref<16384x128xf32, #tpu.memory_space<hbm>> -> memref<64x128xf32, #tpu.memory_space<hbm>>
    %dma_wait3A_414 = tpu.memref_slice %arg12[%dma_wait3A_407] : memref<3x!tpu.dma_semaphore, #tpu.memory_space<semaphore_mem>> -> memref<1x!tpu.dma_semaphore, #tpu.memory_space<semaphore_mem>>
    %dma_wait3A_415 = tpu.memref_squeeze %dma_wait3A_414 : memref<1x!tpu.dma_semaphore, #tpu.memory_space<semaphore_mem>> -> memref<!tpu.dma_semaphore, #tpu.memory_space<semaphore_mem>>
    %dma_wait3A_416 = arith.constant 0 : i32
    %dma_wait3A_417 = arith.constant 0 : i32
    %dma_wait3A_418 = tpu.memref_slice %arg9[%dma_wait3A_406, %dma_wait3A_416, %dma_wait3A_417] : memref<3x64x128xf32, #tpu.memory_space<vmem>> -> memref<1x64x128xf32, #tpu.memory_space<vmem>>
    %dma_wait3A_419 = tpu.memref_squeeze %dma_wait3A_418 : memref<1x64x128xf32, #tpu.memory_space<vmem>> -> memref<64x128xf32, #tpu.memory_space<vmem>>
    %dma_wait3A_420 = arith.constant 0 : i32
    %dma_wait3A_421 = tpu.memref_slice %arg2[%add3A_247, %dma_wait3A_420] : memref<16384x128xf32, #tpu.memory_space<hbm>> -> memref<64x128xf32, #tpu.memory_space<hbm>>
    tpu.wait_dma2 semaphore(%dma_wait3A_415 : memref<!tpu.dma_semaphore, #tpu.memory_space<semaphore_mem>>) src(%dma_wait3A_421 : memref<64x128xf32, #tpu.memory_space<hbm>>) dst(%dma_wait3A_419 : memref<64x128xf32, #tpu.memory_space<vmem>>)
    %dma_wait3A_422 = arith.constant 0 : i32
    %dma_wait3A_423 = arith.constant 0 : i32
    %dma_wait3A_424 = arith.constant 0 : i32
    %dma_wait3A_425 = arith.constant 0 : i32
    %dma_wait3A_426 = tpu.memref_slice %arg10[%dma_wait3A_422, %dma_wait3A_424, %dma_wait3A_425] : memref<3x64x128xf32, #tpu.memory_space<vmem>> -> memref<1x64x128xf32, #tpu.memory_space<vmem>>
    %dma_wait3A_427 = tpu.memref_squeeze %dma_wait3A_426 : memref<1x64x128xf32, #tpu.memory_space<vmem>> -> memref<64x128xf32, #tpu.memory_space<vmem>>
    %dma_wait3A_428 = arith.constant 0 : i32
    %dma_wait3A_429 = tpu.memref_slice %arg4[%add3A_247, %dma_wait3A_428] : memref<16384x128xf32, #tpu.memory_space<hbm>> -> memref<64x128xf32, #tpu.memory_space<hbm>>
    %dma_wait3A_430 = tpu.memref_slice %arg12[%dma_wait3A_423] : memref<3x!tpu.dma_semaphore, #tpu.memory_space<semaphore_mem>> -> memref<1x!tpu.dma_semaphore, #tpu.memory_space<semaphore_mem>>
    %dma_wait3A_431 = tpu.memref_squeeze %dma_wait3A_430 : memref<1x!tpu.dma_semaphore, #tpu.memory_space<semaphore_mem>> -> memref<!tpu.dma_semaphore, #tpu.memory_space<semaphore_mem>>
    %dma_wait3A_432 = arith.constant 0 : i32
    %dma_wait3A_433 = arith.constant 0 : i32
    %dma_wait3A_434 = tpu.memref_slice %arg10[%dma_wait3A_422, %dma_wait3A_432, %dma_wait3A_433] : memref<3x64x128xf32, #tpu.memory_space<vmem>> -> memref<1x64x128xf32, #tpu.memory_space<vmem>>
    %dma_wait3A_435 = tpu.memref_squeeze %dma_wait3A_434 : memref<1x64x128xf32, #tpu.memory_space<vmem>> -> memref<64x128xf32, #tpu.memory_space<vmem>>
    %dma_wait3A_436 = arith.constant 0 : i32
    %dma_wait3A_437 = tpu.memref_slice %arg4[%add3A_247, %dma_wait3A_436] : memref<16384x128xf32, #tpu.memory_space<hbm>> -> memref<64x128xf32, #tpu.memory_space<hbm>>
    tpu.wait_dma2 semaphore(%dma_wait3A_431 : memref<!tpu.dma_semaphore, #tpu.memory_space<semaphore_mem>>) src(%dma_wait3A_437 : memref<64x128xf32, #tpu.memory_space<hbm>>) dst(%dma_wait3A_435 : memref<64x128xf32, #tpu.memory_space<vmem>>)
    %broadcast_in_dim3A_438 = arith.constant 0 : i32
    %broadcast_in_dim3A_439 = vector.broadcast %broadcast_in_dim3A_438 : i32 to vector<16xi32>
    %scan3A_440 = arith.constant 0 : i32
    %scan3A_441 = arith.constant 0 : i32
    %scan3A_442 = arith.constant 4 : i32
    %scan3A_443 = arith.addi %scan3A_441, %scan3A_442 : i32
    %scan3A_444 = arith.constant 1 : i32
    scf.for %scan3A_599 = %scan3A_441 to %scan3A_443 step %scan3A_444  : i32 {
      %mul3A_600 = arith.constant 16 : i32
      %mul3A_601 = arith.muli %scan3A_599, %mul3A_600 : i32
      %add3A_602 = vector.broadcast %mul3A_601 : i32 to vector<16xi32>
      %add3A_603 = arith.addi %add3A_602, %iota3A : vector<16xi32>
      %broadcast_in_dim3A_604 = arith.constant 0.000000e+00 : f32
      %broadcast_in_dim3A_605 = vector.broadcast %broadcast_in_dim3A_604 : f32 to vector<16xf32>
      %scan3A_606 = arith.constant 0 : i32
      %scan3A_607 = arith.constant 128 : i32
      %scan3A_608 = arith.addi %scan3A_606, %scan3A_607 : i32
      %scan3A_609 = arith.constant 8 : i32
      %scan3A_610:2 = scf.for %scan3A_617 = %scan3A_606 to %scan3A_608 step %scan3A_609 iter_args(%scan3A_618 = %broadcast_in_dim3A_605, %scan3A_619 = %iota3A) -> (vector<16xf32>, vector<16xi32>)  : i32 {
        %gather3A = tpu.vector_load_idx %arg9[%broadcast_in_dim3A_439, %add3A_603, %scan3A_619] : memref<3x64x128xf32, #tpu.memory_space<vmem>>[vector<16xi32>, vector<16xi32>, vector<16xi32>], vector<16xf32>,
        %gather3A_620 = tpu.vector_load_idx %arg11[%broadcast_in_dim3A_439, %add3A_603, %scan3A_619] : memref<3x64x128xf32, #tpu.memory_space<vmem>>[vector<16xi32>, vector<16xi32>, vector<16xi32>], vector<16xf32>,
        %gather3A_621 = tpu.vector_load_idx %arg10[%broadcast_in_dim3A_439, %add3A_603, %scan3A_619] : memref<3x64x128xf32, #tpu.memory_space<vmem>>[vector<16xi32>, vector<16xi32>, vector<16xi32>], vector<16xf32>,
        %mul3A_622 = arith.mulf %gather3A, %gather3A_620 : vector<16xf32>
        %mul3A_623 = arith.mulf %mul3A_622, %gather3A_621 : vector<16xf32>
        %add3A_624 = arith.addf %scan3A_618, %mul3A_623 : vector<16xf32>
        %add3A_625 = arith.constant 1 : i32
        %add3A_626 = vector.broadcast %add3A_625 : i32 to vector<16xi32>
        %add3A_627 = arith.addi %scan3A_619, %add3A_626 : vector<16xi32>
        %and3A = arith.constant 127 : i32
        %and3A_628 = vector.broadcast %and3A : i32 to vector<16xi32>
        %and3A_629 = arith.andi %add3A_627, %and3A_628 : vector<16xi32>
        %scan3A_630 = arith.constant 1 : i32
        %scan3A_631 = arith.addi %scan3A_617, %scan3A_630 : i32
        %gather3A_632 = tpu.vector_load_idx %arg9[%broadcast_in_dim3A_439, %add3A_603, %and3A_629] : memref<3x64x128xf32, #tpu.memory_space<vmem>>[vector<16xi32>, vector<16xi32>, vector<16xi32>], vector<16xf32>,
        %gather3A_633 = tpu.vector_load_idx %arg11[%broadcast_in_dim3A_439, %add3A_603, %and3A_629] : memref<3x64x128xf32, #tpu.memory_space<vmem>>[vector<16xi32>, vector<16xi32>, vector<16xi32>], vector<16xf32>,
        %gather3A_634 = tpu.vector_load_idx %arg10[%broadcast_in_dim3A_439, %add3A_603, %and3A_629] : memref<3x64x128xf32, #tpu.memory_space<vmem>>[vector<16xi32>, vector<16xi32>, vector<16xi32>], vector<16xf32>,
        %mul3A_635 = arith.mulf %gather3A_632, %gather3A_633 : vector<16xf32>
        %mul3A_636 = arith.mulf %mul3A_635, %gather3A_634 : vector<16xf32>
        %add3A_637 = arith.addf %add3A_624, %mul3A_636 : vector<16xf32>
        %add3A_638 = arith.constant 1 : i32
        %add3A_639 = vector.broadcast %add3A_638 : i32 to vector<16xi32>
        %add3A_640 = arith.addi %and3A_629, %add3A_639 : vector<16xi32>
        %and3A_641 = arith.constant 127 : i32
        %and3A_642 = vector.broadcast %and3A_641 : i32 to vector<16xi32>
        %and3A_643 = arith.andi %add3A_640, %and3A_642 : vector<16xi32>
        %scan3A_644 = arith.constant 2 : i32
        %scan3A_645 = arith.addi %scan3A_617, %scan3A_644 : i32
        %gather3A_646 = tpu.vector_load_idx %arg9[%broadcast_in_dim3A_439, %add3A_603, %and3A_643] : memref<3x64x128xf32, #tpu.memory_space<vmem>>[vector<16xi32>, vector<16xi32>, vector<16xi32>], vector<16xf32>,
        %gather3A_647 = tpu.vector_load_idx %arg11[%broadcast_in_dim3A_439, %add3A_603, %and3A_643] : memref<3x64x128xf32, #tpu.memory_space<vmem>>[vector<16xi32>, vector<16xi32>, vector<16xi32>], vector<16xf32>,
        %gather3A_648 = tpu.vector_load_idx %arg10[%broadcast_in_dim3A_439, %add3A_603, %and3A_643] : memref<3x64x128xf32, #tpu.memory_space<vmem>>[vector<16xi32>, vector<16xi32>, vector<16xi32>], vector<16xf32>,
        %mul3A_649 = arith.mulf %gather3A_646, %gather3A_647 : vector<16xf32>
        %mul3A_650 = arith.mulf %mul3A_649, %gather3A_648 : vector<16xf32>
        %add3A_651 = arith.addf %add3A_637, %mul3A_650 : vector<16xf32>
        %add3A_652 = arith.constant 1 : i32
        %add3A_653 = vector.broadcast %add3A_652 : i32 to vector<16xi32>
        %add3A_654 = arith.addi %and3A_643, %add3A_653 : vector<16xi32>
        %and3A_655 = arith.constant 127 : i32
        %and3A_656 = vector.broadcast %and3A_655 : i32 to vector<16xi32>
        %and3A_657 = arith.andi %add3A_654, %and3A_656 : vector<16xi32>
        %scan3A_658 = arith.constant 3 : i32
        %scan3A_659 = arith.addi %scan3A_617, %scan3A_658 : i32
        %gather3A_660 = tpu.vector_load_idx %arg9[%broadcast_in_dim3A_439, %add3A_603, %and3A_657] : memref<3x64x128xf32, #tpu.memory_space<vmem>>[vector<16xi32>, vector<16xi32>, vector<16xi32>], vector<16xf32>,
        %gather3A_661 = tpu.vector_load_idx %arg11[%broadcast_in_dim3A_439, %add3A_603, %and3A_657] : memref<3x64x128xf32, #tpu.memory_space<vmem>>[vector<16xi32>, vector<16xi32>, vector<16xi32>], vector<16xf32>,
        %gather3A_662 = tpu.vector_load_idx %arg10[%broadcast_in_dim3A_439, %add3A_603, %and3A_657] : memref<3x64x128xf32, #tpu.memory_space<vmem>>[vector<16xi32>, vector<16xi32>, vector<16xi32>], vector<16xf32>,
        %mul3A_663 = arith.mulf %gather3A_660, %gather3A_661 : vector<16xf32>
        %mul3A_664 = arith.mulf %mul3A_663, %gather3A_662 : vector<16xf32>
        %add3A_665 = arith.addf %add3A_651, %mul3A_664 : vector<16xf32>
        %add3A_666 = arith.constant 1 : i32
        %add3A_667 = vector.broadcast %add3A_666 : i32 to vector<16xi32>
        %add3A_668 = arith.addi %and3A_657, %add3A_667 : vector<16xi32>
        %and3A_669 = arith.constant 127 : i32
        %and3A_670 = vector.broadcast %and3A_669 : i32 to vector<16xi32>
        %and3A_671 = arith.andi %add3A_668, %and3A_670 : vector<16xi32>
        %scan3A_672 = arith.constant 4 : i32
        %scan3A_673 = arith.addi %scan3A_617, %scan3A_672 : i32
        %gather3A_674 = tpu.vector_load_idx %arg9[%broadcast_in_dim3A_439, %add3A_603, %and3A_671] : memref<3x64x128xf32, #tpu.memory_space<vmem>>[vector<16xi32>, vector<16xi32>, vector<16xi32>], vector<16xf32>,
        %gather3A_675 = tpu.vector_load_idx %arg11[%broadcast_in_dim3A_439, %add3A_603, %and3A_671] : memref<3x64x128xf32, #tpu.memory_space<vmem>>[vector<16xi32>, vector<16xi32>, vector<16xi32>], vector<16xf32>,
        %gather3A_676 = tpu.vector_load_idx %arg10[%broadcast_in_dim3A_439, %add3A_603, %and3A_671] : memref<3x64x128xf32, #tpu.memory_space<vmem>>[vector<16xi32>, vector<16xi32>, vector<16xi32>], vector<16xf32>,
        %mul3A_677 = arith.mulf %gather3A_674, %gather3A_675 : vector<16xf32>
        %mul3A_678 = arith.mulf %mul3A_677, %gather3A_676 : vector<16xf32>
        %add3A_679 = arith.addf %add3A_665, %mul3A_678 : vector<16xf32>
        %add3A_680 = arith.constant 1 : i32
        %add3A_681 = vector.broadcast %add3A_680 : i32 to vector<16xi32>
        %add3A_682 = arith.addi %and3A_671, %add3A_681 : vector<16xi32>
        %and3A_683 = arith.constant 127 : i32
        %and3A_684 = vector.broadcast %and3A_683 : i32 to vector<16xi32>
        %and3A_685 = arith.andi %add3A_682, %and3A_684 : vector<16xi32>
        %scan3A_686 = arith.constant 5 : i32
        %scan3A_687 = arith.addi %scan3A_617, %scan3A_686 : i32
        %gather3A_688 = tpu.vector_load_idx %arg9[%broadcast_in_dim3A_439, %add3A_603, %and3A_685] : memref<3x64x128xf32, #tpu.memory_space<vmem>>[vector<16xi32>, vector<16xi32>, vector<16xi32>], vector<16xf32>,
        %gather3A_689 = tpu.vector_load_idx %arg11[%broadcast_in_dim3A_439, %add3A_603, %and3A_685] : memref<3x64x128xf32, #tpu.memory_space<vmem>>[vector<16xi32>, vector<16xi32>, vector<16xi32>], vector<16xf32>,
        %gather3A_690 = tpu.vector_load_idx %arg10[%broadcast_in_dim3A_439, %add3A_603, %and3A_685] : memref<3x64x128xf32, #tpu.memory_space<vmem>>[vector<16xi32>, vector<16xi32>, vector<16xi32>], vector<16xf32>,
        %mul3A_691 = arith.mulf %gather3A_688, %gather3A_689 : vector<16xf32>
        %mul3A_692 = arith.mulf %mul3A_691, %gather3A_690 : vector<16xf32>
        %add3A_693 = arith.addf %add3A_679, %mul3A_692 : vector<16xf32>
        %add3A_694 = arith.constant 1 : i32
        %add3A_695 = vector.broadcast %add3A_694 : i32 to vector<16xi32>
        %add3A_696 = arith.addi %and3A_685, %add3A_695 : vector<16xi32>
        %and3A_697 = arith.constant 127 : i32
        %and3A_698 = vector.broadcast %and3A_697 : i32 to vector<16xi32>
        %and3A_699 = arith.andi %add3A_696, %and3A_698 : vector<16xi32>
        %scan3A_700 = arith.constant 6 : i32
        %scan3A_701 = arith.addi %scan3A_617, %scan3A_700 : i32
        %gather3A_702 = tpu.vector_load_idx %arg9[%broadcast_in_dim3A_439, %add3A_603, %and3A_699] : memref<3x64x128xf32, #tpu.memory_space<vmem>>[vector<16xi32>, vector<16xi32>, vector<16xi32>], vector<16xf32>,
        %gather3A_703 = tpu.vector_load_idx %arg11[%broadcast_in_dim3A_439, %add3A_603, %and3A_699] : memref<3x64x128xf32, #tpu.memory_space<vmem>>[vector<16xi32>, vector<16xi32>, vector<16xi32>], vector<16xf32>,
        %gather3A_704 = tpu.vector_load_idx %arg10[%broadcast_in_dim3A_439, %add3A_603, %and3A_699] : memref<3x64x128xf32, #tpu.memory_space<vmem>>[vector<16xi32>, vector<16xi32>, vector<16xi32>], vector<16xf32>,
        %mul3A_705 = arith.mulf %gather3A_702, %gather3A_703 : vector<16xf32>
        %mul3A_706 = arith.mulf %mul3A_705, %gather3A_704 : vector<16xf32>
        %add3A_707 = arith.addf %add3A_693, %mul3A_706 : vector<16xf32>
        %add3A_708 = arith.constant 1 : i32
        %add3A_709 = vector.broadcast %add3A_708 : i32 to vector<16xi32>
        %add3A_710 = arith.addi %and3A_699, %add3A_709 : vector<16xi32>
        %and3A_711 = arith.constant 127 : i32
        %and3A_712 = vector.broadcast %and3A_711 : i32 to vector<16xi32>
        %and3A_713 = arith.andi %add3A_710, %and3A_712 : vector<16xi32>
        %scan3A_714 = arith.constant 7 : i32
        %scan3A_715 = arith.addi %scan3A_617, %scan3A_714 : i32
        %gather3A_716 = tpu.vector_load_idx %arg9[%broadcast_in_dim3A_439, %add3A_603, %and3A_713] : memref<3x64x128xf32, #tpu.memory_space<vmem>>[vector<16xi32>, vector<16xi32>, vector<16xi32>], vector<16xf32>,
        %gather3A_717 = tpu.vector_load_idx %arg11[%broadcast_in_dim3A_439, %add3A_603, %and3A_713] : memref<3x64x128xf32, #tpu.memory_space<vmem>>[vector<16xi32>, vector<16xi32>, vector<16xi32>], vector<16xf32>,
        %gather3A_718 = tpu.vector_load_idx %arg10[%broadcast_in_dim3A_439, %add3A_603, %and3A_713] : memref<3x64x128xf32, #tpu.memory_space<vmem>>[vector<16xi32>, vector<16xi32>, vector<16xi32>], vector<16xf32>,
        %mul3A_719 = arith.mulf %gather3A_716, %gather3A_717 : vector<16xf32>
        %mul3A_720 = arith.mulf %mul3A_719, %gather3A_718 : vector<16xf32>
        %add3A_721 = arith.addf %add3A_707, %mul3A_720 : vector<16xf32>
        %add3A_722 = arith.constant 1 : i32
        %add3A_723 = vector.broadcast %add3A_722 : i32 to vector<16xi32>
        %add3A_724 = arith.addi %and3A_713, %add3A_723 : vector<16xi32>
        %and3A_725 = arith.constant 127 : i32
        %and3A_726 = vector.broadcast %and3A_725 : i32 to vector<16xi32>
        %and3A_727 = arith.andi %add3A_724, %and3A_726 : vector<16xi32>
        scf.yield %add3A_721, %and3A_727 : vector<16xf32>, vector<16xi32>
      }
      %scan3A_611 = arith.constant 128 : i32
      %mul3A_612 = arith.constant 16 : i32
      %mul3A_613 = arith.muli %scan3A_599, %mul3A_612 : i32
      %add3A_614 = arith.constant 192 : i32
      %add3A_615 = arith.addi %add3A_614, %mul3A_613 : i32
      %swap3A = arith.index_cast %add3A_615 : i32 to index
      %swap3A_616 = tpu.vector_load %arg8[%swap3A] {strides = array<i32>} : memref<384xf32, #tpu.memory_space<vmem>>, vector<16xf32>,
      tpu.vector_store %arg8[%swap3A], %scan3A_610#0 {strides = array<i32>} : memref<384xf32, #tpu.memory_space<vmem>>, vector<16xf32>,
    }
    %scan3A_445 = arith.constant 4 : i32
    %add3A_446 = arith.constant 320 : i32
    %add3A_447 = arith.addi %mul3A_2, %add3A_446 : i32
    %dma_start3A_448 = arith.constant 2 : i32
    %dma_start3A_449 = arith.constant 2 : i32
    %dma_start3A_450 = arith.constant 0 : i32
    %dma_start3A_451 = arith.constant 0 : i32
    %dma_start3A_452 = tpu.memref_slice %arg11[%dma_start3A_448, %dma_start3A_450, %dma_start3A_451] : memref<3x64x128xf32, #tpu.memory_space<vmem>> -> memref<1x64x128xf32, #tpu.memory_space<vmem>>
    %dma_start3A_453 = tpu.memref_squeeze %dma_start3A_452 : memref<1x64x128xf32, #tpu.memory_space<vmem>> -> memref<64x128xf32, #tpu.memory_space<vmem>>
    %dma_start3A_454 = arith.constant 320 : i32
    %dma_start3A_455 = tpu.memref_slice %arg7[%dma_start3A_454] : memref<384xi32, #tpu.memory_space<vmem>> -> memref<64xi32, #tpu.memory_space<vmem>>
    %dma_start3A_456 = arith.constant 0 : i32
    %dma_start3A_457 = arith.constant 0 : i32
    %dma_start3A_458 = tpu.memref_slice %arg5[%dma_start3A_456, %dma_start3A_457] : memref<1000x128xf32, #tpu.memory_space<hbm>> -> memref<1000x128xf32, #tpu.memory_space<hbm>>
    %dma_start3A_459 = tpu.memref_slice %arg12[%dma_start3A_449] : memref<3x!tpu.dma_semaphore, #tpu.memory_space<semaphore_mem>> -> memref<1x!tpu.dma_semaphore, #tpu.memory_space<semaphore_mem>>
    %dma_start3A_460 = tpu.memref_squeeze %dma_start3A_459 : memref<1x!tpu.dma_semaphore, #tpu.memory_space<semaphore_mem>> -> memref<!tpu.dma_semaphore, #tpu.memory_space<semaphore_mem>>
    tpu.enqueue_indirect_dma source(%dma_start3A_458 : memref<1000x128xf32, #tpu.memory_space<hbm>>) target(%dma_start3A_453 : memref<64x128xf32, #tpu.memory_space<vmem>>) offsets(%dma_start3A_455 : memref<64xi32, #tpu.memory_space<vmem>>) semaphore(%dma_start3A_460 : memref<!tpu.dma_semaphore, #tpu.memory_space<semaphore_mem>>)
    %dma_start3A_461 = arith.constant 2 : i32
    %dma_start3A_462 = arith.constant 2 : i32
    %dma_start3A_463 = arith.constant 0 : i32
    %dma_start3A_464 = arith.constant 0 : i32
    %dma_start3A_465 = tpu.memref_slice %arg9[%dma_start3A_461, %dma_start3A_463, %dma_start3A_464] : memref<3x64x128xf32, #tpu.memory_space<vmem>> -> memref<1x64x128xf32, #tpu.memory_space<vmem>>
    %dma_start3A_466 = tpu.memref_squeeze %dma_start3A_465 : memref<1x64x128xf32, #tpu.memory_space<vmem>> -> memref<64x128xf32, #tpu.memory_space<vmem>>
    %dma_start3A_467 = arith.constant 0 : i32
    %dma_start3A_468 = tpu.memref_slice %arg2[%add3A_447, %dma_start3A_467] : memref<16384x128xf32, #tpu.memory_space<hbm>> -> memref<64x128xf32, #tpu.memory_space<hbm>>
    %dma_start3A_469 = tpu.memref_slice %arg12[%dma_start3A_462] : memref<3x!tpu.dma_semaphore, #tpu.memory_space<semaphore_mem>> -> memref<1x!tpu.dma_semaphore, #tpu.memory_space<semaphore_mem>>
    %dma_start3A_470 = tpu.memref_squeeze %dma_start3A_469 : memref<1x!tpu.dma_semaphore, #tpu.memory_space<semaphore_mem>> -> memref<!tpu.dma_semaphore, #tpu.memory_space<semaphore_mem>>
    %dma_start3A_471 = arith.constant 0 : i32
    %dma_start3A_472 = arith.constant 0 : i32
    %dma_start3A_473 = tpu.memref_slice %arg9[%dma_start3A_461, %dma_start3A_471, %dma_start3A_472] : memref<3x64x128xf32, #tpu.memory_space<vmem>> -> memref<1x64x128xf32, #tpu.memory_space<vmem>>
    %dma_start3A_474 = tpu.memref_squeeze %dma_start3A_473 : memref<1x64x128xf32, #tpu.memory_space<vmem>> -> memref<64x128xf32, #tpu.memory_space<vmem>>
    %dma_start3A_475 = arith.constant 0 : i32
    %dma_start3A_476 = tpu.memref_slice %arg2[%add3A_447, %dma_start3A_475] : memref<16384x128xf32, #tpu.memory_space<hbm>> -> memref<64x128xf32, #tpu.memory_space<hbm>>
    tpu.enqueue_dma source(%dma_start3A_476 : memref<64x128xf32, #tpu.memory_space<hbm>>) target(%dma_start3A_474 : memref<64x128xf32, #tpu.memory_space<vmem>>) target_semaphore(%dma_start3A_470 : memref<!tpu.dma_semaphore, #tpu.memory_space<semaphore_mem>>)
    %dma_start3A_477 = arith.constant 2 : i32
    %dma_start3A_478 = arith.constant 2 : i32
    %dma_start3A_479 = arith.constant 0 : i32
    %dma_start3A_480 = arith.constant 0 : i32
    %dma_start3A_481 = tpu.memref_slice %arg10[%dma_start3A_477, %dma_start3A_479, %dma_start3A_480] : memref<3x64x128xf32, #tpu.memory_space<vmem>> -> memref<1x64x128xf32, #tpu.memory_space<vmem>>
    %dma_start3A_482 = tpu.memref_squeeze %dma_start3A_481 : memref<1x64x128xf32, #tpu.memory_space<vmem>> -> memref<64x128xf32, #tpu.memory_space<vmem>>
    %dma_start3A_483 = arith.constant 0 : i32
    %dma_start3A_484 = tpu.memref_slice %arg4[%add3A_447, %dma_start3A_483] : memref<16384x128xf32, #tpu.memory_space<hbm>> -> memref<64x128xf32, #tpu.memory_space<hbm>>
    %dma_start3A_485 = tpu.memref_slice %arg12[%dma_start3A_478] : memref<3x!tpu.dma_semaphore, #tpu.memory_space<semaphore_mem>> -> memref<1x!tpu.dma_semaphore, #tpu.memory_space<semaphore_mem>>
    %dma_start3A_486 = tpu.memref_squeeze %dma_start3A_485 : memref<1x!tpu.dma_semaphore, #tpu.memory_space<semaphore_mem>> -> memref<!tpu.dma_semaphore, #tpu.memory_space<semaphore_mem>>
    %dma_start3A_487 = arith.constant 0 : i32
    %dma_start3A_488 = arith.constant 0 : i32
    %dma_start3A_489 = tpu.memref_slice %arg10[%dma_start3A_477, %dma_start3A_487, %dma_start3A_488] : memref<3x64x128xf32, #tpu.memory_space<vmem>> -> memref<1x64x128xf32, #tpu.memory_space<vmem>>
    %dma_start3A_490 = tpu.memref_squeeze %dma_start3A_489 : memref<1x64x128xf32, #tpu.memory_space<vmem>> -> memref<64x128xf32, #tpu.memory_space<vmem>>
    %dma_start3A_491 = arith.constant 0 : i32
    %dma_start3A_492 = tpu.memref_slice %arg4[%add3A_447, %dma_start3A_491] : memref<16384x128xf32, #tpu.memory_space<hbm>> -> memref<64x128xf32, #tpu.memory_space<hbm>>
    tpu.enqueue_dma source(%dma_start3A_492 : memref<64x128xf32, #tpu.memory_space<hbm>>) target(%dma_start3A_490 : memref<64x128xf32, #tpu.memory_space<vmem>>) target_semaphore(%dma_start3A_486 : memref<!tpu.dma_semaphore, #tpu.memory_space<semaphore_mem>>)
    %dma_wait3A_493 = arith.constant 1 : i32
    %dma_wait3A_494 = arith.constant 1 : i32
    %dma_wait3A_495 = arith.constant 0 : i32
    %dma_wait3A_496 = arith.constant 0 : i32
    %dma_wait3A_497 = tpu.memref_slice %arg11[%dma_wait3A_493, %dma_wait3A_495, %dma_wait3A_496] : memref<3x64x128xf32, #tpu.memory_space<vmem>> -> memref<1x64x128xf32, #tpu.memory_space<vmem>>
    %dma_wait3A_498 = tpu.memref_squeeze %dma_wait3A_497 : memref<1x64x128xf32, #tpu.memory_space<vmem>> -> memref<64x128xf32, #tpu.memory_space<vmem>>
    %dma_wait3A_499 = arith.constant 256 : i32
    %dma_wait3A_500 = tpu.memref_slice %arg7[%dma_wait3A_499] : memref<384xi32, #tpu.memory_space<vmem>> -> memref<64xi32, #tpu.memory_space<vmem>>
    %dma_wait3A_501 = arith.constant 0 : i32
    %dma_wait3A_502 = arith.constant 0 : i32
    %dma_wait3A_503 = tpu.memref_slice %arg5[%dma_wait3A_501, %dma_wait3A_502] : memref<1000x128xf32, #tpu.memory_space<hbm>> -> memref<1000x128xf32, #tpu.memory_space<hbm>>
    %dma_wait3A_504 = tpu.memref_slice %arg12[%dma_wait3A_494] : memref<3x!tpu.dma_semaphore, #tpu.memory_space<semaphore_mem>> -> memref<1x!tpu.dma_semaphore, #tpu.memory_space<semaphore_mem>>
    %dma_wait3A_505 = tpu.memref_squeeze %dma_wait3A_504 : memref<1x!tpu.dma_semaphore, #tpu.memory_space<semaphore_mem>> -> memref<!tpu.dma_semaphore, #tpu.memory_space<semaphore_mem>>
    tpu.wait_indirect_dma semaphore(%dma_wait3A_505 : memref<!tpu.dma_semaphore, #tpu.memory_space<semaphore_mem>>) src(%dma_wait3A_503 : memref<1000x128xf32, #tpu.memory_space<hbm>>) dst(%dma_wait3A_498 : memref<64x128xf32, #tpu.memory_space<vmem>>)
    %dma_wait3A_506 = arith.constant 1 : i32
    %dma_wait3A_507 = arith.constant 1 : i32
    %dma_wait3A_508 = arith.constant 0 : i32
    %dma_wait3A_509 = arith.constant 0 : i32
    %dma_wait3A_510 = tpu.memref_slice %arg9[%dma_wait3A_506, %dma_wait3A_508, %dma_wait3A_509] : memref<3x64x128xf32, #tpu.memory_space<vmem>> -> memref<1x64x128xf32, #tpu.memory_space<vmem>>
    %dma_wait3A_511 = tpu.memref_squeeze %dma_wait3A_510 : memref<1x64x128xf32, #tpu.memory_space<vmem>> -> memref<64x128xf32, #tpu.memory_space<vmem>>
    %dma_wait3A_512 = arith.constant 0 : i32
    %dma_wait3A_513 = tpu.memref_slice %arg2[%add3A_347, %dma_wait3A_512] : memref<16384x128xf32, #tpu.memory_space<hbm>> -> memref<64x128xf32, #tpu.memory_space<hbm>>
    %dma_wait3A_514 = tpu.memref_slice %arg12[%dma_wait3A_507] : memref<3x!tpu.dma_semaphore, #tpu.memory_space<semaphore_mem>> -> memref<1x!tpu.dma_semaphore, #tpu.memory_space<semaphore_mem>>
    %dma_wait3A_515 = tpu.memref_squeeze %dma_wait3A_514 : memref<1x!tpu.dma_semaphore, #tpu.memory_space<semaphore_mem>> -> memref<!tpu.dma_semaphore, #tpu.memory_space<semaphore_mem>>
    %dma_wait3A_516 = arith.constant 0 : i32
    %dma_wait3A_517 = arith.constant 0 : i32
    %dma_wait3A_518 = tpu.memref_slice %arg9[%dma_wait3A_506, %dma_wait3A_516, %dma_wait3A_517] : memref<3x64x128xf32, #tpu.memory_space<vmem>> -> memref<1x64x128xf32, #tpu.memory_space<vmem>>
    %dma_wait3A_519 = tpu.memref_squeeze %dma_wait3A_518 : memref<1x64x128xf32, #tpu.memory_space<vmem>> -> memref<64x128xf32, #tpu.memory_space<vmem>>
    %dma_wait3A_520 = arith.constant 0 : i32
    %dma_wait3A_521 = tpu.memref_slice %arg2[%add3A_347, %dma_wait3A_520] : memref<16384x128xf32, #tpu.memory_space<hbm>> -> memref<64x128xf32, #tpu.memory_space<hbm>>
    tpu.wait_dma2 semaphore(%dma_wait3A_515 : memref<!tpu.dma_semaphore, #tpu.memory_space<semaphore_mem>>) src(%dma_wait3A_521 : memref<64x128xf32, #tpu.memory_space<hbm>>) dst(%dma_wait3A_519 : memref<64x128xf32, #tpu.memory_space<vmem>>)
    %dma_wait3A_522 = arith.constant 1 : i32
    %dma_wait3A_523 = arith.constant 1 : i32
    %dma_wait3A_524 = arith.constant 0 : i32
    %dma_wait3A_525 = arith.constant 0 : i32
    %dma_wait3A_526 = tpu.memref_slice %arg10[%dma_wait3A_522, %dma_wait3A_524, %dma_wait3A_525] : memref<3x64x128xf32, #tpu.memory_space<vmem>> -> memref<1x64x128xf32, #tpu.memory_space<vmem>>
    %dma_wait3A_527 = tpu.memref_squeeze %dma_wait3A_526 : memref<1x64x128xf32, #tpu.memory_space<vmem>> -> memref<64x128xf32, #tpu.memory_space<vmem>>
    %dma_wait3A_528 = arith.constant 0 : i32
    %dma_wait3A_529 = tpu.memref_slice %arg4[%add3A_347, %dma_wait3A_528] : memref<16384x128xf32, #tpu.memory_space<hbm>> -> memref<64x128xf32, #tpu.memory_space<hbm>>
    %dma_wait3A_530 = tpu.memref_slice %arg12[%dma_wait3A_523] : memref<3x!tpu.dma_semaphore, #tpu.memory_space<semaphore_mem>> -> memref<1x!tpu.dma_semaphore, #tpu.memory_space<semaphore_mem>>
    %dma_wait3A_531 = tpu.memref_squeeze %dma_wait3A_530 : memref<1x!tpu.dma_semaphore, #tpu.memory_space<semaphore_mem>> -> memref<!tpu.dma_semaphore, #tpu.memory_space<semaphore_mem>>
    %dma_wait3A_532 = arith.constant 0 : i32
    %dma_wait3A_533 = arith.constant 0 : i32
    %dma_wait3A_534 = tpu.memref_slice %arg10[%dma_wait3A_522, %dma_wait3A_532, %dma_wait3A_533] : memref<3x64x128xf32, #tpu.memory_space<vmem>> -> memref<1x64x128xf32, #tpu.memory_space<vmem>>
    %dma_wait3A_535 = tpu.memref_squeeze %dma_wait3A_534 : memref<1x64x128xf32, #tpu.memory_space<vmem>> -> memref<64x128xf32, #tpu.memory_space<vmem>>
    %dma_wait3A_536 = arith.constant 0 : i32
    %dma_wait3A_537 = tpu.memref_slice %arg4[%add3A_347, %dma_wait3A_536] : memref<16384x128xf32, #tpu.memory_space<hbm>> -> memref<64x128xf32, #tpu.memory_space<hbm>>
    tpu.wait_dma2 semaphore(%dma_wait3A_531 : memref<!tpu.dma_semaphore, #tpu.memory_space<semaphore_mem>>) src(%dma_wait3A_537 : memref<64x128xf32, #tpu.memory_space<hbm>>) dst(%dma_wait3A_535 : memref<64x128xf32, #tpu.memory_space<vmem>>)
    %broadcast_in_dim3A_538 = arith.constant 1 : i32
    %broadcast_in_dim3A_539 = vector.broadcast %broadcast_in_dim3A_538 : i32 to vector<16xi32>
    %scan3A_540 = arith.constant 0 : i32
    %scan3A_541 = arith.constant 0 : i32
    %scan3A_542 = arith.constant 4 : i32
    %scan3A_543 = arith.addi %scan3A_541, %scan3A_542 : i32
    %scan3A_544 = arith.constant 1 : i32
    scf.for %scan3A_599 = %scan3A_541 to %scan3A_543 step %scan3A_544  : i32 {
      %mul3A_600 = arith.constant 16 : i32
      %mul3A_601 = arith.muli %scan3A_599, %mul3A_600 : i32
      %add3A_602 = vector.broadcast %mul3A_601 : i32 to vector<16xi32>
      %add3A_603 = arith.addi %add3A_602, %iota3A : vector<16xi32>
      %broadcast_in_dim3A_604 = arith.constant 0.000000e+00 : f32
      %broadcast_in_dim3A_605 = vector.broadcast %broadcast_in_dim3A_604 : f32 to vector<16xf32>
      %scan3A_606 = arith.constant 0 : i32
      %scan3A_607 = arith.constant 128 : i32
      %scan3A_608 = arith.addi %scan3A_606, %scan3A_607 : i32
      %scan3A_609 = arith.constant 8 : i32
      %scan3A_610:2 = scf.for %scan3A_617 = %scan3A_606 to %scan3A_608 step %scan3A_609 iter_args(%scan3A_618 = %broadcast_in_dim3A_605, %scan3A_619 = %iota3A) -> (vector<16xf32>, vector<16xi32>)  : i32 {
        %gather3A = tpu.vector_load_idx %arg9[%broadcast_in_dim3A_539, %add3A_603, %scan3A_619] : memref<3x64x128xf32, #tpu.memory_space<vmem>>[vector<16xi32>, vector<16xi32>, vector<16xi32>], vector<16xf32>,
        %gather3A_620 = tpu.vector_load_idx %arg11[%broadcast_in_dim3A_539, %add3A_603, %scan3A_619] : memref<3x64x128xf32, #tpu.memory_space<vmem>>[vector<16xi32>, vector<16xi32>, vector<16xi32>], vector<16xf32>,
        %gather3A_621 = tpu.vector_load_idx %arg10[%broadcast_in_dim3A_539, %add3A_603, %scan3A_619] : memref<3x64x128xf32, #tpu.memory_space<vmem>>[vector<16xi32>, vector<16xi32>, vector<16xi32>], vector<16xf32>,
        %mul3A_622 = arith.mulf %gather3A, %gather3A_620 : vector<16xf32>
        %mul3A_623 = arith.mulf %mul3A_622, %gather3A_621 : vector<16xf32>
        %add3A_624 = arith.addf %scan3A_618, %mul3A_623 : vector<16xf32>
        %add3A_625 = arith.constant 1 : i32
        %add3A_626 = vector.broadcast %add3A_625 : i32 to vector<16xi32>
        %add3A_627 = arith.addi %scan3A_619, %add3A_626 : vector<16xi32>
        %and3A = arith.constant 127 : i32
        %and3A_628 = vector.broadcast %and3A : i32 to vector<16xi32>
        %and3A_629 = arith.andi %add3A_627, %and3A_628 : vector<16xi32>
        %scan3A_630 = arith.constant 1 : i32
        %scan3A_631 = arith.addi %scan3A_617, %scan3A_630 : i32
        %gather3A_632 = tpu.vector_load_idx %arg9[%broadcast_in_dim3A_539, %add3A_603, %and3A_629] : memref<3x64x128xf32, #tpu.memory_space<vmem>>[vector<16xi32>, vector<16xi32>, vector<16xi32>], vector<16xf32>,
        %gather3A_633 = tpu.vector_load_idx %arg11[%broadcast_in_dim3A_539, %add3A_603, %and3A_629] : memref<3x64x128xf32, #tpu.memory_space<vmem>>[vector<16xi32>, vector<16xi32>, vector<16xi32>], vector<16xf32>,
        %gather3A_634 = tpu.vector_load_idx %arg10[%broadcast_in_dim3A_539, %add3A_603, %and3A_629] : memref<3x64x128xf32, #tpu.memory_space<vmem>>[vector<16xi32>, vector<16xi32>, vector<16xi32>], vector<16xf32>,
        %mul3A_635 = arith.mulf %gather3A_632, %gather3A_633 : vector<16xf32>
        %mul3A_636 = arith.mulf %mul3A_635, %gather3A_634 : vector<16xf32>
        %add3A_637 = arith.addf %add3A_624, %mul3A_636 : vector<16xf32>
        %add3A_638 = arith.constant 1 : i32
        %add3A_639 = vector.broadcast %add3A_638 : i32 to vector<16xi32>
        %add3A_640 = arith.addi %and3A_629, %add3A_639 : vector<16xi32>
        %and3A_641 = arith.constant 127 : i32
        %and3A_642 = vector.broadcast %and3A_641 : i32 to vector<16xi32>
        %and3A_643 = arith.andi %add3A_640, %and3A_642 : vector<16xi32>
        %scan3A_644 = arith.constant 2 : i32
        %scan3A_645 = arith.addi %scan3A_617, %scan3A_644 : i32
        %gather3A_646 = tpu.vector_load_idx %arg9[%broadcast_in_dim3A_539, %add3A_603, %and3A_643] : memref<3x64x128xf32, #tpu.memory_space<vmem>>[vector<16xi32>, vector<16xi32>, vector<16xi32>], vector<16xf32>,
        %gather3A_647 = tpu.vector_load_idx %arg11[%broadcast_in_dim3A_539, %add3A_603, %and3A_643] : memref<3x64x128xf32, #tpu.memory_space<vmem>>[vector<16xi32>, vector<16xi32>, vector<16xi32>], vector<16xf32>,
        %gather3A_648 = tpu.vector_load_idx %arg10[%broadcast_in_dim3A_539, %add3A_603, %and3A_643] : memref<3x64x128xf32, #tpu.memory_space<vmem>>[vector<16xi32>, vector<16xi32>, vector<16xi32>], vector<16xf32>,
        %mul3A_649 = arith.mulf %gather3A_646, %gather3A_647 : vector<16xf32>
        %mul3A_650 = arith.mulf %mul3A_649, %gather3A_648 : vector<16xf32>
        %add3A_651 = arith.addf %add3A_637, %mul3A_650 : vector<16xf32>
        %add3A_652 = arith.constant 1 : i32
        %add3A_653 = vector.broadcast %add3A_652 : i32 to vector<16xi32>
        %add3A_654 = arith.addi %and3A_643, %add3A_653 : vector<16xi32>
        %and3A_655 = arith.constant 127 : i32
        %and3A_656 = vector.broadcast %and3A_655 : i32 to vector<16xi32>
        %and3A_657 = arith.andi %add3A_654, %and3A_656 : vector<16xi32>
        %scan3A_658 = arith.constant 3 : i32
        %scan3A_659 = arith.addi %scan3A_617, %scan3A_658 : i32
        %gather3A_660 = tpu.vector_load_idx %arg9[%broadcast_in_dim3A_539, %add3A_603, %and3A_657] : memref<3x64x128xf32, #tpu.memory_space<vmem>>[vector<16xi32>, vector<16xi32>, vector<16xi32>], vector<16xf32>,
        %gather3A_661 = tpu.vector_load_idx %arg11[%broadcast_in_dim3A_539, %add3A_603, %and3A_657] : memref<3x64x128xf32, #tpu.memory_space<vmem>>[vector<16xi32>, vector<16xi32>, vector<16xi32>], vector<16xf32>,
        %gather3A_662 = tpu.vector_load_idx %arg10[%broadcast_in_dim3A_539, %add3A_603, %and3A_657] : memref<3x64x128xf32, #tpu.memory_space<vmem>>[vector<16xi32>, vector<16xi32>, vector<16xi32>], vector<16xf32>,
        %mul3A_663 = arith.mulf %gather3A_660, %gather3A_661 : vector<16xf32>
        %mul3A_664 = arith.mulf %mul3A_663, %gather3A_662 : vector<16xf32>
        %add3A_665 = arith.addf %add3A_651, %mul3A_664 : vector<16xf32>
        %add3A_666 = arith.constant 1 : i32
        %add3A_667 = vector.broadcast %add3A_666 : i32 to vector<16xi32>
        %add3A_668 = arith.addi %and3A_657, %add3A_667 : vector<16xi32>
        %and3A_669 = arith.constant 127 : i32
        %and3A_670 = vector.broadcast %and3A_669 : i32 to vector<16xi32>
        %and3A_671 = arith.andi %add3A_668, %and3A_670 : vector<16xi32>
        %scan3A_672 = arith.constant 4 : i32
        %scan3A_673 = arith.addi %scan3A_617, %scan3A_672 : i32
        %gather3A_674 = tpu.vector_load_idx %arg9[%broadcast_in_dim3A_539, %add3A_603, %and3A_671] : memref<3x64x128xf32, #tpu.memory_space<vmem>>[vector<16xi32>, vector<16xi32>, vector<16xi32>], vector<16xf32>,
        %gather3A_675 = tpu.vector_load_idx %arg11[%broadcast_in_dim3A_539, %add3A_603, %and3A_671] : memref<3x64x128xf32, #tpu.memory_space<vmem>>[vector<16xi32>, vector<16xi32>, vector<16xi32>], vector<16xf32>,
        %gather3A_676 = tpu.vector_load_idx %arg10[%broadcast_in_dim3A_539, %add3A_603, %and3A_671] : memref<3x64x128xf32, #tpu.memory_space<vmem>>[vector<16xi32>, vector<16xi32>, vector<16xi32>], vector<16xf32>,
        %mul3A_677 = arith.mulf %gather3A_674, %gather3A_675 : vector<16xf32>
        %mul3A_678 = arith.mulf %mul3A_677, %gather3A_676 : vector<16xf32>
        %add3A_679 = arith.addf %add3A_665, %mul3A_678 : vector<16xf32>
        %add3A_680 = arith.constant 1 : i32
        %add3A_681 = vector.broadcast %add3A_680 : i32 to vector<16xi32>
        %add3A_682 = arith.addi %and3A_671, %add3A_681 : vector<16xi32>
        %and3A_683 = arith.constant 127 : i32
        %and3A_684 = vector.broadcast %and3A_683 : i32 to vector<16xi32>
        %and3A_685 = arith.andi %add3A_682, %and3A_684 : vector<16xi32>
        %scan3A_686 = arith.constant 5 : i32
        %scan3A_687 = arith.addi %scan3A_617, %scan3A_686 : i32
        %gather3A_688 = tpu.vector_load_idx %arg9[%broadcast_in_dim3A_539, %add3A_603, %and3A_685] : memref<3x64x128xf32, #tpu.memory_space<vmem>>[vector<16xi32>, vector<16xi32>, vector<16xi32>], vector<16xf32>,
        %gather3A_689 = tpu.vector_load_idx %arg11[%broadcast_in_dim3A_539, %add3A_603, %and3A_685] : memref<3x64x128xf32, #tpu.memory_space<vmem>>[vector<16xi32>, vector<16xi32>, vector<16xi32>], vector<16xf32>,
        %gather3A_690 = tpu.vector_load_idx %arg10[%broadcast_in_dim3A_539, %add3A_603, %and3A_685] : memref<3x64x128xf32, #tpu.memory_space<vmem>>[vector<16xi32>, vector<16xi32>, vector<16xi32>], vector<16xf32>,
        %mul3A_691 = arith.mulf %gather3A_688, %gather3A_689 : vector<16xf32>
        %mul3A_692 = arith.mulf %mul3A_691, %gather3A_690 : vector<16xf32>
        %add3A_693 = arith.addf %add3A_679, %mul3A_692 : vector<16xf32>
        %add3A_694 = arith.constant 1 : i32
        %add3A_695 = vector.broadcast %add3A_694 : i32 to vector<16xi32>
        %add3A_696 = arith.addi %and3A_685, %add3A_695 : vector<16xi32>
        %and3A_697 = arith.constant 127 : i32
        %and3A_698 = vector.broadcast %and3A_697 : i32 to vector<16xi32>
        %and3A_699 = arith.andi %add3A_696, %and3A_698 : vector<16xi32>
        %scan3A_700 = arith.constant 6 : i32
        %scan3A_701 = arith.addi %scan3A_617, %scan3A_700 : i32
        %gather3A_702 = tpu.vector_load_idx %arg9[%broadcast_in_dim3A_539, %add3A_603, %and3A_699] : memref<3x64x128xf32, #tpu.memory_space<vmem>>[vector<16xi32>, vector<16xi32>, vector<16xi32>], vector<16xf32>,
        %gather3A_703 = tpu.vector_load_idx %arg11[%broadcast_in_dim3A_539, %add3A_603, %and3A_699] : memref<3x64x128xf32, #tpu.memory_space<vmem>>[vector<16xi32>, vector<16xi32>, vector<16xi32>], vector<16xf32>,
        %gather3A_704 = tpu.vector_load_idx %arg10[%broadcast_in_dim3A_539, %add3A_603, %and3A_699] : memref<3x64x128xf32, #tpu.memory_space<vmem>>[vector<16xi32>, vector<16xi32>, vector<16xi32>], vector<16xf32>,
        %mul3A_705 = arith.mulf %gather3A_702, %gather3A_703 : vector<16xf32>
        %mul3A_706 = arith.mulf %mul3A_705, %gather3A_704 : vector<16xf32>
        %add3A_707 = arith.addf %add3A_693, %mul3A_706 : vector<16xf32>
        %add3A_708 = arith.constant 1 : i32
        %add3A_709 = vector.broadcast %add3A_708 : i32 to vector<16xi32>
        %add3A_710 = arith.addi %and3A_699, %add3A_709 : vector<16xi32>
        %and3A_711 = arith.constant 127 : i32
        %and3A_712 = vector.broadcast %and3A_711 : i32 to vector<16xi32>
        %and3A_713 = arith.andi %add3A_710, %and3A_712 : vector<16xi32>
        %scan3A_714 = arith.constant 7 : i32
        %scan3A_715 = arith.addi %scan3A_617, %scan3A_714 : i32
        %gather3A_716 = tpu.vector_load_idx %arg9[%broadcast_in_dim3A_539, %add3A_603, %and3A_713] : memref<3x64x128xf32, #tpu.memory_space<vmem>>[vector<16xi32>, vector<16xi32>, vector<16xi32>], vector<16xf32>,
        %gather3A_717 = tpu.vector_load_idx %arg11[%broadcast_in_dim3A_539, %add3A_603, %and3A_713] : memref<3x64x128xf32, #tpu.memory_space<vmem>>[vector<16xi32>, vector<16xi32>, vector<16xi32>], vector<16xf32>,
        %gather3A_718 = tpu.vector_load_idx %arg10[%broadcast_in_dim3A_539, %add3A_603, %and3A_713] : memref<3x64x128xf32, #tpu.memory_space<vmem>>[vector<16xi32>, vector<16xi32>, vector<16xi32>], vector<16xf32>,
        %mul3A_719 = arith.mulf %gather3A_716, %gather3A_717 : vector<16xf32>
        %mul3A_720 = arith.mulf %mul3A_719, %gather3A_718 : vector<16xf32>
        %add3A_721 = arith.addf %add3A_707, %mul3A_720 : vector<16xf32>
        %add3A_722 = arith.constant 1 : i32
        %add3A_723 = vector.broadcast %add3A_722 : i32 to vector<16xi32>
        %add3A_724 = arith.addi %and3A_713, %add3A_723 : vector<16xi32>
        %and3A_725 = arith.constant 127 : i32
        %and3A_726 = vector.broadcast %and3A_725 : i32 to vector<16xi32>
        %and3A_727 = arith.andi %add3A_724, %and3A_726 : vector<16xi32>
        scf.yield %add3A_721, %and3A_727 : vector<16xf32>, vector<16xi32>
      }
      %scan3A_611 = arith.constant 128 : i32
      %mul3A_612 = arith.constant 16 : i32
      %mul3A_613 = arith.muli %scan3A_599, %mul3A_612 : i32
      %add3A_614 = arith.constant 256 : i32
      %add3A_615 = arith.addi %add3A_614, %mul3A_613 : i32
      %swap3A = arith.index_cast %add3A_615 : i32 to index
      %swap3A_616 = tpu.vector_load %arg8[%swap3A] {strides = array<i32>} : memref<384xf32, #tpu.memory_space<vmem>>, vector<16xf32>,
      tpu.vector_store %arg8[%swap3A], %scan3A_610#0 {strides = array<i32>} : memref<384xf32, #tpu.memory_space<vmem>>, vector<16xf32>,
    }
    %scan3A_545 = arith.constant 4 : i32
    %dma_wait3A_546 = arith.constant 2 : i32
    %dma_wait3A_547 = arith.constant 2 : i32
    %dma_wait3A_548 = arith.constant 0 : i32
    %dma_wait3A_549 = arith.constant 0 : i32
    %dma_wait3A_550 = tpu.memref_slice %arg11[%dma_wait3A_546, %dma_wait3A_548, %dma_wait3A_549] : memref<3x64x128xf32, #tpu.memory_space<vmem>> -> memref<1x64x128xf32, #tpu.memory_space<vmem>>
    %dma_wait3A_551 = tpu.memref_squeeze %dma_wait3A_550 : memref<1x64x128xf32, #tpu.memory_space<vmem>> -> memref<64x128xf32, #tpu.memory_space<vmem>>
    %dma_wait3A_552 = arith.constant 320 : i32
    %dma_wait3A_553 = tpu.memref_slice %arg7[%dma_wait3A_552] : memref<384xi32, #tpu.memory_space<vmem>> -> memref<64xi32, #tpu.memory_space<vmem>>
    %dma_wait3A_554 = arith.constant 0 : i32
    %dma_wait3A_555 = arith.constant 0 : i32
    %dma_wait3A_556 = tpu.memref_slice %arg5[%dma_wait3A_554, %dma_wait3A_555] : memref<1000x128xf32, #tpu.memory_space<hbm>> -> memref<1000x128xf32, #tpu.memory_space<hbm>>
    %dma_wait3A_557 = tpu.memref_slice %arg12[%dma_wait3A_547] : memref<3x!tpu.dma_semaphore, #tpu.memory_space<semaphore_mem>> -> memref<1x!tpu.dma_semaphore, #tpu.memory_space<semaphore_mem>>
    %dma_wait3A_558 = tpu.memref_squeeze %dma_wait3A_557 : memref<1x!tpu.dma_semaphore, #tpu.memory_space<semaphore_mem>> -> memref<!tpu.dma_semaphore, #tpu.memory_space<semaphore_mem>>
    tpu.wait_indirect_dma semaphore(%dma_wait3A_558 : memref<!tpu.dma_semaphore, #tpu.memory_space<semaphore_mem>>) src(%dma_wait3A_556 : memref<1000x128xf32, #tpu.memory_space<hbm>>) dst(%dma_wait3A_551 : memref<64x128xf32, #tpu.memory_space<vmem>>)
    %dma_wait3A_559 = arith.constant 2 : i32
    %dma_wait3A_560 = arith.constant 2 : i32
    %dma_wait3A_561 = arith.constant 0 : i32
    %dma_wait3A_562 = arith.constant 0 : i32
    %dma_wait3A_563 = tpu.memref_slice %arg9[%dma_wait3A_559, %dma_wait3A_561, %dma_wait3A_562] : memref<3x64x128xf32, #tpu.memory_space<vmem>> -> memref<1x64x128xf32, #tpu.memory_space<vmem>>
    %dma_wait3A_564 = tpu.memref_squeeze %dma_wait3A_563 : memref<1x64x128xf32, #tpu.memory_space<vmem>> -> memref<64x128xf32, #tpu.memory_space<vmem>>
    %dma_wait3A_565 = arith.constant 0 : i32
    %dma_wait3A_566 = tpu.memref_slice %arg2[%add3A_447, %dma_wait3A_565] : memref<16384x128xf32, #tpu.memory_space<hbm>> -> memref<64x128xf32, #tpu.memory_space<hbm>>
    %dma_wait3A_567 = tpu.memref_slice %arg12[%dma_wait3A_560] : memref<3x!tpu.dma_semaphore, #tpu.memory_space<semaphore_mem>> -> memref<1x!tpu.dma_semaphore, #tpu.memory_space<semaphore_mem>>
    %dma_wait3A_568 = tpu.memref_squeeze %dma_wait3A_567 : memref<1x!tpu.dma_semaphore, #tpu.memory_space<semaphore_mem>> -> memref<!tpu.dma_semaphore, #tpu.memory_space<semaphore_mem>>
    %dma_wait3A_569 = arith.constant 0 : i32
    %dma_wait3A_570 = arith.constant 0 : i32
    %dma_wait3A_571 = tpu.memref_slice %arg9[%dma_wait3A_559, %dma_wait3A_569, %dma_wait3A_570] : memref<3x64x128xf32, #tpu.memory_space<vmem>> -> memref<1x64x128xf32, #tpu.memory_space<vmem>>
    %dma_wait3A_572 = tpu.memref_squeeze %dma_wait3A_571 : memref<1x64x128xf32, #tpu.memory_space<vmem>> -> memref<64x128xf32, #tpu.memory_space<vmem>>
    %dma_wait3A_573 = arith.constant 0 : i32
    %dma_wait3A_574 = tpu.memref_slice %arg2[%add3A_447, %dma_wait3A_573] : memref<16384x128xf32, #tpu.memory_space<hbm>> -> memref<64x128xf32, #tpu.memory_space<hbm>>
    tpu.wait_dma2 semaphore(%dma_wait3A_568 : memref<!tpu.dma_semaphore, #tpu.memory_space<semaphore_mem>>) src(%dma_wait3A_574 : memref<64x128xf32, #tpu.memory_space<hbm>>) dst(%dma_wait3A_572 : memref<64x128xf32, #tpu.memory_space<vmem>>)
    %dma_wait3A_575 = arith.constant 2 : i32
    %dma_wait3A_576 = arith.constant 2 : i32
    %dma_wait3A_577 = arith.constant 0 : i32
    %dma_wait3A_578 = arith.constant 0 : i32
    %dma_wait3A_579 = tpu.memref_slice %arg10[%dma_wait3A_575, %dma_wait3A_577, %dma_wait3A_578] : memref<3x64x128xf32, #tpu.memory_space<vmem>> -> memref<1x64x128xf32, #tpu.memory_space<vmem>>
    %dma_wait3A_580 = tpu.memref_squeeze %dma_wait3A_579 : memref<1x64x128xf32, #tpu.memory_space<vmem>> -> memref<64x128xf32, #tpu.memory_space<vmem>>
    %dma_wait3A_581 = arith.constant 0 : i32
    %dma_wait3A_582 = tpu.memref_slice %arg4[%add3A_447, %dma_wait3A_581] : memref<16384x128xf32, #tpu.memory_space<hbm>> -> memref<64x128xf32, #tpu.memory_space<hbm>>
    %dma_wait3A_583 = tpu.memref_slice %arg12[%dma_wait3A_576] : memref<3x!tpu.dma_semaphore, #tpu.memory_space<semaphore_mem>> -> memref<1x!tpu.dma_semaphore, #tpu.memory_space<semaphore_mem>>
    %dma_wait3A_584 = tpu.memref_squeeze %dma_wait3A_583 : memref<1x!tpu.dma_semaphore, #tpu.memory_space<semaphore_mem>> -> memref<!tpu.dma_semaphore, #tpu.memory_space<semaphore_mem>>
    %dma_wait3A_585 = arith.constant 0 : i32
    %dma_wait3A_586 = arith.constant 0 : i32
    %dma_wait3A_587 = tpu.memref_slice %arg10[%dma_wait3A_575, %dma_wait3A_585, %dma_wait3A_586] : memref<3x64x128xf32, #tpu.memory_space<vmem>> -> memref<1x64x128xf32, #tpu.memory_space<vmem>>
    %dma_wait3A_588 = tpu.memref_squeeze %dma_wait3A_587 : memref<1x64x128xf32, #tpu.memory_space<vmem>> -> memref<64x128xf32, #tpu.memory_space<vmem>>
    %dma_wait3A_589 = arith.constant 0 : i32
    %dma_wait3A_590 = tpu.memref_slice %arg4[%add3A_447, %dma_wait3A_589] : memref<16384x128xf32, #tpu.memory_space<hbm>> -> memref<64x128xf32, #tpu.memory_space<hbm>>
    tpu.wait_dma2 semaphore(%dma_wait3A_584 : memref<!tpu.dma_semaphore, #tpu.memory_space<semaphore_mem>>) src(%dma_wait3A_590 : memref<64x128xf32, #tpu.memory_space<hbm>>) dst(%dma_wait3A_588 : memref<64x128xf32, #tpu.memory_space<vmem>>)
    %broadcast_in_dim3A_591 = arith.constant 2 : i32
    %broadcast_in_dim3A_592 = vector.broadcast %broadcast_in_dim3A_591 : i32 to vector<16xi32>
    %scan3A_593 = arith.constant 0 : i32
    %scan3A_594 = arith.constant 0 : i32
    %scan3A_595 = arith.constant 4 : i32
    %scan3A_596 = arith.addi %scan3A_594, %scan3A_595 : i32
    %scan3A_597 = arith.constant 1 : i32
    scf.for %scan3A_599 = %scan3A_594 to %scan3A_596 step %scan3A_597  : i32 {
      %mul3A_600 = arith.constant 16 : i32
      %mul3A_601 = arith.muli %scan3A_599, %mul3A_600 : i32
      %add3A_602 = vector.broadcast %mul3A_601 : i32 to vector<16xi32>
      %add3A_603 = arith.addi %add3A_602, %iota3A : vector<16xi32>
      %broadcast_in_dim3A_604 = arith.constant 0.000000e+00 : f32
      %broadcast_in_dim3A_605 = vector.broadcast %broadcast_in_dim3A_604 : f32 to vector<16xf32>
      %scan3A_606 = arith.constant 0 : i32
      %scan3A_607 = arith.constant 128 : i32
      %scan3A_608 = arith.addi %scan3A_606, %scan3A_607 : i32
      %scan3A_609 = arith.constant 8 : i32
      %scan3A_610:2 = scf.for %scan3A_617 = %scan3A_606 to %scan3A_608 step %scan3A_609 iter_args(%scan3A_618 = %broadcast_in_dim3A_605, %scan3A_619 = %iota3A) -> (vector<16xf32>, vector<16xi32>)  : i32 {
        %gather3A = tpu.vector_load_idx %arg9[%broadcast_in_dim3A_592, %add3A_603, %scan3A_619] : memref<3x64x128xf32, #tpu.memory_space<vmem>>[vector<16xi32>, vector<16xi32>, vector<16xi32>], vector<16xf32>,
        %gather3A_620 = tpu.vector_load_idx %arg11[%broadcast_in_dim3A_592, %add3A_603, %scan3A_619] : memref<3x64x128xf32, #tpu.memory_space<vmem>>[vector<16xi32>, vector<16xi32>, vector<16xi32>], vector<16xf32>,
        %gather3A_621 = tpu.vector_load_idx %arg10[%broadcast_in_dim3A_592, %add3A_603, %scan3A_619] : memref<3x64x128xf32, #tpu.memory_space<vmem>>[vector<16xi32>, vector<16xi32>, vector<16xi32>], vector<16xf32>,
        %mul3A_622 = arith.mulf %gather3A, %gather3A_620 : vector<16xf32>
        %mul3A_623 = arith.mulf %mul3A_622, %gather3A_621 : vector<16xf32>
        %add3A_624 = arith.addf %scan3A_618, %mul3A_623 : vector<16xf32>
        %add3A_625 = arith.constant 1 : i32
        %add3A_626 = vector.broadcast %add3A_625 : i32 to vector<16xi32>
        %add3A_627 = arith.addi %scan3A_619, %add3A_626 : vector<16xi32>
        %and3A = arith.constant 127 : i32
        %and3A_628 = vector.broadcast %and3A : i32 to vector<16xi32>
        %and3A_629 = arith.andi %add3A_627, %and3A_628 : vector<16xi32>
        %scan3A_630 = arith.constant 1 : i32
        %scan3A_631 = arith.addi %scan3A_617, %scan3A_630 : i32
        %gather3A_632 = tpu.vector_load_idx %arg9[%broadcast_in_dim3A_592, %add3A_603, %and3A_629] : memref<3x64x128xf32, #tpu.memory_space<vmem>>[vector<16xi32>, vector<16xi32>, vector<16xi32>], vector<16xf32>,
        %gather3A_633 = tpu.vector_load_idx %arg11[%broadcast_in_dim3A_592, %add3A_603, %and3A_629] : memref<3x64x128xf32, #tpu.memory_space<vmem>>[vector<16xi32>, vector<16xi32>, vector<16xi32>], vector<16xf32>,
        %gather3A_634 = tpu.vector_load_idx %arg10[%broadcast_in_dim3A_592, %add3A_603, %and3A_629] : memref<3x64x128xf32, #tpu.memory_space<vmem>>[vector<16xi32>, vector<16xi32>, vector<16xi32>], vector<16xf32>,
        %mul3A_635 = arith.mulf %gather3A_632, %gather3A_633 : vector<16xf32>
        %mul3A_636 = arith.mulf %mul3A_635, %gather3A_634 : vector<16xf32>
        %add3A_637 = arith.addf %add3A_624, %mul3A_636 : vector<16xf32>
        %add3A_638 = arith.constant 1 : i32
        %add3A_639 = vector.broadcast %add3A_638 : i32 to vector<16xi32>
        %add3A_640 = arith.addi %and3A_629, %add3A_639 : vector<16xi32>
        %and3A_641 = arith.constant 127 : i32
        %and3A_642 = vector.broadcast %and3A_641 : i32 to vector<16xi32>
        %and3A_643 = arith.andi %add3A_640, %and3A_642 : vector<16xi32>
        %scan3A_644 = arith.constant 2 : i32
        %scan3A_645 = arith.addi %scan3A_617, %scan3A_644 : i32
        %gather3A_646 = tpu.vector_load_idx %arg9[%broadcast_in_dim3A_592, %add3A_603, %and3A_643] : memref<3x64x128xf32, #tpu.memory_space<vmem>>[vector<16xi32>, vector<16xi32>, vector<16xi32>], vector<16xf32>,
        %gather3A_647 = tpu.vector_load_idx %arg11[%broadcast_in_dim3A_592, %add3A_603, %and3A_643] : memref<3x64x128xf32, #tpu.memory_space<vmem>>[vector<16xi32>, vector<16xi32>, vector<16xi32>], vector<16xf32>,
        %gather3A_648 = tpu.vector_load_idx %arg10[%broadcast_in_dim3A_592, %add3A_603, %and3A_643] : memref<3x64x128xf32, #tpu.memory_space<vmem>>[vector<16xi32>, vector<16xi32>, vector<16xi32>], vector<16xf32>,
        %mul3A_649 = arith.mulf %gather3A_646, %gather3A_647 : vector<16xf32>
        %mul3A_650 = arith.mulf %mul3A_649, %gather3A_648 : vector<16xf32>
        %add3A_651 = arith.addf %add3A_637, %mul3A_650 : vector<16xf32>
        %add3A_652 = arith.constant 1 : i32
        %add3A_653 = vector.broadcast %add3A_652 : i32 to vector<16xi32>
        %add3A_654 = arith.addi %and3A_643, %add3A_653 : vector<16xi32>
        %and3A_655 = arith.constant 127 : i32
        %and3A_656 = vector.broadcast %and3A_655 : i32 to vector<16xi32>
        %and3A_657 = arith.andi %add3A_654, %and3A_656 : vector<16xi32>
        %scan3A_658 = arith.constant 3 : i32
        %scan3A_659 = arith.addi %scan3A_617, %scan3A_658 : i32
        %gather3A_660 = tpu.vector_load_idx %arg9[%broadcast_in_dim3A_592, %add3A_603, %and3A_657] : memref<3x64x128xf32, #tpu.memory_space<vmem>>[vector<16xi32>, vector<16xi32>, vector<16xi32>], vector<16xf32>,
        %gather3A_661 = tpu.vector_load_idx %arg11[%broadcast_in_dim3A_592, %add3A_603, %and3A_657] : memref<3x64x128xf32, #tpu.memory_space<vmem>>[vector<16xi32>, vector<16xi32>, vector<16xi32>], vector<16xf32>,
        %gather3A_662 = tpu.vector_load_idx %arg10[%broadcast_in_dim3A_592, %add3A_603, %and3A_657] : memref<3x64x128xf32, #tpu.memory_space<vmem>>[vector<16xi32>, vector<16xi32>, vector<16xi32>], vector<16xf32>,
        %mul3A_663 = arith.mulf %gather3A_660, %gather3A_661 : vector<16xf32>
        %mul3A_664 = arith.mulf %mul3A_663, %gather3A_662 : vector<16xf32>
        %add3A_665 = arith.addf %add3A_651, %mul3A_664 : vector<16xf32>
        %add3A_666 = arith.constant 1 : i32
        %add3A_667 = vector.broadcast %add3A_666 : i32 to vector<16xi32>
        %add3A_668 = arith.addi %and3A_657, %add3A_667 : vector<16xi32>
        %and3A_669 = arith.constant 127 : i32
        %and3A_670 = vector.broadcast %and3A_669 : i32 to vector<16xi32>
        %and3A_671 = arith.andi %add3A_668, %and3A_670 : vector<16xi32>
        %scan3A_672 = arith.constant 4 : i32
        %scan3A_673 = arith.addi %scan3A_617, %scan3A_672 : i32
        %gather3A_674 = tpu.vector_load_idx %arg9[%broadcast_in_dim3A_592, %add3A_603, %and3A_671] : memref<3x64x128xf32, #tpu.memory_space<vmem>>[vector<16xi32>, vector<16xi32>, vector<16xi32>], vector<16xf32>,
        %gather3A_675 = tpu.vector_load_idx %arg11[%broadcast_in_dim3A_592, %add3A_603, %and3A_671] : memref<3x64x128xf32, #tpu.memory_space<vmem>>[vector<16xi32>, vector<16xi32>, vector<16xi32>], vector<16xf32>,
        %gather3A_676 = tpu.vector_load_idx %arg10[%broadcast_in_dim3A_592, %add3A_603, %and3A_671] : memref<3x64x128xf32, #tpu.memory_space<vmem>>[vector<16xi32>, vector<16xi32>, vector<16xi32>], vector<16xf32>,
        %mul3A_677 = arith.mulf %gather3A_674, %gather3A_675 : vector<16xf32>
        %mul3A_678 = arith.mulf %mul3A_677, %gather3A_676 : vector<16xf32>
        %add3A_679 = arith.addf %add3A_665, %mul3A_678 : vector<16xf32>
        %add3A_680 = arith.constant 1 : i32
        %add3A_681 = vector.broadcast %add3A_680 : i32 to vector<16xi32>
        %add3A_682 = arith.addi %and3A_671, %add3A_681 : vector<16xi32>
        %and3A_683 = arith.constant 127 : i32
        %and3A_684 = vector.broadcast %and3A_683 : i32 to vector<16xi32>
        %and3A_685 = arith.andi %add3A_682, %and3A_684 : vector<16xi32>
        %scan3A_686 = arith.constant 5 : i32
        %scan3A_687 = arith.addi %scan3A_617, %scan3A_686 : i32
        %gather3A_688 = tpu.vector_load_idx %arg9[%broadcast_in_dim3A_592, %add3A_603, %and3A_685] : memref<3x64x128xf32, #tpu.memory_space<vmem>>[vector<16xi32>, vector<16xi32>, vector<16xi32>], vector<16xf32>,
        %gather3A_689 = tpu.vector_load_idx %arg11[%broadcast_in_dim3A_592, %add3A_603, %and3A_685] : memref<3x64x128xf32, #tpu.memory_space<vmem>>[vector<16xi32>, vector<16xi32>, vector<16xi32>], vector<16xf32>,
        %gather3A_690 = tpu.vector_load_idx %arg10[%broadcast_in_dim3A_592, %add3A_603, %and3A_685] : memref<3x64x128xf32, #tpu.memory_space<vmem>>[vector<16xi32>, vector<16xi32>, vector<16xi32>], vector<16xf32>,
        %mul3A_691 = arith.mulf %gather3A_688, %gather3A_689 : vector<16xf32>
        %mul3A_692 = arith.mulf %mul3A_691, %gather3A_690 : vector<16xf32>
        %add3A_693 = arith.addf %add3A_679, %mul3A_692 : vector<16xf32>
        %add3A_694 = arith.constant 1 : i32
        %add3A_695 = vector.broadcast %add3A_694 : i32 to vector<16xi32>
        %add3A_696 = arith.addi %and3A_685, %add3A_695 : vector<16xi32>
        %and3A_697 = arith.constant 127 : i32
        %and3A_698 = vector.broadcast %and3A_697 : i32 to vector<16xi32>
        %and3A_699 = arith.andi %add3A_696, %and3A_698 : vector<16xi32>
        %scan3A_700 = arith.constant 6 : i32
        %scan3A_701 = arith.addi %scan3A_617, %scan3A_700 : i32
        %gather3A_702 = tpu.vector_load_idx %arg9[%broadcast_in_dim3A_592, %add3A_603, %and3A_699] : memref<3x64x128xf32, #tpu.memory_space<vmem>>[vector<16xi32>, vector<16xi32>, vector<16xi32>], vector<16xf32>,
        %gather3A_703 = tpu.vector_load_idx %arg11[%broadcast_in_dim3A_592, %add3A_603, %and3A_699] : memref<3x64x128xf32, #tpu.memory_space<vmem>>[vector<16xi32>, vector<16xi32>, vector<16xi32>], vector<16xf32>,
        %gather3A_704 = tpu.vector_load_idx %arg10[%broadcast_in_dim3A_592, %add3A_603, %and3A_699] : memref<3x64x128xf32, #tpu.memory_space<vmem>>[vector<16xi32>, vector<16xi32>, vector<16xi32>], vector<16xf32>,
        %mul3A_705 = arith.mulf %gather3A_702, %gather3A_703 : vector<16xf32>
        %mul3A_706 = arith.mulf %mul3A_705, %gather3A_704 : vector<16xf32>
        %add3A_707 = arith.addf %add3A_693, %mul3A_706 : vector<16xf32>
        %add3A_708 = arith.constant 1 : i32
        %add3A_709 = vector.broadcast %add3A_708 : i32 to vector<16xi32>
        %add3A_710 = arith.addi %and3A_699, %add3A_709 : vector<16xi32>
        %and3A_711 = arith.constant 127 : i32
        %and3A_712 = vector.broadcast %and3A_711 : i32 to vector<16xi32>
        %and3A_713 = arith.andi %add3A_710, %and3A_712 : vector<16xi32>
        %scan3A_714 = arith.constant 7 : i32
        %scan3A_715 = arith.addi %scan3A_617, %scan3A_714 : i32
        %gather3A_716 = tpu.vector_load_idx %arg9[%broadcast_in_dim3A_592, %add3A_603, %and3A_713] : memref<3x64x128xf32, #tpu.memory_space<vmem>>[vector<16xi32>, vector<16xi32>, vector<16xi32>], vector<16xf32>,
        %gather3A_717 = tpu.vector_load_idx %arg11[%broadcast_in_dim3A_592, %add3A_603, %and3A_713] : memref<3x64x128xf32, #tpu.memory_space<vmem>>[vector<16xi32>, vector<16xi32>, vector<16xi32>], vector<16xf32>,
        %gather3A_718 = tpu.vector_load_idx %arg10[%broadcast_in_dim3A_592, %add3A_603, %and3A_713] : memref<3x64x128xf32, #tpu.memory_space<vmem>>[vector<16xi32>, vector<16xi32>, vector<16xi32>], vector<16xf32>,
        %mul3A_719 = arith.mulf %gather3A_716, %gather3A_717 : vector<16xf32>
        %mul3A_720 = arith.mulf %mul3A_719, %gather3A_718 : vector<16xf32>
        %add3A_721 = arith.addf %add3A_707, %mul3A_720 : vector<16xf32>
        %add3A_722 = arith.constant 1 : i32
        %add3A_723 = vector.broadcast %add3A_722 : i32 to vector<16xi32>
        %add3A_724 = arith.addi %and3A_713, %add3A_723 : vector<16xi32>
        %and3A_725 = arith.constant 127 : i32
        %and3A_726 = vector.broadcast %and3A_725 : i32 to vector<16xi32>
        %and3A_727 = arith.andi %add3A_724, %and3A_726 : vector<16xi32>
        scf.yield %add3A_721, %and3A_727 : vector<16xf32>, vector<16xi32>
      }
      %scan3A_611 = arith.constant 128 : i32
      %mul3A_612 = arith.constant 16 : i32
      %mul3A_613 = arith.muli %scan3A_599, %mul3A_612 : i32
      %add3A_614 = arith.constant 320 : i32
      %add3A_615 = arith.addi %add3A_614, %mul3A_613 : i32
      %swap3A = arith.index_cast %add3A_615 : i32 to index
      %swap3A_616 = tpu.vector_load %arg8[%swap3A] {strides = array<i32>} : memref<384xf32, #tpu.memory_space<vmem>>, vector<16xf32>,
      tpu.vector_store %arg8[%swap3A], %scan3A_610#0 {strides = array<i32>} : memref<384xf32, #tpu.memory_space<vmem>>, vector<16xf32>,
    }
    %scan3A_598 = arith.constant 4 : i32
    "tpu.region"() ({
      %run_scoped3A = tpu.sem_alloc : memref<!tpu.dma_semaphore, #tpu.memory_space<semaphore_mem>>
      %dma_start3A_599 = tpu.memref_slice %arg6[%mul3A_2] : memref<12288xf32, #tpu.memory_space<hbm>> -> memref<384xf32, #tpu.memory_space<hbm>>
      %dma_start3A_600 = tpu.memref_slice %arg6[%mul3A_2] : memref<12288xf32, #tpu.memory_space<hbm>> -> memref<384xf32, #tpu.memory_space<hbm>>
      tpu.enqueue_dma source(%arg8 : memref<384xf32, #tpu.memory_space<vmem>>) target(%dma_start3A_600 : memref<384xf32, #tpu.memory_space<hbm>>) target_semaphore(%run_scoped3A : memref<!tpu.dma_semaphore, #tpu.memory_space<semaphore_mem>>)
      %dma_wait3A_601 = tpu.memref_slice %arg6[%mul3A_2] : memref<12288xf32, #tpu.memory_space<hbm>> -> memref<384xf32, #tpu.memory_space<hbm>>
      %dma_wait3A_602 = tpu.memref_slice %arg6[%mul3A_2] : memref<12288xf32, #tpu.memory_space<hbm>> -> memref<384xf32, #tpu.memory_space<hbm>>
      tpu.wait_dma2 semaphore(%run_scoped3A : memref<!tpu.dma_semaphore, #tpu.memory_space<semaphore_mem>>) src(%arg8 : memref<384xf32, #tpu.memory_space<vmem>>) dst(%dma_wait3A_602 : memref<384xf32, #tpu.memory_space<hbm>>)
      tpu.yield
    }) : () -> ()
    return
  }
}

module attributes {stable_mosaic.version = 14 : i64} {
  func.func @_tc_body(%arg0: i32, %arg1: memref<512x128xf32, #tpu.memory_space<vmem>>, %arg2: memref<512xi32, #tpu.memory_space<vmem>>, %arg3: memref<512x128xf32, #tpu.memory_space<vmem>>, %arg4: memref<1000x128xf32, #tpu.memory_space<any>>, %arg5: memref<512xf32, #tpu.memory_space<vmem>>, %arg6: memref<1024x128xf32, #tpu.memory_space<vmem>>, %arg7: memref<!tpu.dma_semaphore, #tpu.memory_space<semaphore_mem>>) attributes {dimension_semantics = [#tpu.dimension_semantics<arbitrary>], iteration_bounds = array<i64: 8>, scalar_prefetch = 0 : i64, scratch_operands = 2 : i64, tpu.core_type = #tpu.core_type<tc>, window_params = [{transform_indices = @transform_0, window_bounds = array<i64: 512, 128>}, {transform_indices = @transform_1, window_bounds = array<i64: 512>}, {transform_indices = @transform_2, window_bounds = array<i64: 512, 128>}, {}, {transform_indices = @transform_4, window_bounds = array<i64: 512>}]} {
    %eq3A = arith.constant 0 : i32
    %eq3A_0 = arith.cmpi eq, %arg0, %eq3A : i32
    %convert_element_type3A = arith.extui %eq3A_0 : i1 to i32
    %cond3A = arith.constant 0 : i32
    %cond3A_1 = arith.cmpi ne, %convert_element_type3A, %cond3A : i32
    scf.if %cond3A_1 {
      %dma_start3A = arith.constant 0 : i32
      %dma_start3A_21 = arith.constant 0 : i32
      %dma_start3A_22 = tpu.memref_slice %arg6[%dma_start3A, %dma_start3A_21] : memref<1024x128xf32, #tpu.memory_space<vmem>> -> memref<1000x128xf32, #tpu.memory_space<vmem>>
      tpu.enqueue_dma source(%arg4 : memref<1000x128xf32, #tpu.memory_space<any>>) target(%dma_start3A_22 : memref<1000x128xf32, #tpu.memory_space<vmem>>) target_semaphore(%arg7 : memref<!tpu.dma_semaphore, #tpu.memory_space<semaphore_mem>>)
      %broadcast_in_dim3A_23 = arith.constant 0.000000e+00 : f32
      %broadcast_in_dim3A_24 = vector.broadcast %broadcast_in_dim3A_23 : f32 to vector<24x128xf32>
      %swap3A_25 = arith.constant 1000 : index
      %swap3A_26 = arith.constant 0 : index
      %swap3A_27 = vector.load %arg6[%swap3A_25, %swap3A_26] : memref<1024x128xf32, #tpu.memory_space<vmem>>, vector<24x128xf32>
      tpu.vector_store %arg6[%swap3A_25, %swap3A_26], %broadcast_in_dim3A_24 {strides = array<i32>} : memref<1024x128xf32, #tpu.memory_space<vmem>>, vector<24x128xf32>,
      %dma_wait3A = arith.constant 0 : i32
      %dma_wait3A_28 = arith.constant 0 : i32
      %dma_wait3A_29 = tpu.memref_slice %arg6[%dma_wait3A, %dma_wait3A_28] : memref<1024x128xf32, #tpu.memory_space<vmem>> -> memref<1000x128xf32, #tpu.memory_space<vmem>>
      tpu.wait_dma2 semaphore(%arg7 : memref<!tpu.dma_semaphore, #tpu.memory_space<semaphore_mem>>) src(%arg4 : memref<1000x128xf32, #tpu.memory_space<any>>) dst(%dma_wait3A_29 : memref<1000x128xf32, #tpu.memory_space<vmem>>)
    } else {
    }
    %get3A = arith.constant 0 : index
    %get3A_2 = vector.load %arg2[%get3A] : memref<512xi32, #tpu.memory_space<vmem>>, vector<512xi32>
    %broadcast_in_dim3A = vector.shape_cast %get3A_2 : vector<512xi32> to vector<512x1xi32>
    %iota3A = tpu.iota {dimensions = array<i32: 1>} : vector<1x1024xi32>
    %eq3A_3 = vector.broadcast %broadcast_in_dim3A : vector<512x1xi32> to vector<512x1024xi32>
    %eq3A_4 = vector.broadcast %iota3A : vector<1x1024xi32> to vector<512x1024xi32>
    %eq3A_5 = arith.cmpi eq, %eq3A_3, %eq3A_4 : vector<512x1024xi32>
    %convert_element_type3A_6 = arith.extui %eq3A_5 : vector<512x1024xi1> to vector<512x1024xi32>
    %convert_element_type3A_7 = arith.sitofp %convert_element_type3A_6 : vector<512x1024xi32> to vector<512x1024xf32>
    %get3A_8 = arith.constant 0 : index
    %get3A_9 = arith.constant 0 : index
    %get3A_10 = vector.load %arg6[%get3A_8, %get3A_9] : memref<1024x128xf32, #tpu.memory_space<vmem>>, vector<1024x128xf32>
    %dot_general3A = arith.constant dense<0.000000e+00> : vector<512x128xf32>
    %dot_general3A_11 = tpu.matmul %convert_element_type3A_7, %get3A_10, %dot_general3A {dimension_numbers = #tpu.dot_dimension_numbers<[1], [0], [0], [1], [0, 0, 1, 1], [], []>, transpose_lhs_hint = false} : vector<512x1024xf32>, vector<1024x128xf32>, vector<512x128xf32> -> vector<512x128xf32>
    %get3A_12 = arith.constant 0 : index
    %get3A_13 = arith.constant 0 : index
    %get3A_14 = vector.load %arg1[%get3A_12, %get3A_13] : memref<512x128xf32, #tpu.memory_space<vmem>>, vector<512x128xf32>
    %mul3A = arith.mulf %get3A_14, %dot_general3A_11 : vector<512x128xf32>
    %get3A_15 = arith.constant 0 : index
    %get3A_16 = arith.constant 0 : index
    %get3A_17 = vector.load %arg3[%get3A_15, %get3A_16] : memref<512x128xf32, #tpu.memory_space<vmem>>, vector<512x128xf32>
    %mul3A_18 = arith.mulf %mul3A, %get3A_17 : vector<512x128xf32>
    %reduce_sum3A = arith.constant dense<0.000000e+00> : vector<512xf32>
    %reduce_sum3A_19 = vector.multi_reduction <add>, %mul3A_18, %reduce_sum3A [1] : vector<512x128xf32> to vector<512xf32>
    %swap3A = arith.constant 0 : index
    %swap3A_20 = vector.load %arg5[%swap3A] : memref<512xf32, #tpu.memory_space<vmem>>, vector<512xf32>
    tpu.vector_store %arg5[%swap3A], %reduce_sum3A_19 {strides = array<i32>} : memref<512xf32, #tpu.memory_space<vmem>>, vector<512xf32>,
    return
  }
  func.func @transform_0(%arg0: i32) -> (i32, i32) {
    %add3A = arith.constant 24 : i32
    %add3A_0 = arith.addi %add3A, %arg0 : i32
    %c0_i32 = arith.constant 0 : i32
    %c0_i32_1 = arith.constant 0 : i32
    return %add3A_0, %c0_i32 : i32, i32
  }
  func.func @transform_1(%arg0: i32) -> i32 {
    %add3A = arith.constant 24 : i32
    %add3A_0 = arith.addi %add3A, %arg0 : i32
    %c0_i32 = arith.constant 0 : i32
    return %add3A_0 : i32
  }
  func.func @transform_2(%arg0: i32) -> (i32, i32) {
    %add3A = arith.constant 24 : i32
    %add3A_0 = arith.addi %add3A, %arg0 : i32
    %c0_i32 = arith.constant 0 : i32
    %c0_i32_1 = arith.constant 0 : i32
    return %add3A_0, %c0_i32 : i32, i32
  }
  func.func @transform_4(%arg0: i32) -> i32 {
    %c0_i32 = arith.constant 0 : i32
    return %arg0 : i32
  }
}

</mosaic_0001>

<sc_bundles>
// kernel: _distmult.4.cloned.1.call-start
scs
__scs_entry_jumppad:
0x0: {  	(pc) =	sbr.rel $0x88, $3  }
0x1: {  	(tag) =	ssettag $0x0;
	lr =	simm.s32 $0x1  }
0x2: {  	[smem:$0x3F9D] =	sst lr;
	_ =	strace $0xD0000000  }
0x3: {  	_ = 	snop  }
0x4: {  	_ = 	snop  }
0x5: {  	_ = 	snop  }
0x6: {  	_ = 	snop  }
0x7: {  	_ = 	snop  }
__scs_overlays_trampoline_lowered:
0x8: {  	[smem:$0x3FAC] =	sst s0  }
0x9: {  	[smem:$0x3FAD] =	sst s1  }
0xa: {  	[smem:$0x3FAE] =	sst s2  }
0xb: {  	[smem:$0x3FAF] =	sst s3  }
0xc: {  	[smem:$0x3FB0] =	sst s4  }
0xd: {  	[smem:$0x3FB1] =	sst s5  }
0xe: {  	[smem:$0x3FB2] =	sst s6  }
0xf: {  	[smem:$0x3FB3] =	sst s7  }
0x10: {  	[smem:$0x3FB4] =	sst s8  }
0x11: {  	[smem:$0x3FB5] =	sst s9;
	s0 =	simm.s32 @!p0 $0x0  }
0x12: {  	s1 =	sld [smem:$0x3F9B];
	s0 =	simm.s32 @p0 $0x1  }
0x13: {  	[smem:$0x3FB6] =	sst s0;
	s0 =	simm.s32 @!p1 $0x0  }
0x14: {  	s2 =	sld [smem:$0x3F9A];
	s0 =	simm.s32 @p1 $0x1  }
0x15: {  	[smem:$0x3FB7] =	sst s0;
	s0 =	simm.s32 @!p2 $0x0  }
0x16: {  	s3 =	sld [smem:$0x3FDB];
	s0 =	simm.s32 @p2 $0x1  }
0x17: {  	s4 =	simm.s32 $0x1BF5;
	[smem:$0x3FB9] =	sst s0  }
0x18: {  	s0 =	sld [smem:$0x3F9C];
	_ =	swait.ge [sflag:s4], $0x0  }
0x19: {  	s7 =	sld [smem:$0x3F9D]  }
0x1a: {  	s8 =	sadd.s32 $0xFFFFE003, lr  }
0x1b: {  	s9 =	sadd.s32 $0xFFFFFEF7, lr;
	s5 =	simm.s32 $0xFFFFFFFF;
	p2 =	slt.u32 s8, $0xFFFFF086  }
0x1c: {  	p1 =	slt.u32 s9, $0xF7A;
	s5 =	simm.s32 @!p2 $0x0  }
0x1d: {  	s5 =	simm.s32 @p1 $0x1;
	p0 =	seq.s32 s7, s2  }
0x1e: {  	s7 =	smul.u32 @!p0 $0xF7A, s2;
	p2 =	seq.s32 @!p0 s5, $0x0  }
0x1f: {  	s9 =	smul.u32 $0xF7A, s1;
	s8 =	simm.s32 @!p0 $0x1BF5;
	p2 =	por !p2, p0  }
0x20: {  	[sflag:s8] =	ssyncset.s32 @!p0 $0xFFFFF086;
	s6 =	sadd.s32 @!p0 s3, s7;
	s7 =	simm.s32 @!p0 $0x108  }
0x21: {  	s3 =	sadd.s32 s3, s9;
	s6 =	sadd.s32 @!p0 $0x88, s6;
	s7 =	simm.s32 @p2 $0x1082  }
0x22: {  	[simem:s7], [sflag:s8] =	dma.local @!p0 [hbm:s6], $0xF7A  }
0x23: {  	s9 =	sor.u32 $0xD0000000, s2;
	s6 =	simm.s32 $0x108;
	_ =	swait.ge @!p0 [sflag:s8], $0x0  }
0x24: {  	s3 =	sadd.s32 $0x88, s3;
	s6 =	simm.s32 @!p1 $0x1082;
	[sflag:s4] =	ssyncset.s32 $0xFFFFF086  }
0x25: {  	[simem:s6], [sflag:s4] =	dma.local [hbm:s3], $0xF7A  }
0x26: {  	[smem:$0x3F9D] =	sst s1;
	(tag) =	ssettag s2;
	_ =	strace s9  }
0x27: {  	s1 =	sld [smem:$0x3FAD]  }
0x28: {  	s2 =	sld [smem:$0x3FAE]  }
0x29: {  	s4 =	sld [smem:$0x3FB0]  }
0x2a: {  	p0 =	seq.s32 s5, $0x0;
	s5 =	sld [smem:$0x3FB1]  }
0x2b: {  	s6 =	sld [smem:$0x3FB2]  }
0x2c: {  	s7 =	sld [smem:$0x3FB3]  }
0x2d: {  	s3 =	simm.s32 $0x108;
	s8 =	sld [smem:$0x3FB4]  }
0x2e: {  	s3 =	simm.s32 @!p0 $0x1082;
	s9 =	sld [smem:$0x3FB5]  }
0x2f: {  	lr =	sadd.s32 s0, s3;
	s0 =	sld [smem:$0x3FAC]  }
0x30: {  	s3 =	sld [smem:$0x3FAF]  }
0x31: {  	[smem:$0x3FB8] =	sst s10  }
0x32: {  	s10 =	sld [smem:$0x3FB6];
	_ =	sdelay $0x3  }
0x33: {  	p0 =	seq.s32 s10, $0x1;
	s10 =	sld [smem:$0x3FB8];
	_ =	sdelay $0x3  }
0x34: {  	[smem:$0x3FB8] =	sst s10  }
0x35: {  	s10 =	sld [smem:$0x3FB7];
	_ =	sdelay $0x3  }
0x36: {  	p1 =	seq.s32 s10, $0x1;
	s10 =	sld [smem:$0x3FB8];
	_ =	sdelay $0x3  }
0x37: {  	[smem:$0x3FB8] =	sst s10  }
0x38: {  	s10 =	sld [smem:$0x3FB9]  }
0x39: {  	_ = 	snop;
	(pc) =	sbr.ind lr, $3  }
0x3a: {  	_ = 	snop  }
0x3b: {  	_ = 	snop  }
0x3c: {  	p2 =	seq.s32 s10, $0x1;
	s10 =	sld [smem:$0x3FB8]  }
0x3d: {  	_ =	shalt  }
0x3e: {  	_ =	shalt  }
0x3f: {  	_ =	shalt  }
0x40: {  	_ =	shalt  }
0x41: {  	_ =	shalt  }
0x42: {  	_ =	shalt  }
0x43: {  	_ =	shalt  }
0x44: {  	_ =	shalt  }
0x45: {  	_ =	shalt  }
0x46: {  	_ =	shalt  }
0x47: {  	_ =	shalt  }
0x48: {  	_ =	shalt  }
0x49: {  	_ =	shalt  }
0x4a: {  	_ =	shalt  }
0x4b: {  	_ =	shalt  }
0x4c: {  	_ =	shalt  }
0x4d: {  	_ =	shalt  }
0x4e: {  	_ =	shalt  }
0x4f: {  	_ =	shalt  }
0x50: {  	_ =	shalt  }
0x51: {  	_ =	shalt  }
0x52: {  	_ =	shalt  }
0x53: {  	_ =	shalt  }
0x54: {  	_ =	shalt  }
0x55: {  	_ =	shalt  }
0x56: {  	_ =	shalt  }
0x57: {  	_ =	shalt  }
0x58: {  	_ =	shalt  }
0x59: {  	_ =	shalt  }
0x5a: {  	_ =	shalt  }
0x5b: {  	_ =	shalt  }
0x5c: {  	_ =	shalt  }
0x5d: {  	_ =	shalt  }
0x5e: {  	_ =	shalt  }
0x5f: {  	_ =	shalt  }
0x60: {  	_ =	shalt  }
0x61: {  	_ =	shalt  }
0x62: {  	_ =	shalt  }
0x63: {  	_ =	shalt  }
0x64: {  	_ =	shalt  }
0x65: {  	_ =	shalt  }
0x66: {  	_ =	shalt  }
0x67: {  	_ =	shalt  }
0x68: {  	_ =	shalt  }
0x69: {  	_ =	shalt  }
0x6a: {  	_ =	shalt  }
0x6b: {  	_ =	shalt  }
0x6c: {  	_ =	shalt  }
0x6d: {  	_ =	shalt  }
0x6e: {  	_ =	shalt  }
0x6f: {  	_ =	shalt  }
0x70: {  	_ =	shalt  }
0x71: {  	_ =	shalt  }
0x72: {  	_ =	shalt  }
0x73: {  	_ =	shalt  }
0x74: {  	_ =	shalt  }
0x75: {  	_ =	shalt  }
0x76: {  	_ =	shalt  }
0x77: {  	_ =	shalt  }
0x78: {  	_ =	shalt  }
0x79: {  	_ =	shalt  }
0x7a: {  	_ =	shalt  }
0x7b: {  	_ =	shalt  }
0x7c: {  	_ =	shalt  }
0x7d: {  	_ =	shalt  }
0x7e: {  	_ =	shalt  }
0x7f: {  	_ =	shalt  }
0x80: {  	_ =	shalt  }
0x81: {  	_ =	shalt  }
0x82: {  	_ =	shalt  }
0x83: {  	_ =	shalt  }
0x84: {  	_ =	shalt  }
0x85: {  	_ =	shalt  }
0x86: {  	_ =	shalt  }
0x87: {  	_ =	shalt  }
.Lfunc_end0:
.L_simem_size_0:
called_computation_lowered:
.L_overlay_start_0:
0x88: {  	s2 =	sld [smem:$0x3FD9]  }
0x89: {  	s3 =	sld [smem:$0x3FFE];
	_ =	sdelay $0x1  }
0x8a: {  	s1 =	srdreg.scid  }
0x8b: {  	s0 =	sand.u32 $0x1, s1  }
0x8c: {  	s17 =	sshll.u32 s0, $0xA;
	s2 =	sadd.s32 s3, s2  }
0x8d: {  	s2 =	sadd.s32 s2, s17  }
0x8e: {  	[smem:$0x3FC4] =	sst s2  }
0x8f: {  	_ = 	snop  }
0x90: {  	s2 =	sld [smem:$0x3FC9]  }
0x91: {  	s18 =	sld [smem:$0x3FC8]  }
0x92: {  	s4 =	sld [smem:$0x3FC7]  }
0x93: {  	s5 =	sld [smem:$0x3FC6];
	(tm) =	ssettm $0x1  }
0x94: {  	s6 =	sld [smem:$0x3FFB];
	_ =	sdelay $0x3  }
0x95: {  	_ =	strace s6  }
0x96: {  	s6 =	sld [smem:$0x3FFC];
	_ =	sdelay $0x3  }
0x97: {  	_ =	strace s6  }
0x98: {  	s6 =	sld [smem:$0x3FFD];
	_ =	sdelay $0x3  }
0x99: {  	_ =	strace s6  }
0x9a: {  	_ =	strace $0x8FFFFFFF  }
0x9b: {  	s19 =	sld [smem:$0x3FDB];
	_ =	sdelay $0x1  }
0x9c: {  	s7 =	simm.s32 $_scs_section_size  }
0x9d: {  	s8 =	simm.s32 $_size__tile_overlayer_lowered;
	s9 =	simm.s32 $_tile_overlayer_lowered  }
0x9e: {  	s22 =	simm.s32 $0x1BFF;
	s21 =	sshll.u32 s9, $0x1;
	s6 =	sadd.s32 s7, s19  }
0x9f: {  	s10 =	simm.s32 $0x0;
	s20 =	sshll.u32 s8, $0x1;
	s8 =	sadd.s32 s21, s6  }
0xa0: {  	[timem:s10], [sflag:s22] =	dma.local [hbm:s8], s20  }
0xa1: {  	_ =	swait.ge [sflag:s22], s20  }
0xa2: {  	s7 =	ssub.s32 $0x0, s20;
	[sflag:s22] =	ssyncset.done $0x0  }
0xa3: {  	[sflag:s22] =	ssyncadd.s32 s7;
	_ =	sdelay $0x1  }
0xa4: {  	s23 =	simm.s32 $0x1B8B  }
0xa5: {  	_ =	swait.ge [sflag:s23], $0x1  }
0xa6: {  	[sflag:s23] =	ssyncset.done $0x0  }
0xa7: {  	s25 =	simm.s32 $0x1B8E;
	s24 =	sld [smem:$0x3FFE];
	[sflag:s23] =	ssyncadd.s32 $0xFFFFFFFF  }
0xa8: {  	s26 =	simm.s32 $execute0_lowered;
	[smem:$0x3FD2] =	sst s25  }
0xa9: {  	s8 =	sshll.u32 s26, $0x1;
	_ =	strace $0x80000046;
	[dreg:$0x1] =	wrdreg $0xFFFFFFFF  }
0xaa: {  	s28 =	simm.s32 $_size_execute0_lowered;
	s6 =	sadd.s32 s6, s8;
	[dreg:$0x0] =	wrdreg $0x0  }
0xab: {  	s8 =	sshll.u32 s28, $0x1;
	[dreg:$0x2] =	wrdreg s6  }
0xac: {  	[dreg:$0x3] =	wrdreg s8  }
0xad: {  	[dreg:$0x4] =	wrdreg $0xC0  }
0xae: {  	_ =	task [dreg:s10], $0x5FFFF  }
0xaf: {  	[dreg:$0x1] =	wrdreg $0xFFFFFFFF  }
0xb0: {  	[dreg:$0x0] =	wrdreg $0x60  }
0xb1: {  	[dreg:$0x2] =	wrdreg s2  }
0xb2: {  	[dreg:$0x3] =	wrdreg s18  }
0xb3: {  	[dreg:$0x4] =	wrdreg s4  }
0xb4: {  	[dreg:$0x5] =	wrdreg s5  }
0xb5: {  	[dreg:$0x6] =	wrdreg s24  }
0xb6: {  	[dreg:$0x7] =	wrdreg $0x9  }
0xb7: {  	_ =	task.clear_ibuf [dreg:s10], $0x8FFFF;
	_ =	strace $0x90000046  }
0xb8: {  	s29 =	simm.s32 $0x9;
	_ =	strace $0x80000048  }
0xb9: {  	_ =	swait.ge [sflag:s29], $0x1  }
0xba: {  	[sflag:s29] =	ssyncadd.s32 $0xFFFFFFFF  }
0xbb: {  	_ =	strace $0x90000048  }
0xbc: {  	_ =	sfence  }
0xbd: {  	s30 =	sld [smem:$0x0];
	_ =	sdelay $0x2  }
0xbe: {  	s31 =	sshll.u32 s1, $0xD;
	s1 =	sshrl.u32 s1, $0x2  }
0xbf: {  	s3 =	sand.u32 $0x4000, s31;
	s1 =	sadd.s32 s1, s30  }
0xc0: {  	s0 =	sor.u32 s3, s0;
	s1 =	sshll.u32 s1, $0x11  }
0xc1: {  	s0 =	sor.u32 s1, s0  }
0xc2: {  	s0 =	sadd.s32 $0x8F2B, s0  }
0xc3: {  	[sflag:s0] =	ssyncadd.remote.s32 $0x1  }
0xc4: {  	_ =	sfence.sel $0xFFFF  }
0xc5: {  	[dreg:$0x0] =	wrdreg $0xFFFFFFFF;
	(pc) =	sbr.abs _section_cstart, $3  }
0xc6: {  	[dreg:$0x1] =	wrdreg $0xFFFFFFFF  }
0xc7: {  	_ =	task.clear_ibuf [dreg:s10], $0x2FFFF;
	_ =	strace $0x9FFFFFFF  }
0xc8: {  	(tm) =	ssettm $0x7FFFFFFF  }
0xc9: {  	_ =	shalt  }
tec
execute0_lowered:
.L_overlay_start_1:
0x0: {  	(tag) =	ssettag $0x1  }
0x1: {  	s0 =	rddreg [dreg:$0x0]  }
0x2: {  	s1 =	rddreg [dreg:$0x1]  }
0x3: {  	s4 =	rddreg [dreg:$0x2]  }
0x4: {  	s2 =	rddreg [dreg:$0x3]  }
0x5: {  	s3 =	srdreg.scid;
	s7 =	stileid.u32  }
0x6: {  	s5 =	rddreg [dreg:$0x4];
	s28 =	simm.s32 $0x1;
	s30 =	simm.s32 $0x10300  }
0x7: {  	s31 =	simm.s32 $0x4300;
	s6 =	sand.u32 $0x1, s3;
	s7 =	sshll.u32 s7, $0x1  }
0x8: {  	s29 =	simm.s32 $0x3;
	s3 =	simm.s32 $0x0;
	s7 =	sor.u32 s6, s7  }
0x9: {  	[smem:$0x7FF] =	sst s3;
	s6 =	ssub.s32 $0x2, s6;
	s8 =	smul.u32 $0x30, s7  }
0xa: {  	_ =	strace $0x80000047;
	s9 =	smul.u32 $0x1800, s7;
	s10 =	sshrl.u32 s6, $0x1  }
0xb: {  	s7 =	smul.u32 $0xC000, s7;
	s6 =	ssub.s32 s6, s10;
	s1 =	sadd.s32 s1, s8  }
0xc: {  	s5 =	sadd.s32 s8, s5;
	s19 =	sadd.s32 s0, s9;
	[dreg:$0x6] =	wrdreg s1  }
0xd: {  	s20 =	sadd.s32 s4, s9;
	s21 =	sor.u32 $0x400, s9;
	[dreg:$0x7] =	wrdreg s19  }
0xe: {  	s7 =	sshrl.u32 s7, $0x3;
	s18 =	smax.u32 s6, $0x1;
	[dreg:$0x8] =	wrdreg s20  }
0xf: {  	s22 =	sadd.s32 s0, s21;
	s8 =	sadd.s32 s4, s21;
	s23 =	sadd.s32 $0x800, s7  }
0x10: {  	s24 =	sadd.s32 $0xC00, s7;
	s25 =	sadd.s32 $0x1000, s7;
	s26 =	sadd.s32 $0x1400, s7  }
0x11: {  	s17 =	sadd.s32 $0xC00, s5;
	s19 =	simm.s32 $0x4;
	s20 =	simm.s32 $0x40  }
0x12: {  	s21 =	simm.s32 $0xC300;
	s1 =	simm.s32 $0xA300;
	[dreg:$0x9] =	wrdreg s22  }
0x13: {  	s9 =	sadd.s32 s0, s23;
	s10 =	sadd.s32 s4, s23;
	s11 =	sadd.s32 s0, s24  }
0x14: {  	s12 =	sadd.s32 s4, s24;
	s13 =	sadd.s32 s0, s25;
	s14 =	sadd.s32 s4, s25  }
0x15: {  	s15 =	sadd.s32 s0, s26;
	s16 =	sadd.s32 s4, s26;
	s22 =	simm.s32 $0x300  }
0x16: {  	s23 =	simm.s32 $0x6300;
	s24 =	simm.s32 $0xE300;
	s25 =	simm.s32 $0x2300  }
0x17: {  	s26 =	simm.s32 $0x8300;
	s0 =	simm.s32 $0x2;
	s4 =	simm.s32 $0x0  }
.LBB2_1:
0x18: {  	s5 =	rddreg [dreg:$0x6]  }
0x19: {  	[tilespmem:s3], [sflag:$0x4] =	stream.linear.gather [hbm4b:s5+s3], $0x180, $0x38;
	[tilespmem:$0x12300] =	vst v63  }
0x1a: {  	_ =	swait.ge [sflag:s19], $0x180  }
0x1b: {  	[sflag:s19] =	ssyncset.done $0x0  }
0x1c: {  	[sflag:s19] =	ssyncadd.s32 $0xFFFFFE80  }
0x1d: {  	[tilespmem:s21], [sflag:$0x1] =	stream.indirect.gather [hbm4b:s2+s20], $0x80, s3, s20, $0xb8;
	[tilespmem:$0x12300] =	vst v63  }
0x1e: {  	s7 =	rddreg [dreg:$0x7]  }
0x1f: {  	[tilespmem:s22], [sflag:$0x1] =	stream.linear.gather [hbm4b:s7+s3], $0x2000, $0x38;
	[tilespmem:$0x12300] =	vst v63  }
0x20: {  	s6 =	rddreg [dreg:$0x8]  }
0x21: {  	[tilespmem:s23], [sflag:$0x1] =	stream.linear.gather [hbm4b:s6+s3], $0x2000, $0x38;
	[tilespmem:$0x12300] =	vst v63  }
0x22: {  	_ = 	snop  }
0x23: {  	[tilespmem:s24], [sflag:$0x2] =	stream.indirect.gather [hbm4b:s2+s20], $0x80, s20, s20, $0xb8;
	[tilespmem:$0x12300] =	vst v63  }
0x24: {  	s7 =	rddreg [dreg:$0x9]  }
0x25: {  	[tilespmem:s25], [sflag:$0x2] =	stream.linear.gather [hbm4b:s7+s3], $0x2000, $0x38;
	[tilespmem:$0x12300] =	vst v63  }
0x26: {  	_ = 	snop  }
0x27: {  	[tilespmem:s26], [sflag:$0x2] =	stream.linear.gather [hbm4b:s8+s3], $0x2000, $0x38;
	[tilespmem:$0x12300] =	vst v63  }
0x28: {  	_ =	swait.ge [sflag:s28], $0x2000  }
0x29: {  	[sflag:s28] =	ssyncset.done $0x0  }
0x2a: {  	[sflag:s28] =	ssyncadd.s32 $0xFFFFE000  }
0x2b: {  	_ =	swait.ge [sflag:s28], $0x2000  }
0x2c: {  	[sflag:s28] =	ssyncset.done $0x0  }
0x2d: {  	[sflag:s28] =	ssyncadd.s32 $0xFFFFE000  }
0x2e: {  	_ =	swait.ge [sflag:s28], $0x2000  }
0x2f: {  	[sflag:s28] =	ssyncset.done $0x0  }
0x30: {  	s5 =	simm.s32 $0x0;
	[sflag:s28] =	ssyncadd.s32 $0xFFFFE000  }
.LBB2_2:
0x31: {  	s6 =	sshll.u32 s5, $0x4;
	v1 =	vlaneseq.u32  }
0x32: {  	v0 =	vmov s6;
	v2 =	vmul.u32 $0x80, v1  }
0x33: {  	v0 =	vshll.u32 v0, $0x7  }
0x34: {  	v0 =	vor.u32 v2, v0  }
0x35: {  	v3 =	vadd.s32 $0x1, v1;
	v2 =	vor.u32 v0, v1  }
0x36: {  	v3 =	vand.u32 $0x7F, v3  }
0x37: {  	v3 =	vor.u32 v0, v3;
	_ =	sdelay $0x1  }
0x38: {  	v4 =	vadd.s32 $0x2, v1  }
0x39: {  	v4 =	vand.u32 $0x7F, v4;
	v6 =	vld.idx.msk [tilespmem:v2+s22+$0x0], $0xffff  }
0x3a: {  	v4 =	vor.u32 v0, v4;
	v7 =	vld.idx.msk [tilespmem:v2+s21+$0x0], $0xffff  }
0x3b: {  	v8 =	vld.idx.msk [tilespmem:v3+s22+$0x0], $0xffff  }
0x3c: {  	v5 =	vadd.s32 $0x3, v1;
	v9 =	vld.idx.msk [tilespmem:v3+s21+$0x0], $0xffff  }
0x3d: {  	v5 =	vand.u32 $0x7F, v5;
	v10 =	vld.idx.msk [tilespmem:v2+s23+$0x0], $0xffff  }
0x3e: {  	v11 =	vor.u32 v0, v5;
	v12 =	vld.idx.msk [tilespmem:v3+s23+$0x0], $0xffff  }
0x3f: {  	v2 =	vadd.s32 $0x4, v1;
	v3 =	vld.idx.msk [tilespmem:v4+s22+$0x0], $0xffff  }
0x40: {  	v13 =	vld.idx.msk [tilespmem:v4+s21+$0x0], $0xffff;
	v2 =	vand.u32 $0x7F, v2  }
0x41: {  	v14 =	vld.idx.msk [tilespmem:v4+s23+$0x0], $0xffff;
	v4 =	vadd.s32 $0x5, v1;
	v2 =	vor.u32 v0, v2  }
0x42: {  	v5 =	vadd.s32 $0x6, v1;
	v4 =	vand.u32 $0x7F, v4  }
0x43: {  	v5 =	vand.u32 $0x7F, v5;
	v15 =	vld.idx.msk [tilespmem:v11+s22+$0x0], $0xffff;
	v17 =	vor.u32 v0, v4  }
0x44: {  	v5 =	vor.u32 v0, v5;
	v16 =	vld.idx.msk [tilespmem:v11+s21+$0x0], $0xffff;
	v6 =	vmul.f32 v7, v6  }
0x45: {  	v11 =	vld.idx.msk [tilespmem:v11+s23+$0x0], $0xffff  }
0x46: {  	v7 =	vmul.f32 v9, v8;
	v6 =	vmul.f32 v10, v6;
	v4 =	vld.idx.msk [tilespmem:v2+s21+$0x0], $0xffff  }
0x47: {  	v8 =	vimm.f32 $0.0e+00;
	v9 =	vmul.f32 v13, v3;
	v3 =	vld.idx.msk [tilespmem:v2+s23+$0x0], $0xffff  }
0x48: {  	v10 =	vmul.f32 v12, v7;
	v12 =	vadd.s32 $0x7, v1;
	v7 =	vld.idx.msk [tilespmem:v17+s22+$0x0], $0xffff;
	v8 =	vadd.f32 v6, v8  }
0x49: {  	v13 =	vmul.f32 v14, v9;
	v9 =	vand.u32 $0x7F, v12;
	v6 =	vld.idx.msk [tilespmem:v5+s21+$0x0], $0xffff  }
0x4a: {  	v14 =	vmul.f32 v16, v15;
	v9 =	vor.u32 v0, v9;
	v12 =	vadd.f32 v10, v8;
	v10 =	vld.idx.msk [tilespmem:v17+s21+$0x0], $0xffff  }
0x4b: {  	v1 =	vadd.s32 $0x8, v1;
	v8 =	vld.idx.msk [tilespmem:v17+s23+$0x0], $0xffff  }
0x4c: {  	s7 =	simm.s32 $0x0;
	v1 =	vand.u32 $0x7F, v1;
	v12 =	vadd.f32 v13, v12;
	v13 =	vmul.f32 v11, v14;
	v11 =	vld.idx.msk [tilespmem:v5+s22+$0x0], $0xffff  }
.LBB2_3:
0x4d: {  	v14 =	vor.u32 v0, v1;
	v15 =	vadd.s32 $0x1, v1;
	v16 =	vadd.s32 $0x2, v1;
	s7 =	sadd.s32 $0x8, s7;
	v2 =	vld.idx.msk [tilespmem:v2+s22+$0x0], $0xffff  }
0x4e: {  	v17 =	vadd.s32 $0x7, v1;
	v15 =	vand.u32 $0x7F, v15;
	v16 =	vand.u32 $0x7F, v16;
	p0 =	slt.u32 s7, $0x78;
	v5 =	vld.idx.msk [tilespmem:v5+s23+$0x0], $0xffff  }
0x4f: {  	v12 =	vadd.f32 v13, v12;
	v15 =	vor.u32 v0, v15;
	v13 =	vld.idx.msk [tilespmem:v9+s22+$0x0], $0xffff  }
0x50: {  	v7 =	vmul.f32 v10, v7;
	v10 =	vld.idx.msk [tilespmem:v9+s21+$0x0], $0xffff  }
0x51: {  	v9 =	vld.idx.msk [tilespmem:v9+s23+$0x0], $0xffff  }
0x52: {  	v7 =	vmul.f32 v8, v7;
	v6 =	vmul.f32 v6, v11;
	v18 =	vld.idx.msk [tilespmem:v14+s22+$0x0], $0xffff  }
0x53: {  	v11 =	vor.u32 v0, v16;
	v2 =	vmul.f32 v4, v2;
	v8 =	vld.idx.msk [tilespmem:v14+s21+$0x0], $0xffff  }
0x54: {  	v16 =	vadd.s32 $0x3, v1;
	v6 =	vmul.f32 v5, v6;
	v4 =	vld.idx.msk [tilespmem:v15+s22+$0x0], $0xffff  }
0x55: {  	v16 =	vand.u32 $0x7F, v16;
	v2 =	vmul.f32 v3, v2;
	v5 =	vld.idx.msk [tilespmem:v15+s21+$0x0], $0xffff  }
0x56: {  	v10 =	vmul.f32 v10, v13;
	v3 =	vld.idx.msk [tilespmem:v14+s23+$0x0], $0xffff;
	v14 =	vor.u32 v0, v16  }
0x57: {  	v12 =	vadd.f32 v2, v12;
	v13 =	vld.idx.msk [tilespmem:v15+s23+$0x0], $0xffff;
	v15 =	vadd.s32 $0x4, v1  }
0x58: {  	v9 =	vmul.f32 v9, v10;
	v16 =	vld.idx.msk [tilespmem:v11+s22+$0x0], $0xffff;
	v2 =	vand.u32 $0x7F, v15  }
0x59: {  	v8 =	vmul.f32 v8, v18;
	v15 =	vadd.s32 $0x6, v1;
	v10 =	vld.idx.msk [tilespmem:v11+s21+$0x0], $0xffff;
	v2 =	vor.u32 v0, v2  }
0x5a: {  	v18 =	vadd.s32 $0x5, v1;
	v7 =	vadd.f32 v7, v12;
	v15 =	vand.u32 $0x7F, v15;
	v11 =	vld.idx.msk [tilespmem:v11+s23+$0x0], $0xffff  }
0x5b: {  	v18 =	vand.u32 $0x7F, v18;
	v4 =	vmul.f32 v5, v4;
	v5 =	vor.u32 v0, v15;
	v12 =	vld.idx.msk [tilespmem:v14+s22+$0x0], $0xffff  }
0x5c: {  	v18 =	vor.u32 v0, v18;
	v8 =	vmul.f32 v3, v8;
	v3 =	vadd.f32 v6, v7;
	v15 =	vld.idx.msk [tilespmem:v14+s21+$0x0], $0xffff  }
0x5d: {  	v13 =	vmul.f32 v13, v4;
	v14 =	vld.idx.msk [tilespmem:v14+s23+$0x0], $0xffff  }
0x5e: {  	v6 =	vadd.f32 v9, v3;
	v4 =	vld.idx.msk [tilespmem:v2+s21+$0x0], $0xffff  }
0x5f: {  	v7 =	vmul.f32 v10, v16;
	v3 =	vld.idx.msk [tilespmem:v2+s23+$0x0], $0xffff  }
.Ltmp0:
0x60: {  	v8 =	vadd.f32 v8, v6;
	v6 =	vld.idx.msk [tilespmem:v5+s21+$0x0], $0xffff;
	(pc) =	sbr.rel @p0 .LBB2_3-.Ltmp0, $4  }
0x61: {  	v9 =	vand.u32 $0x7F, v17;
	v11 =	vmul.f32 v11, v7;
	v7 =	vld.idx.msk [tilespmem:v18+s22+$0x0], $0xffff  }
0x62: {  	v9 =	vor.u32 v0, v9;
	v13 =	vadd.f32 v13, v8;
	v15 =	vmul.f32 v15, v12;
	v10 =	vld.idx.msk [tilespmem:v18+s21+$0x0], $0xffff  }
0x63: {  	v1 =	vadd.s32 $0x8, v1;
	v8 =	vld.idx.msk [tilespmem:v18+s23+$0x0], $0xffff  }
0x64: {  	v1 =	vand.u32 $0x7F, v1;
	v12 =	vadd.f32 v11, v13;
	v13 =	vmul.f32 v14, v15;
	v11 =	vld.idx.msk [tilespmem:v5+s22+$0x0], $0xffff  }
0x65: {  	_ =	sdelay $0x3  }
0x66: {  	v0 =	vld.idx.msk [tilespmem:v2+s22+$0x0], $0xffff;
	_ =	sdelay $0x3  }
0x67: {  	v1 =	vld.idx.msk [tilespmem:v5+s23+$0x0], $0xffff  }
0x68: {  	v60 =	vld.idx.msk [tilespmem:v9+s22+$0x0], $0xffff;
	v0 =	vmul.f32 v4, v0  }
0x69: {  	v61 =	vld.idx.msk [tilespmem:v9+s21+$0x0], $0xffff  }
0x6a: {  	v62 =	vadd.f32 v13, v12;
	v7 =	vmul.f32 v10, v7;
	v0 =	vmul.f32 v3, v0  }
0x6b: {  	v63 =	vld.idx.msk [tilespmem:v9+s23+$0x0], $0xffff  }
0x6c: {  	v7 =	vmul.f32 v8, v7;
	v6 =	vmul.f32 v6, v11;
	v0 =	vadd.f32 v0, v62;
	_ =	sdelay $0x1  }
0x6d: {  	s5 =	sadd.s32 $0x1, s5;
	v2 =	vmul.f32 v61, v60;
	v1 =	vmul.f32 v1, v6;
	v0 =	vadd.f32 v7, v0  }
0x6e: {  	p0 =	sne.s32 s5, $0x4  }
.Ltmp1:
0x6f: {  	v2 =	vmul.f32 v63, v2;
	v0 =	vadd.f32 v1, v0;
	(pc) =	sbr.rel @p0 .LBB2_2-.Ltmp1, $3  }
0x70: {  	_ = 	snop  }
0x71: {  	v0 =	vadd.f32 v2, v0;
	_ =	sdelay $0x1  }
0x72: {  	[tilespmem:s6+$0x180] =	vst v0  }
0x73: {  	s5 =	simm.s32 $0x80  }
0x74: {  	[tilespmem:s30], [sflag:$0x3] =	stream.indirect.gather [hbm4b:s2+s20], $0x80, s5, s20, $0xb8;
	[tilespmem:$0x12300] =	vst v63  }
0x75: {  	s5 =	simm.s32 $0x0  }
0x76: {  	[tilespmem:s31], [sflag:$0x3] =	stream.linear.gather [hbm4b:s9+s5], $0x2000, $0x38;
	[tilespmem:$0x12300] =	vst v63  }
0x77: {  	_ = 	snop  }
0x78: {  	[tilespmem:s1], [sflag:$0x3] =	stream.linear.gather [hbm4b:s10+s5], $0x2000, $0x38;
	[tilespmem:$0x12300] =	vst v63  }
0x79: {  	_ =	swait.ge [sflag:s0], $0x2000  }
0x7a: {  	[sflag:s0] =	ssyncset.done $0x0  }
0x7b: {  	[sflag:s0] =	ssyncadd.s32 $0xFFFFE000  }
0x7c: {  	_ =	swait.ge [sflag:s0], $0x2000  }
0x7d: {  	[sflag:s0] =	ssyncset.done $0x0  }
0x7e: {  	[sflag:s0] =	ssyncadd.s32 $0xFFFFE000  }
0x7f: {  	_ =	swait.ge [sflag:s0], $0x2000  }
0x80: {  	[sflag:s0] =	ssyncset.done $0x0  }
0x81: {  	[sflag:s0] =	ssyncadd.s32 $0xFFFFE000  }
.LBB2_6:
0x82: {  	s6 =	sshll.u32 s5, $0x4;
	v1 =	vlaneseq.u32  }
0x83: {  	v0 =	vmov s6;
	v2 =	vmul.u32 $0x80, v1  }
0x84: {  	v0 =	vshll.u32 v0, $0x7  }
0x85: {  	v0 =	vor.u32 v2, v0  }
0x86: {  	v0 =	vadd.s32 $0x2000, v0  }
0x87: {  	v3 =	vadd.s32 $0x1, v1;
	v2 =	vor.u32 v0, v1  }
0x88: {  	v3 =	vand.u32 $0x7F, v3  }
0x89: {  	v3 =	vor.u32 v0, v3;
	_ =	sdelay $0x1  }
0x8a: {  	v4 =	vadd.s32 $0x2, v1  }
0x8b: {  	v4 =	vand.u32 $0x7F, v4;
	v6 =	vld.idx.msk [tilespmem:v2+s22+$0x0], $0xffff  }
0x8c: {  	v4 =	vor.u32 v0, v4;
	v7 =	vld.idx.msk [tilespmem:v2+s21+$0x0], $0xffff  }
0x8d: {  	v8 =	vld.idx.msk [tilespmem:v3+s22+$0x0], $0xffff  }
0x8e: {  	v5 =	vadd.s32 $0x3, v1;
	v9 =	vld.idx.msk [tilespmem:v3+s21+$0x0], $0xffff  }
0x8f: {  	v5 =	vand.u32 $0x7F, v5;
	v10 =	vld.idx.msk [tilespmem:v2+s23+$0x0], $0xffff  }
0x90: {  	v11 =	vor.u32 v0, v5;
	v12 =	vld.idx.msk [tilespmem:v3+s23+$0x0], $0xffff  }
0x91: {  	v2 =	vadd.s32 $0x4, v1;
	v3 =	vld.idx.msk [tilespmem:v4+s22+$0x0], $0xffff  }
0x92: {  	v13 =	vld.idx.msk [tilespmem:v4+s21+$0x0], $0xffff;
	v2 =	vand.u32 $0x7F, v2  }
0x93: {  	v14 =	vld.idx.msk [tilespmem:v4+s23+$0x0], $0xffff;
	v4 =	vadd.s32 $0x5, v1;
	v2 =	vor.u32 v0, v2  }
0x94: {  	v5 =	vadd.s32 $0x6, v1;
	v4 =	vand.u32 $0x7F, v4  }
0x95: {  	v5 =	vand.u32 $0x7F, v5;
	v15 =	vld.idx.msk [tilespmem:v11+s22+$0x0], $0xffff;
	v17 =	vor.u32 v0, v4  }
0x96: {  	v5 =	vor.u32 v0, v5;
	v16 =	vld.idx.msk [tilespmem:v11+s21+$0x0], $0xffff;
	v6 =	vmul.f32 v7, v6  }
0x97: {  	v11 =	vld.idx.msk [tilespmem:v11+s23+$0x0], $0xffff  }
0x98: {  	v7 =	vmul.f32 v9, v8;
	v6 =	vmul.f32 v10, v6;
	v4 =	vld.idx.msk [tilespmem:v2+s21+$0x0], $0xffff  }
0x99: {  	v8 =	vimm.f32 $0.0e+00;
	v9 =	vmul.f32 v13, v3;
	v3 =	vld.idx.msk [tilespmem:v2+s23+$0x0], $0xffff  }
0x9a: {  	v10 =	vmul.f32 v12, v7;
	v12 =	vadd.s32 $0x7, v1;
	v7 =	vld.idx.msk [tilespmem:v17+s22+$0x0], $0xffff;
	v8 =	vadd.f32 v6, v8  }
0x9b: {  	v13 =	vmul.f32 v14, v9;
	v9 =	vand.u32 $0x7F, v12;
	v6 =	vld.idx.msk [tilespmem:v5+s21+$0x0], $0xffff  }
0x9c: {  	v14 =	vmul.f32 v16, v15;
	v9 =	vor.u32 v0, v9;
	v12 =	vadd.f32 v10, v8;
	v10 =	vld.idx.msk [tilespmem:v17+s21+$0x0], $0xffff  }
0x9d: {  	v1 =	vadd.s32 $0x8, v1;
	v8 =	vld.idx.msk [tilespmem:v17+s23+$0x0], $0xffff  }
0x9e: {  	s7 =	simm.s32 $0x0;
	v1 =	vand.u32 $0x7F, v1;
	v12 =	vadd.f32 v13, v12;
	v13 =	vmul.f32 v11, v14;
	v11 =	vld.idx.msk [tilespmem:v5+s22+$0x0], $0xffff  }
.LBB2_7:
0x9f: {  	v14 =	vor.u32 v0, v1;
	v15 =	vadd.s32 $0x1, v1;
	v16 =	vadd.s32 $0x2, v1;
	s7 =	sadd.s32 $0x8, s7;
	v2 =	vld.idx.msk [tilespmem:v2+s22+$0x0], $0xffff  }
0xa0: {  	v17 =	vadd.s32 $0x7, v1;
	v15 =	vand.u32 $0x7F, v15;
	v16 =	vand.u32 $0x7F, v16;
	p0 =	slt.u32 s7, $0x78;
	v5 =	vld.idx.msk [tilespmem:v5+s23+$0x0], $0xffff  }
0xa1: {  	v12 =	vadd.f32 v13, v12;
	v15 =	vor.u32 v0, v15;
	v13 =	vld.idx.msk [tilespmem:v9+s22+$0x0], $0xffff  }
0xa2: {  	v7 =	vmul.f32 v10, v7;
	v10 =	vld.idx.msk [tilespmem:v9+s21+$0x0], $0xffff  }
0xa3: {  	v9 =	vld.idx.msk [tilespmem:v9+s23+$0x0], $0xffff  }
0xa4: {  	v7 =	vmul.f32 v8, v7;
	v6 =	vmul.f32 v6, v11;
	v18 =	vld.idx.msk [tilespmem:v14+s22+$0x0], $0xffff  }
0xa5: {  	v11 =	vor.u32 v0, v16;
	v2 =	vmul.f32 v4, v2;
	v8 =	vld.idx.msk [tilespmem:v14+s21+$0x0], $0xffff  }
0xa6: {  	v16 =	vadd.s32 $0x3, v1;
	v6 =	vmul.f32 v5, v6;
	v4 =	vld.idx.msk [tilespmem:v15+s22+$0x0], $0xffff  }
0xa7: {  	v16 =	vand.u32 $0x7F, v16;
	v2 =	vmul.f32 v3, v2;
	v5 =	vld.idx.msk [tilespmem:v15+s21+$0x0], $0xffff  }
0xa8: {  	v10 =	vmul.f32 v10, v13;
	v3 =	vld.idx.msk [tilespmem:v14+s23+$0x0], $0xffff;
	v14 =	vor.u32 v0, v16  }
0xa9: {  	v12 =	vadd.f32 v2, v12;
	v13 =	vld.idx.msk [tilespmem:v15+s23+$0x0], $0xffff;
	v15 =	vadd.s32 $0x4, v1  }
0xaa: {  	v9 =	vmul.f32 v9, v10;
	v16 =	vld.idx.msk [tilespmem:v11+s22+$0x0], $0xffff;
	v2 =	vand.u32 $0x7F, v15  }
0xab: {  	v8 =	vmul.f32 v8, v18;
	v15 =	vadd.s32 $0x6, v1;
	v10 =	vld.idx.msk [tilespmem:v11+s21+$0x0], $0xffff;
	v2 =	vor.u32 v0, v2  }
0xac: {  	v18 =	vadd.s32 $0x5, v1;
	v7 =	vadd.f32 v7, v12;
	v15 =	vand.u32 $0x7F, v15;
	v11 =	vld.idx.msk [tilespmem:v11+s23+$0x0], $0xffff  }
0xad: {  	v18 =	vand.u32 $0x7F, v18;
	v4 =	vmul.f32 v5, v4;
	v5 =	vor.u32 v0, v15;
	v12 =	vld.idx.msk [tilespmem:v14+s22+$0x0], $0xffff  }
0xae: {  	v18 =	vor.u32 v0, v18;
	v8 =	vmul.f32 v3, v8;
	v3 =	vadd.f32 v6, v7;
	v15 =	vld.idx.msk [tilespmem:v14+s21+$0x0], $0xffff  }
0xaf: {  	v13 =	vmul.f32 v13, v4;
	v14 =	vld.idx.msk [tilespmem:v14+s23+$0x0], $0xffff  }
0xb0: {  	v6 =	vadd.f32 v9, v3;
	v4 =	vld.idx.msk [tilespmem:v2+s21+$0x0], $0xffff  }
0xb1: {  	v7 =	vmul.f32 v10, v16;
	v3 =	vld.idx.msk [tilespmem:v2+s23+$0x0], $0xffff  }
.Ltmp2:
0xb2: {  	v8 =	vadd.f32 v8, v6;
	v6 =	vld.idx.msk [tilespmem:v5+s21+$0x0], $0xffff;
	(pc) =	sbr.rel @p0 .LBB2_7-.Ltmp2, $4  }
0xb3: {  	v9 =	vand.u32 $0x7F, v17;
	v11 =	vmul.f32 v11, v7;
	v7 =	vld.idx.msk [tilespmem:v18+s22+$0x0], $0xffff  }
0xb4: {  	v9 =	vor.u32 v0, v9;
	v13 =	vadd.f32 v13, v8;
	v15 =	vmul.f32 v15, v12;
	v10 =	vld.idx.msk [tilespmem:v18+s21+$0x0], $0xffff  }
0xb5: {  	v1 =	vadd.s32 $0x8, v1;
	v8 =	vld.idx.msk [tilespmem:v18+s23+$0x0], $0xffff  }
0xb6: {  	v1 =	vand.u32 $0x7F, v1;
	v12 =	vadd.f32 v11, v13;
	v13 =	vmul.f32 v14, v15;
	v11 =	vld.idx.msk [tilespmem:v5+s22+$0x0], $0xffff  }
0xb7: {  	_ =	sdelay $0x3  }
0xb8: {  	v0 =	vld.idx.msk [tilespmem:v2+s22+$0x0], $0xffff;
	_ =	sdelay $0x3  }
0xb9: {  	v1 =	vld.idx.msk [tilespmem:v5+s23+$0x0], $0xffff  }
0xba: {  	v60 =	vld.idx.msk [tilespmem:v9+s22+$0x0], $0xffff;
	v0 =	vmul.f32 v4, v0  }
0xbb: {  	v61 =	vld.idx.msk [tilespmem:v9+s21+$0x0], $0xffff  }
0xbc: {  	v62 =	vadd.f32 v13, v12;
	v7 =	vmul.f32 v10, v7;
	v0 =	vmul.f32 v3, v0  }
0xbd: {  	v63 =	vld.idx.msk [tilespmem:v9+s23+$0x0], $0xffff  }
0xbe: {  	v7 =	vmul.f32 v8, v7;
	v6 =	vmul.f32 v6, v11;
	v0 =	vadd.f32 v0, v62;
	_ =	sdelay $0x1  }
0xbf: {  	s5 =	sadd.s32 $0x1, s5;
	v2 =	vmul.f32 v61, v60;
	v1 =	vmul.f32 v1, v6;
	v0 =	vadd.f32 v7, v0  }
0xc0: {  	p0 =	sne.s32 s5, $0x4  }
.Ltmp3:
0xc1: {  	v2 =	vmul.f32 v63, v2;
	v0 =	vadd.f32 v1, v0;
	(pc) =	sbr.rel @p0 .LBB2_6-.Ltmp3, $3  }
0xc2: {  	_ = 	snop  }
0xc3: {  	v0 =	vadd.f32 v2, v0;
	_ =	sdelay $0x1  }
0xc4: {  	[tilespmem:s6+$0x1C0] =	vst v0  }
0xc5: {  	s5 =	simm.s32 $0xC0  }
0xc6: {  	[tilespmem:s21], [sflag:$0x1] =	stream.indirect.gather [hbm4b:s2+s20], $0x80, s5, s20, $0xb8;
	[tilespmem:$0x12300] =	vst v63  }
0xc7: {  	s5 =	simm.s32 $0x0  }
0xc8: {  	[tilespmem:s22], [sflag:$0x1] =	stream.linear.gather [hbm4b:s11+s5], $0x2000, $0x38;
	[tilespmem:$0x12300] =	vst v63  }
0xc9: {  	_ = 	snop  }
0xca: {  	[tilespmem:s23], [sflag:$0x1] =	stream.linear.gather [hbm4b:s12+s5], $0x2000, $0x38;
	[tilespmem:$0x12300] =	vst v63  }
0xcb: {  	_ =	swait.ge [sflag:s29], $0x2000  }
0xcc: {  	[sflag:s29] =	ssyncset.done $0x0  }
0xcd: {  	[sflag:s29] =	ssyncadd.s32 $0xFFFFE000  }
0xce: {  	_ =	swait.ge [sflag:s29], $0x2000  }
0xcf: {  	[sflag:s29] =	ssyncset.done $0x0  }
0xd0: {  	[sflag:s29] =	ssyncadd.s32 $0xFFFFE000  }
0xd1: {  	_ =	swait.ge [sflag:s29], $0x2000  }
0xd2: {  	[sflag:s29] =	ssyncset.done $0x0  }
0xd3: {  	[sflag:s29] =	ssyncadd.s32 $0xFFFFE000  }
.LBB2_10:
0xd4: {  	s6 =	sshll.u32 s5, $0x4;
	v1 =	vlaneseq.u32  }
0xd5: {  	v0 =	vmov s6;
	v2 =	vmul.u32 $0x80, v1  }
0xd6: {  	v0 =	vshll.u32 v0, $0x7  }
0xd7: {  	v0 =	vor.u32 v2, v0  }
0xd8: {  	v0 =	vadd.s32 $0x4000, v0  }
0xd9: {  	v3 =	vadd.s32 $0x1, v1;
	v2 =	vor.u32 v0, v1  }
0xda: {  	v3 =	vand.u32 $0x7F, v3  }
0xdb: {  	v3 =	vor.u32 v0, v3;
	_ =	sdelay $0x1  }
0xdc: {  	v4 =	vadd.s32 $0x2, v1  }
0xdd: {  	v4 =	vand.u32 $0x7F, v4;
	v6 =	vld.idx.msk [tilespmem:v2+s22+$0x0], $0xffff  }
0xde: {  	v4 =	vor.u32 v0, v4;
	v7 =	vld.idx.msk [tilespmem:v2+s21+$0x0], $0xffff  }
0xdf: {  	v8 =	vld.idx.msk [tilespmem:v3+s22+$0x0], $0xffff  }
0xe0: {  	v5 =	vadd.s32 $0x3, v1;
	v9 =	vld.idx.msk [tilespmem:v3+s21+$0x0], $0xffff  }
0xe1: {  	v5 =	vand.u32 $0x7F, v5;
	v10 =	vld.idx.msk [tilespmem:v2+s23+$0x0], $0xffff  }
0xe2: {  	v11 =	vor.u32 v0, v5;
	v12 =	vld.idx.msk [tilespmem:v3+s23+$0x0], $0xffff  }
0xe3: {  	v2 =	vadd.s32 $0x4, v1;
	v3 =	vld.idx.msk [tilespmem:v4+s22+$0x0], $0xffff  }
0xe4: {  	v13 =	vld.idx.msk [tilespmem:v4+s21+$0x0], $0xffff;
	v2 =	vand.u32 $0x7F, v2  }
0xe5: {  	v14 =	vld.idx.msk [tilespmem:v4+s23+$0x0], $0xffff;
	v4 =	vadd.s32 $0x5, v1;
	v2 =	vor.u32 v0, v2  }
0xe6: {  	v5 =	vadd.s32 $0x6, v1;
	v4 =	vand.u32 $0x7F, v4  }
0xe7: {  	v5 =	vand.u32 $0x7F, v5;
	v15 =	vld.idx.msk [tilespmem:v11+s22+$0x0], $0xffff;
	v17 =	vor.u32 v0, v4  }
0xe8: {  	v5 =	vor.u32 v0, v5;
	v16 =	vld.idx.msk [tilespmem:v11+s21+$0x0], $0xffff;
	v6 =	vmul.f32 v7, v6  }
0xe9: {  	v11 =	vld.idx.msk [tilespmem:v11+s23+$0x0], $0xffff  }
0xea: {  	v7 =	vmul.f32 v9, v8;
	v6 =	vmul.f32 v10, v6;
	v4 =	vld.idx.msk [tilespmem:v2+s21+$0x0], $0xffff  }
0xeb: {  	v8 =	vimm.f32 $0.0e+00;
	v9 =	vmul.f32 v13, v3;
	v3 =	vld.idx.msk [tilespmem:v2+s23+$0x0], $0xffff  }
0xec: {  	v10 =	vmul.f32 v12, v7;
	v12 =	vadd.s32 $0x7, v1;
	v7 =	vld.idx.msk [tilespmem:v17+s22+$0x0], $0xffff;
	v8 =	vadd.f32 v6, v8  }
0xed: {  	v13 =	vmul.f32 v14, v9;
	v9 =	vand.u32 $0x7F, v12;
	v6 =	vld.idx.msk [tilespmem:v5+s21+$0x0], $0xffff  }
0xee: {  	v14 =	vmul.f32 v16, v15;
	v9 =	vor.u32 v0, v9;
	v12 =	vadd.f32 v10, v8;
	v10 =	vld.idx.msk [tilespmem:v17+s21+$0x0], $0xffff  }
0xef: {  	v1 =	vadd.s32 $0x8, v1;
	v8 =	vld.idx.msk [tilespmem:v17+s23+$0x0], $0xffff  }
0xf0: {  	s7 =	simm.s32 $0x0;
	v1 =	vand.u32 $0x7F, v1;
	v12 =	vadd.f32 v13, v12;
	v13 =	vmul.f32 v11, v14;
	v11 =	vld.idx.msk [tilespmem:v5+s22+$0x0], $0xffff  }
.LBB2_11:
0xf1: {  	v14 =	vor.u32 v0, v1;
	v15 =	vadd.s32 $0x1, v1;
	v16 =	vadd.s32 $0x2, v1;
	s7 =	sadd.s32 $0x8, s7;
	v2 =	vld.idx.msk [tilespmem:v2+s22+$0x0], $0xffff  }
0xf2: {  	v17 =	vadd.s32 $0x7, v1;
	v15 =	vand.u32 $0x7F, v15;
	v16 =	vand.u32 $0x7F, v16;
	p0 =	slt.u32 s7, $0x78;
	v5 =	vld.idx.msk [tilespmem:v5+s23+$0x0], $0xffff  }
0xf3: {  	v12 =	vadd.f32 v13, v12;
	v15 =	vor.u32 v0, v15;
	v13 =	vld.idx.msk [tilespmem:v9+s22+$0x0], $0xffff  }
0xf4: {  	v7 =	vmul.f32 v10, v7;
	v10 =	vld.idx.msk [tilespmem:v9+s21+$0x0], $0xffff  }
0xf5: {  	v9 =	vld.idx.msk [tilespmem:v9+s23+$0x0], $0xffff  }
0xf6: {  	v7 =	vmul.f32 v8, v7;
	v6 =	vmul.f32 v6, v11;
	v18 =	vld.idx.msk [tilespmem:v14+s22+$0x0], $0xffff  }
0xf7: {  	v11 =	vor.u32 v0, v16;
	v2 =	vmul.f32 v4, v2;
	v8 =	vld.idx.msk [tilespmem:v14+s21+$0x0], $0xffff  }
0xf8: {  	v16 =	vadd.s32 $0x3, v1;
	v6 =	vmul.f32 v5, v6;
	v4 =	vld.idx.msk [tilespmem:v15+s22+$0x0], $0xffff  }
0xf9: {  	v16 =	vand.u32 $0x7F, v16;
	v2 =	vmul.f32 v3, v2;
	v5 =	vld.idx.msk [tilespmem:v15+s21+$0x0], $0xffff  }
0xfa: {  	v10 =	vmul.f32 v10, v13;
	v3 =	vld.idx.msk [tilespmem:v14+s23+$0x0], $0xffff;
	v14 =	vor.u32 v0, v16  }
0xfb: {  	v12 =	vadd.f32 v2, v12;
	v13 =	vld.idx.msk [tilespmem:v15+s23+$0x0], $0xffff;
	v15 =	vadd.s32 $0x4, v1  }
0xfc: {  	v9 =	vmul.f32 v9, v10;
	v16 =	vld.idx.msk [tilespmem:v11+s22+$0x0], $0xffff;
	v2 =	vand.u32 $0x7F, v15  }
0xfd: {  	v8 =	vmul.f32 v8, v18;
	v15 =	vadd.s32 $0x6, v1;
	v10 =	vld.idx.msk [tilespmem:v11+s21+$0x0], $0xffff;
	v2 =	vor.u32 v0, v2  }
0xfe: {  	v18 =	vadd.s32 $0x5, v1;
	v7 =	vadd.f32 v7, v12;
	v15 =	vand.u32 $0x7F, v15;
	v11 =	vld.idx.msk [tilespmem:v11+s23+$0x0], $0xffff  }
0xff: {  	v18 =	vand.u32 $0x7F, v18;
	v4 =	vmul.f32 v5, v4;
	v5 =	vor.u32 v0, v15;
	v12 =	vld.idx.msk [tilespmem:v14+s22+$0x0], $0xffff  }
0x100: {  	v18 =	vor.u32 v0, v18;
	v8 =	vmul.f32 v3, v8;
	v3 =	vadd.f32 v6, v7;
	v15 =	vld.idx.msk [tilespmem:v14+s21+$0x0], $0xffff  }
0x101: {  	v13 =	vmul.f32 v13, v4;
	v14 =	vld.idx.msk [tilespmem:v14+s23+$0x0], $0xffff  }
0x102: {  	v6 =	vadd.f32 v9, v3;
	v4 =	vld.idx.msk [tilespmem:v2+s21+$0x0], $0xffff  }
0x103: {  	v7 =	vmul.f32 v10, v16;
	v3 =	vld.idx.msk [tilespmem:v2+s23+$0x0], $0xffff  }
.Ltmp4:
0x104: {  	v8 =	vadd.f32 v8, v6;
	v6 =	vld.idx.msk [tilespmem:v5+s21+$0x0], $0xffff;
	(pc) =	sbr.rel @p0 .LBB2_11-.Ltmp4, $4  }
0x105: {  	v9 =	vand.u32 $0x7F, v17;
	v11 =	vmul.f32 v11, v7;
	v7 =	vld.idx.msk [tilespmem:v18+s22+$0x0], $0xffff  }
0x106: {  	v9 =	vor.u32 v0, v9;
	v13 =	vadd.f32 v13, v8;
	v15 =	vmul.f32 v15, v12;
	v10 =	vld.idx.msk [tilespmem:v18+s21+$0x0], $0xffff  }
0x107: {  	v1 =	vadd.s32 $0x8, v1;
	v8 =	vld.idx.msk [tilespmem:v18+s23+$0x0], $0xffff  }
0x108: {  	v1 =	vand.u32 $0x7F, v1;
	v12 =	vadd.f32 v11, v13;
	v13 =	vmul.f32 v14, v15;
	v11 =	vld.idx.msk [tilespmem:v5+s22+$0x0], $0xffff  }
0x109: {  	_ =	sdelay $0x3  }
0x10a: {  	v0 =	vld.idx.msk [tilespmem:v2+s22+$0x0], $0xffff;
	_ =	sdelay $0x3  }
0x10b: {  	v1 =	vld.idx.msk [tilespmem:v5+s23+$0x0], $0xffff  }
0x10c: {  	v60 =	vld.idx.msk [tilespmem:v9+s22+$0x0], $0xffff;
	v0 =	vmul.f32 v4, v0  }
0x10d: {  	v61 =	vld.idx.msk [tilespmem:v9+s21+$0x0], $0xffff  }
0x10e: {  	v62 =	vadd.f32 v13, v12;
	v7 =	vmul.f32 v10, v7;
	v0 =	vmul.f32 v3, v0  }
0x10f: {  	v63 =	vld.idx.msk [tilespmem:v9+s23+$0x0], $0xffff  }
0x110: {  	v7 =	vmul.f32 v8, v7;
	v6 =	vmul.f32 v6, v11;
	v0 =	vadd.f32 v0, v62;
	_ =	sdelay $0x1  }
0x111: {  	s5 =	sadd.s32 $0x1, s5;
	v2 =	vmul.f32 v61, v60;
	v1 =	vmul.f32 v1, v6;
	v0 =	vadd.f32 v7, v0  }
0x112: {  	p0 =	sne.s32 s5, $0x4  }
.Ltmp5:
0x113: {  	v2 =	vmul.f32 v63, v2;
	v0 =	vadd.f32 v1, v0;
	(pc) =	sbr.rel @p0 .LBB2_10-.Ltmp5, $3  }
0x114: {  	_ = 	snop  }
0x115: {  	v0 =	vadd.f32 v2, v0;
	_ =	sdelay $0x1  }
0x116: {  	[tilespmem:s6+$0x200] =	vst v0  }
0x117: {  	s5 =	simm.s32 $0x100  }
0x118: {  	[tilespmem:s24], [sflag:$0x2] =	stream.indirect.gather [hbm4b:s2+s20], $0x80, s5, s20, $0xb8;
	[tilespmem:$0x12300] =	vst v63  }
0x119: {  	s5 =	simm.s32 $0x0  }
0x11a: {  	[tilespmem:s25], [sflag:$0x2] =	stream.linear.gather [hbm4b:s13+s5], $0x2000, $0x38;
	[tilespmem:$0x12300] =	vst v63  }
0x11b: {  	_ = 	snop  }
0x11c: {  	[tilespmem:s26], [sflag:$0x2] =	stream.linear.gather [hbm4b:s14+s5], $0x2000, $0x38;
	[tilespmem:$0x12300] =	vst v63  }
0x11d: {  	_ =	swait.ge [sflag:s28], $0x2000  }
0x11e: {  	[sflag:s28] =	ssyncset.done $0x0  }
0x11f: {  	[sflag:s28] =	ssyncadd.s32 $0xFFFFE000  }
0x120: {  	_ =	swait.ge [sflag:s28], $0x2000  }
0x121: {  	[sflag:s28] =	ssyncset.done $0x0  }
0x122: {  	[sflag:s28] =	ssyncadd.s32 $0xFFFFE000  }
0x123: {  	_ =	swait.ge [sflag:s28], $0x2000  }
0x124: {  	[sflag:s28] =	ssyncset.done $0x0  }
0x125: {  	[sflag:s28] =	ssyncadd.s32 $0xFFFFE000  }
.LBB2_14:
0x126: {  	s6 =	sshll.u32 s5, $0x4;
	v1 =	vlaneseq.u32  }
0x127: {  	v0 =	vmov s6;
	v2 =	vmul.u32 $0x80, v1  }
0x128: {  	v0 =	vshll.u32 v0, $0x7  }
0x129: {  	v0 =	vor.u32 v2, v0  }
0x12a: {  	v3 =	vadd.s32 $0x1, v1;
	v2 =	vor.u32 v0, v1  }
0x12b: {  	v3 =	vand.u32 $0x7F, v3  }
0x12c: {  	v3 =	vor.u32 v0, v3;
	_ =	sdelay $0x1  }
0x12d: {  	v4 =	vadd.s32 $0x2, v1  }
0x12e: {  	v4 =	vand.u32 $0x7F, v4;
	v6 =	vld.idx.msk [tilespmem:v2+s22+$0x0], $0xffff  }
0x12f: {  	v4 =	vor.u32 v0, v4;
	v7 =	vld.idx.msk [tilespmem:v2+s21+$0x0], $0xffff  }
0x130: {  	v8 =	vld.idx.msk [tilespmem:v3+s22+$0x0], $0xffff  }
0x131: {  	v5 =	vadd.s32 $0x3, v1;
	v9 =	vld.idx.msk [tilespmem:v3+s21+$0x0], $0xffff  }
0x132: {  	v5 =	vand.u32 $0x7F, v5;
	v10 =	vld.idx.msk [tilespmem:v2+s23+$0x0], $0xffff  }
0x133: {  	v11 =	vor.u32 v0, v5;
	v12 =	vld.idx.msk [tilespmem:v3+s23+$0x0], $0xffff  }
0x134: {  	v2 =	vadd.s32 $0x4, v1;
	v3 =	vld.idx.msk [tilespmem:v4+s22+$0x0], $0xffff  }
0x135: {  	v13 =	vld.idx.msk [tilespmem:v4+s21+$0x0], $0xffff;
	v2 =	vand.u32 $0x7F, v2  }
0x136: {  	v14 =	vld.idx.msk [tilespmem:v4+s23+$0x0], $0xffff;
	v4 =	vadd.s32 $0x5, v1;
	v2 =	vor.u32 v0, v2  }
0x137: {  	v5 =	vadd.s32 $0x6, v1;
	v4 =	vand.u32 $0x7F, v4  }
0x138: {  	v5 =	vand.u32 $0x7F, v5;
	v15 =	vld.idx.msk [tilespmem:v11+s22+$0x0], $0xffff;
	v17 =	vor.u32 v0, v4  }
0x139: {  	v5 =	vor.u32 v0, v5;
	v16 =	vld.idx.msk [tilespmem:v11+s21+$0x0], $0xffff;
	v6 =	vmul.f32 v7, v6  }
0x13a: {  	v11 =	vld.idx.msk [tilespmem:v11+s23+$0x0], $0xffff  }
0x13b: {  	v7 =	vmul.f32 v9, v8;
	v6 =	vmul.f32 v10, v6;
	v4 =	vld.idx.msk [tilespmem:v2+s21+$0x0], $0xffff  }
0x13c: {  	v8 =	vimm.f32 $0.0e+00;
	v9 =	vmul.f32 v13, v3;
	v3 =	vld.idx.msk [tilespmem:v2+s23+$0x0], $0xffff  }
0x13d: {  	v10 =	vmul.f32 v12, v7;
	v12 =	vadd.s32 $0x7, v1;
	v7 =	vld.idx.msk [tilespmem:v17+s22+$0x0], $0xffff;
	v8 =	vadd.f32 v6, v8  }
0x13e: {  	v13 =	vmul.f32 v14, v9;
	v9 =	vand.u32 $0x7F, v12;
	v6 =	vld.idx.msk [tilespmem:v5+s21+$0x0], $0xffff  }
0x13f: {  	v14 =	vmul.f32 v16, v15;
	v9 =	vor.u32 v0, v9;
	v12 =	vadd.f32 v10, v8;
	v10 =	vld.idx.msk [tilespmem:v17+s21+$0x0], $0xffff  }
0x140: {  	v1 =	vadd.s32 $0x8, v1;
	v8 =	vld.idx.msk [tilespmem:v17+s23+$0x0], $0xffff  }
0x141: {  	s7 =	simm.s32 $0x0;
	v1 =	vand.u32 $0x7F, v1;
	v12 =	vadd.f32 v13, v12;
	v13 =	vmul.f32 v11, v14;
	v11 =	vld.idx.msk [tilespmem:v5+s22+$0x0], $0xffff  }
.LBB2_15:
0x142: {  	v14 =	vor.u32 v0, v1;
	v15 =	vadd.s32 $0x1, v1;
	v16 =	vadd.s32 $0x2, v1;
	s7 =	sadd.s32 $0x8, s7;
	v2 =	vld.idx.msk [tilespmem:v2+s22+$0x0], $0xffff  }
0x143: {  	v17 =	vadd.s32 $0x7, v1;
	v15 =	vand.u32 $0x7F, v15;
	v16 =	vand.u32 $0x7F, v16;
	p0 =	slt.u32 s7, $0x78;
	v5 =	vld.idx.msk [tilespmem:v5+s23+$0x0], $0xffff  }
0x144: {  	v12 =	vadd.f32 v13, v12;
	v15 =	vor.u32 v0, v15;
	v13 =	vld.idx.msk [tilespmem:v9+s22+$0x0], $0xffff  }
0x145: {  	v7 =	vmul.f32 v10, v7;
	v10 =	vld.idx.msk [tilespmem:v9+s21+$0x0], $0xffff  }
0x146: {  	v9 =	vld.idx.msk [tilespmem:v9+s23+$0x0], $0xffff  }
0x147: {  	v7 =	vmul.f32 v8, v7;
	v6 =	vmul.f32 v6, v11;
	v18 =	vld.idx.msk [tilespmem:v14+s22+$0x0], $0xffff  }
0x148: {  	v11 =	vor.u32 v0, v16;
	v2 =	vmul.f32 v4, v2;
	v8 =	vld.idx.msk [tilespmem:v14+s21+$0x0], $0xffff  }
0x149: {  	v16 =	vadd.s32 $0x3, v1;
	v6 =	vmul.f32 v5, v6;
	v4 =	vld.idx.msk [tilespmem:v15+s22+$0x0], $0xffff  }
0x14a: {  	v16 =	vand.u32 $0x7F, v16;
	v2 =	vmul.f32 v3, v2;
	v5 =	vld.idx.msk [tilespmem:v15+s21+$0x0], $0xffff  }
0x14b: {  	v10 =	vmul.f32 v10, v13;
	v3 =	vld.idx.msk [tilespmem:v14+s23+$0x0], $0xffff;
	v14 =	vor.u32 v0, v16  }
0x14c: {  	v12 =	vadd.f32 v2, v12;
	v13 =	vld.idx.msk [tilespmem:v15+s23+$0x0], $0xffff;
	v15 =	vadd.s32 $0x4, v1  }
0x14d: {  	v9 =	vmul.f32 v9, v10;
	v16 =	vld.idx.msk [tilespmem:v11+s22+$0x0], $0xffff;
	v2 =	vand.u32 $0x7F, v15  }
0x14e: {  	v8 =	vmul.f32 v8, v18;
	v15 =	vadd.s32 $0x6, v1;
	v10 =	vld.idx.msk [tilespmem:v11+s21+$0x0], $0xffff;
	v2 =	vor.u32 v0, v2  }
0x14f: {  	v18 =	vadd.s32 $0x5, v1;
	v7 =	vadd.f32 v7, v12;
	v15 =	vand.u32 $0x7F, v15;
	v11 =	vld.idx.msk [tilespmem:v11+s23+$0x0], $0xffff  }
0x150: {  	v18 =	vand.u32 $0x7F, v18;
	v4 =	vmul.f32 v5, v4;
	v5 =	vor.u32 v0, v15;
	v12 =	vld.idx.msk [tilespmem:v14+s22+$0x0], $0xffff  }
0x151: {  	v18 =	vor.u32 v0, v18;
	v8 =	vmul.f32 v3, v8;
	v3 =	vadd.f32 v6, v7;
	v15 =	vld.idx.msk [tilespmem:v14+s21+$0x0], $0xffff  }
0x152: {  	v13 =	vmul.f32 v13, v4;
	v14 =	vld.idx.msk [tilespmem:v14+s23+$0x0], $0xffff  }
0x153: {  	v6 =	vadd.f32 v9, v3;
	v4 =	vld.idx.msk [tilespmem:v2+s21+$0x0], $0xffff  }
0x154: {  	v7 =	vmul.f32 v10, v16;
	v3 =	vld.idx.msk [tilespmem:v2+s23+$0x0], $0xffff  }
.Ltmp6:
0x155: {  	v8 =	vadd.f32 v8, v6;
	v6 =	vld.idx.msk [tilespmem:v5+s21+$0x0], $0xffff;
	(pc) =	sbr.rel @p0 .LBB2_15-.Ltmp6, $4  }
0x156: {  	v9 =	vand.u32 $0x7F, v17;
	v11 =	vmul.f32 v11, v7;
	v7 =	vld.idx.msk [tilespmem:v18+s22+$0x0], $0xffff  }
0x157: {  	v9 =	vor.u32 v0, v9;
	v13 =	vadd.f32 v13, v8;
	v15 =	vmul.f32 v15, v12;
	v10 =	vld.idx.msk [tilespmem:v18+s21+$0x0], $0xffff  }
0x158: {  	v1 =	vadd.s32 $0x8, v1;
	v8 =	vld.idx.msk [tilespmem:v18+s23+$0x0], $0xffff  }
0x159: {  	v1 =	vand.u32 $0x7F, v1;
	v12 =	vadd.f32 v11, v13;
	v13 =	vmul.f32 v14, v15;
	v11 =	vld.idx.msk [tilespmem:v5+s22+$0x0], $0xffff  }
0x15a: {  	_ =	sdelay $0x3  }
0x15b: {  	v0 =	vld.idx.msk [tilespmem:v2+s22+$0x0], $0xffff;
	_ =	sdelay $0x3  }
0x15c: {  	v1 =	vld.idx.msk [tilespmem:v5+s23+$0x0], $0xffff  }
0x15d: {  	v60 =	vld.idx.msk [tilespmem:v9+s22+$0x0], $0xffff;
	v0 =	vmul.f32 v4, v0  }
0x15e: {  	v61 =	vld.idx.msk [tilespmem:v9+s21+$0x0], $0xffff  }
0x15f: {  	v62 =	vadd.f32 v13, v12;
	v7 =	vmul.f32 v10, v7;
	v0 =	vmul.f32 v3, v0  }
0x160: {  	v63 =	vld.idx.msk [tilespmem:v9+s23+$0x0], $0xffff  }
0x161: {  	v7 =	vmul.f32 v8, v7;
	v6 =	vmul.f32 v6, v11;
	v0 =	vadd.f32 v0, v62;
	_ =	sdelay $0x1  }
0x162: {  	s5 =	sadd.s32 $0x1, s5;
	v2 =	vmul.f32 v61, v60;
	v1 =	vmul.f32 v1, v6;
	v0 =	vadd.f32 v7, v0  }
0x163: {  	p0 =	sne.s32 s5, $0x4  }
.Ltmp7:
0x164: {  	v2 =	vmul.f32 v63, v2;
	v0 =	vadd.f32 v1, v0;
	(pc) =	sbr.rel @p0 .LBB2_14-.Ltmp7, $3  }
0x165: {  	_ = 	snop  }
0x166: {  	v0 =	vadd.f32 v2, v0;
	_ =	sdelay $0x1  }
0x167: {  	[tilespmem:s6+$0x240] =	vst v0  }
0x168: {  	s5 =	simm.s32 $0x140  }
0x169: {  	[tilespmem:s30], [sflag:$0x3] =	stream.indirect.gather [hbm4b:s2+s20], $0x80, s5, s20, $0xb8;
	[tilespmem:$0x12300] =	vst v63  }
0x16a: {  	s5 =	simm.s32 $0x0  }
0x16b: {  	[tilespmem:s31], [sflag:$0x3] =	stream.linear.gather [hbm4b:s15+s5], $0x2000, $0x38;
	[tilespmem:$0x12300] =	vst v63  }
0x16c: {  	_ = 	snop  }
0x16d: {  	[tilespmem:s1], [sflag:$0x3] =	stream.linear.gather [hbm4b:s16+s5], $0x2000, $0x38;
	[tilespmem:$0x12300] =	vst v63  }
0x16e: {  	_ =	swait.ge [sflag:s0], $0x2000  }
0x16f: {  	[sflag:s0] =	ssyncset.done $0x0  }
0x170: {  	[sflag:s0] =	ssyncadd.s32 $0xFFFFE000  }
0x171: {  	_ =	swait.ge [sflag:s0], $0x2000  }
0x172: {  	[sflag:s0] =	ssyncset.done $0x0  }
0x173: {  	[sflag:s0] =	ssyncadd.s32 $0xFFFFE000  }
0x174: {  	_ =	swait.ge [sflag:s0], $0x2000  }
0x175: {  	[sflag:s0] =	ssyncset.done $0x0  }
0x176: {  	[sflag:s0] =	ssyncadd.s32 $0xFFFFE000  }
.LBB2_18:
0x177: {  	s6 =	sshll.u32 s5, $0x4;
	v1 =	vlaneseq.u32  }
0x178: {  	v0 =	vmov s6;
	v2 =	vmul.u32 $0x80, v1  }
0x179: {  	v0 =	vshll.u32 v0, $0x7  }
0x17a: {  	v0 =	vor.u32 v2, v0  }
0x17b: {  	v0 =	vadd.s32 $0x2000, v0  }
0x17c: {  	v3 =	vadd.s32 $0x1, v1;
	v2 =	vor.u32 v0, v1  }
0x17d: {  	v3 =	vand.u32 $0x7F, v3  }
0x17e: {  	v3 =	vor.u32 v0, v3;
	_ =	sdelay $0x1  }
0x17f: {  	v4 =	vadd.s32 $0x2, v1  }
0x180: {  	v4 =	vand.u32 $0x7F, v4;
	v6 =	vld.idx.msk [tilespmem:v2+s22+$0x0], $0xffff  }
0x181: {  	v4 =	vor.u32 v0, v4;
	v7 =	vld.idx.msk [tilespmem:v2+s21+$0x0], $0xffff  }
0x182: {  	v8 =	vld.idx.msk [tilespmem:v3+s22+$0x0], $0xffff  }
0x183: {  	v5 =	vadd.s32 $0x3, v1;
	v9 =	vld.idx.msk [tilespmem:v3+s21+$0x0], $0xffff  }
0x184: {  	v5 =	vand.u32 $0x7F, v5;
	v10 =	vld.idx.msk [tilespmem:v2+s23+$0x0], $0xffff  }
0x185: {  	v11 =	vor.u32 v0, v5;
	v12 =	vld.idx.msk [tilespmem:v3+s23+$0x0], $0xffff  }
0x186: {  	v2 =	vadd.s32 $0x4, v1;
	v3 =	vld.idx.msk [tilespmem:v4+s22+$0x0], $0xffff  }
0x187: {  	v13 =	vld.idx.msk [tilespmem:v4+s21+$0x0], $0xffff;
	v2 =	vand.u32 $0x7F, v2  }
0x188: {  	v14 =	vld.idx.msk [tilespmem:v4+s23+$0x0], $0xffff;
	v4 =	vadd.s32 $0x5, v1;
	v2 =	vor.u32 v0, v2  }
0x189: {  	v5 =	vadd.s32 $0x6, v1;
	v4 =	vand.u32 $0x7F, v4  }
0x18a: {  	v5 =	vand.u32 $0x7F, v5;
	v15 =	vld.idx.msk [tilespmem:v11+s22+$0x0], $0xffff;
	v17 =	vor.u32 v0, v4  }
0x18b: {  	v5 =	vor.u32 v0, v5;
	v16 =	vld.idx.msk [tilespmem:v11+s21+$0x0], $0xffff;
	v6 =	vmul.f32 v7, v6  }
0x18c: {  	v11 =	vld.idx.msk [tilespmem:v11+s23+$0x0], $0xffff  }
0x18d: {  	v7 =	vmul.f32 v9, v8;
	v6 =	vmul.f32 v10, v6;
	v4 =	vld.idx.msk [tilespmem:v2+s21+$0x0], $0xffff  }
0x18e: {  	v8 =	vimm.f32 $0.0e+00;
	v9 =	vmul.f32 v13, v3;
	v3 =	vld.idx.msk [tilespmem:v2+s23+$0x0], $0xffff  }
0x18f: {  	v10 =	vmul.f32 v12, v7;
	v12 =	vadd.s32 $0x7, v1;
	v7 =	vld.idx.msk [tilespmem:v17+s22+$0x0], $0xffff;
	v8 =	vadd.f32 v6, v8  }
0x190: {  	v13 =	vmul.f32 v14, v9;
	v9 =	vand.u32 $0x7F, v12;
	v6 =	vld.idx.msk [tilespmem:v5+s21+$0x0], $0xffff  }
0x191: {  	v14 =	vmul.f32 v16, v15;
	v9 =	vor.u32 v0, v9;
	v12 =	vadd.f32 v10, v8;
	v10 =	vld.idx.msk [tilespmem:v17+s21+$0x0], $0xffff  }
0x192: {  	v1 =	vadd.s32 $0x8, v1;
	v8 =	vld.idx.msk [tilespmem:v17+s23+$0x0], $0xffff  }
0x193: {  	s7 =	simm.s32 $0x0;
	v1 =	vand.u32 $0x7F, v1;
	v12 =	vadd.f32 v13, v12;
	v13 =	vmul.f32 v11, v14;
	v11 =	vld.idx.msk [tilespmem:v5+s22+$0x0], $0xffff  }
.LBB2_19:
0x194: {  	v14 =	vor.u32 v0, v1;
	v15 =	vadd.s32 $0x1, v1;
	v16 =	vadd.s32 $0x2, v1;
	s7 =	sadd.s32 $0x8, s7;
	v2 =	vld.idx.msk [tilespmem:v2+s22+$0x0], $0xffff  }
0x195: {  	v17 =	vadd.s32 $0x7, v1;
	v15 =	vand.u32 $0x7F, v15;
	v16 =	vand.u32 $0x7F, v16;
	p0 =	slt.u32 s7, $0x78;
	v5 =	vld.idx.msk [tilespmem:v5+s23+$0x0], $0xffff  }
0x196: {  	v12 =	vadd.f32 v13, v12;
	v15 =	vor.u32 v0, v15;
	v13 =	vld.idx.msk [tilespmem:v9+s22+$0x0], $0xffff  }
0x197: {  	v7 =	vmul.f32 v10, v7;
	v10 =	vld.idx.msk [tilespmem:v9+s21+$0x0], $0xffff  }
0x198: {  	v9 =	vld.idx.msk [tilespmem:v9+s23+$0x0], $0xffff  }
0x199: {  	v7 =	vmul.f32 v8, v7;
	v6 =	vmul.f32 v6, v11;
	v18 =	vld.idx.msk [tilespmem:v14+s22+$0x0], $0xffff  }
0x19a: {  	v11 =	vor.u32 v0, v16;
	v2 =	vmul.f32 v4, v2;
	v8 =	vld.idx.msk [tilespmem:v14+s21+$0x0], $0xffff  }
0x19b: {  	v16 =	vadd.s32 $0x3, v1;
	v6 =	vmul.f32 v5, v6;
	v4 =	vld.idx.msk [tilespmem:v15+s22+$0x0], $0xffff  }
0x19c: {  	v16 =	vand.u32 $0x7F, v16;
	v2 =	vmul.f32 v3, v2;
	v5 =	vld.idx.msk [tilespmem:v15+s21+$0x0], $0xffff  }
0x19d: {  	v10 =	vmul.f32 v10, v13;
	v3 =	vld.idx.msk [tilespmem:v14+s23+$0x0], $0xffff;
	v14 =	vor.u32 v0, v16  }
0x19e: {  	v12 =	vadd.f32 v2, v12;
	v13 =	vld.idx.msk [tilespmem:v15+s23+$0x0], $0xffff;
	v15 =	vadd.s32 $0x4, v1  }
0x19f: {  	v9 =	vmul.f32 v9, v10;
	v16 =	vld.idx.msk [tilespmem:v11+s22+$0x0], $0xffff;
	v2 =	vand.u32 $0x7F, v15  }
0x1a0: {  	v8 =	vmul.f32 v8, v18;
	v15 =	vadd.s32 $0x6, v1;
	v10 =	vld.idx.msk [tilespmem:v11+s21+$0x0], $0xffff;
	v2 =	vor.u32 v0, v2  }
0x1a1: {  	v18 =	vadd.s32 $0x5, v1;
	v7 =	vadd.f32 v7, v12;
	v15 =	vand.u32 $0x7F, v15;
	v11 =	vld.idx.msk [tilespmem:v11+s23+$0x0], $0xffff  }
0x1a2: {  	v18 =	vand.u32 $0x7F, v18;
	v4 =	vmul.f32 v5, v4;
	v5 =	vor.u32 v0, v15;
	v12 =	vld.idx.msk [tilespmem:v14+s22+$0x0], $0xffff  }
0x1a3: {  	v18 =	vor.u32 v0, v18;
	v8 =	vmul.f32 v3, v8;
	v3 =	vadd.f32 v6, v7;
	v15 =	vld.idx.msk [tilespmem:v14+s21+$0x0], $0xffff  }
0x1a4: {  	v13 =	vmul.f32 v13, v4;
	v14 =	vld.idx.msk [tilespmem:v14+s23+$0x0], $0xffff  }
0x1a5: {  	v6 =	vadd.f32 v9, v3;
	v4 =	vld.idx.msk [tilespmem:v2+s21+$0x0], $0xffff  }
0x1a6: {  	v7 =	vmul.f32 v10, v16;
	v3 =	vld.idx.msk [tilespmem:v2+s23+$0x0], $0xffff  }
.Ltmp8:
0x1a7: {  	v8 =	vadd.f32 v8, v6;
	v6 =	vld.idx.msk [tilespmem:v5+s21+$0x0], $0xffff;
	(pc) =	sbr.rel @p0 .LBB2_19-.Ltmp8, $4  }
0x1a8: {  	v9 =	vand.u32 $0x7F, v17;
	v11 =	vmul.f32 v11, v7;
	v7 =	vld.idx.msk [tilespmem:v18+s22+$0x0], $0xffff  }
0x1a9: {  	v9 =	vor.u32 v0, v9;
	v13 =	vadd.f32 v13, v8;
	v15 =	vmul.f32 v15, v12;
	v10 =	vld.idx.msk [tilespmem:v18+s21+$0x0], $0xffff  }
0x1aa: {  	v1 =	vadd.s32 $0x8, v1;
	v8 =	vld.idx.msk [tilespmem:v18+s23+$0x0], $0xffff  }
0x1ab: {  	v1 =	vand.u32 $0x7F, v1;
	v12 =	vadd.f32 v11, v13;
	v13 =	vmul.f32 v14, v15;
	v11 =	vld.idx.msk [tilespmem:v5+s22+$0x0], $0xffff  }
0x1ac: {  	_ =	sdelay $0x3  }
0x1ad: {  	v0 =	vld.idx.msk [tilespmem:v2+s22+$0x0], $0xffff;
	_ =	sdelay $0x3  }
0x1ae: {  	v1 =	vld.idx.msk [tilespmem:v5+s23+$0x0], $0xffff  }
0x1af: {  	v60 =	vld.idx.msk [tilespmem:v9+s22+$0x0], $0xffff;
	v0 =	vmul.f32 v4, v0  }
0x1b0: {  	v61 =	vld.idx.msk [tilespmem:v9+s21+$0x0], $0xffff  }
0x1b1: {  	v62 =	vadd.f32 v13, v12;
	v7 =	vmul.f32 v10, v7;
	v0 =	vmul.f32 v3, v0  }
0x1b2: {  	v63 =	vld.idx.msk [tilespmem:v9+s23+$0x0], $0xffff  }
0x1b3: {  	v7 =	vmul.f32 v8, v7;
	v6 =	vmul.f32 v6, v11;
	v0 =	vadd.f32 v0, v62;
	_ =	sdelay $0x1  }
0x1b4: {  	s5 =	sadd.s32 $0x1, s5;
	v2 =	vmul.f32 v61, v60;
	v1 =	vmul.f32 v1, v6;
	v0 =	vadd.f32 v7, v0  }
0x1b5: {  	p0 =	sne.s32 s5, $0x4  }
.Ltmp9:
0x1b6: {  	v2 =	vmul.f32 v63, v2;
	v0 =	vadd.f32 v1, v0;
	(pc) =	sbr.rel @p0 .LBB2_18-.Ltmp9, $3  }
0x1b7: {  	_ = 	snop  }
0x1b8: {  	v0 =	vadd.f32 v2, v0;
	_ =	sdelay $0x1  }
0x1b9: {  	[tilespmem:s6+$0x280] =	vst v0  }
0x1ba: {  	_ =	swait.ge [sflag:s29], $0x2000  }
0x1bb: {  	[sflag:s29] =	ssyncset.done $0x0  }
0x1bc: {  	[sflag:s29] =	ssyncadd.s32 $0xFFFFE000  }
0x1bd: {  	_ =	swait.ge [sflag:s29], $0x2000  }
0x1be: {  	[sflag:s29] =	ssyncset.done $0x0  }
0x1bf: {  	[sflag:s29] =	ssyncadd.s32 $0xFFFFE000  }
0x1c0: {  	_ =	swait.ge [sflag:s29], $0x2000  }
0x1c1: {  	[sflag:s29] =	ssyncset.done $0x0  }
0x1c2: {  	s5 =	simm.s32 $0x0;
	[sflag:s29] =	ssyncadd.s32 $0xFFFFE000  }
.LBB2_22:
0x1c3: {  	s6 =	sshll.u32 s5, $0x4;
	v1 =	vlaneseq.u32  }
0x1c4: {  	v0 =	vmov s6;
	v2 =	vmul.u32 $0x80, v1  }
0x1c5: {  	v0 =	vshll.u32 v0, $0x7  }
0x1c6: {  	v0 =	vor.u32 v2, v0  }
0x1c7: {  	v0 =	vadd.s32 $0x4000, v0  }
0x1c8: {  	v3 =	vadd.s32 $0x1, v1;
	v2 =	vor.u32 v0, v1  }
0x1c9: {  	v3 =	vand.u32 $0x7F, v3  }
0x1ca: {  	v3 =	vor.u32 v0, v3;
	_ =	sdelay $0x1  }
0x1cb: {  	v4 =	vadd.s32 $0x2, v1  }
0x1cc: {  	v4 =	vand.u32 $0x7F, v4;
	v6 =	vld.idx.msk [tilespmem:v2+s22+$0x0], $0xffff  }
0x1cd: {  	v4 =	vor.u32 v0, v4;
	v7 =	vld.idx.msk [tilespmem:v2+s21+$0x0], $0xffff  }
0x1ce: {  	v8 =	vld.idx.msk [tilespmem:v3+s22+$0x0], $0xffff  }
0x1cf: {  	v5 =	vadd.s32 $0x3, v1;
	v9 =	vld.idx.msk [tilespmem:v3+s21+$0x0], $0xffff  }
0x1d0: {  	v5 =	vand.u32 $0x7F, v5;
	v10 =	vld.idx.msk [tilespmem:v2+s23+$0x0], $0xffff  }
0x1d1: {  	v11 =	vor.u32 v0, v5;
	v12 =	vld.idx.msk [tilespmem:v3+s23+$0x0], $0xffff  }
0x1d2: {  	v2 =	vadd.s32 $0x4, v1;
	v3 =	vld.idx.msk [tilespmem:v4+s22+$0x0], $0xffff  }
0x1d3: {  	v13 =	vld.idx.msk [tilespmem:v4+s21+$0x0], $0xffff;
	v2 =	vand.u32 $0x7F, v2  }
0x1d4: {  	v14 =	vld.idx.msk [tilespmem:v4+s23+$0x0], $0xffff;
	v4 =	vadd.s32 $0x5, v1;
	v2 =	vor.u32 v0, v2  }
0x1d5: {  	v5 =	vadd.s32 $0x6, v1;
	v4 =	vand.u32 $0x7F, v4  }
0x1d6: {  	v5 =	vand.u32 $0x7F, v5;
	v15 =	vld.idx.msk [tilespmem:v11+s22+$0x0], $0xffff;
	v17 =	vor.u32 v0, v4  }
0x1d7: {  	v5 =	vor.u32 v0, v5;
	v16 =	vld.idx.msk [tilespmem:v11+s21+$0x0], $0xffff;
	v6 =	vmul.f32 v7, v6  }
0x1d8: {  	v11 =	vld.idx.msk [tilespmem:v11+s23+$0x0], $0xffff  }
0x1d9: {  	v7 =	vmul.f32 v9, v8;
	v6 =	vmul.f32 v10, v6;
	v4 =	vld.idx.msk [tilespmem:v2+s21+$0x0], $0xffff  }
0x1da: {  	v8 =	vimm.f32 $0.0e+00;
	v9 =	vmul.f32 v13, v3;
	v3 =	vld.idx.msk [tilespmem:v2+s23+$0x0], $0xffff  }
0x1db: {  	v10 =	vmul.f32 v12, v7;
	v12 =	vadd.s32 $0x7, v1;
	v7 =	vld.idx.msk [tilespmem:v17+s22+$0x0], $0xffff;
	v8 =	vadd.f32 v6, v8  }
0x1dc: {  	v13 =	vmul.f32 v14, v9;
	v9 =	vand.u32 $0x7F, v12;
	v6 =	vld.idx.msk [tilespmem:v5+s21+$0x0], $0xffff  }
0x1dd: {  	v14 =	vmul.f32 v16, v15;
	v9 =	vor.u32 v0, v9;
	v12 =	vadd.f32 v10, v8;
	v10 =	vld.idx.msk [tilespmem:v17+s21+$0x0], $0xffff  }
0x1de: {  	v1 =	vadd.s32 $0x8, v1;
	v8 =	vld.idx.msk [tilespmem:v17+s23+$0x0], $0xffff  }
0x1df: {  	s7 =	simm.s32 $0x0;
	v1 =	vand.u32 $0x7F, v1;
	v12 =	vadd.f32 v13, v12;
	v13 =	vmul.f32 v11, v14;
	v11 =	vld.idx.msk [tilespmem:v5+s22+$0x0], $0xffff  }
.LBB2_23:
0x1e0: {  	v14 =	vor.u32 v0, v1;
	v15 =	vadd.s32 $0x1, v1;
	v16 =	vadd.s32 $0x2, v1;
	s7 =	sadd.s32 $0x8, s7;
	v2 =	vld.idx.msk [tilespmem:v2+s22+$0x0], $0xffff  }
0x1e1: {  	v17 =	vadd.s32 $0x7, v1;
	v15 =	vand.u32 $0x7F, v15;
	v16 =	vand.u32 $0x7F, v16;
	p0 =	slt.u32 s7, $0x78;
	v5 =	vld.idx.msk [tilespmem:v5+s23+$0x0], $0xffff  }
0x1e2: {  	v12 =	vadd.f32 v13, v12;
	v15 =	vor.u32 v0, v15;
	v13 =	vld.idx.msk [tilespmem:v9+s22+$0x0], $0xffff  }
0x1e3: {  	v7 =	vmul.f32 v10, v7;
	v10 =	vld.idx.msk [tilespmem:v9+s21+$0x0], $0xffff  }
0x1e4: {  	v9 =	vld.idx.msk [tilespmem:v9+s23+$0x0], $0xffff  }
0x1e5: {  	v7 =	vmul.f32 v8, v7;
	v6 =	vmul.f32 v6, v11;
	v18 =	vld.idx.msk [tilespmem:v14+s22+$0x0], $0xffff  }
0x1e6: {  	v11 =	vor.u32 v0, v16;
	v2 =	vmul.f32 v4, v2;
	v8 =	vld.idx.msk [tilespmem:v14+s21+$0x0], $0xffff  }
0x1e7: {  	v16 =	vadd.s32 $0x3, v1;
	v6 =	vmul.f32 v5, v6;
	v4 =	vld.idx.msk [tilespmem:v15+s22+$0x0], $0xffff  }
0x1e8: {  	v16 =	vand.u32 $0x7F, v16;
	v2 =	vmul.f32 v3, v2;
	v5 =	vld.idx.msk [tilespmem:v15+s21+$0x0], $0xffff  }
0x1e9: {  	v10 =	vmul.f32 v10, v13;
	v3 =	vld.idx.msk [tilespmem:v14+s23+$0x0], $0xffff;
	v14 =	vor.u32 v0, v16  }
0x1ea: {  	v12 =	vadd.f32 v2, v12;
	v13 =	vld.idx.msk [tilespmem:v15+s23+$0x0], $0xffff;
	v15 =	vadd.s32 $0x4, v1  }
0x1eb: {  	v9 =	vmul.f32 v9, v10;
	v16 =	vld.idx.msk [tilespmem:v11+s22+$0x0], $0xffff;
	v2 =	vand.u32 $0x7F, v15  }
0x1ec: {  	v8 =	vmul.f32 v8, v18;
	v15 =	vadd.s32 $0x6, v1;
	v10 =	vld.idx.msk [tilespmem:v11+s21+$0x0], $0xffff;
	v2 =	vor.u32 v0, v2  }
0x1ed: {  	v18 =	vadd.s32 $0x5, v1;
	v7 =	vadd.f32 v7, v12;
	v15 =	vand.u32 $0x7F, v15;
	v11 =	vld.idx.msk [tilespmem:v11+s23+$0x0], $0xffff  }
0x1ee: {  	v18 =	vand.u32 $0x7F, v18;
	v4 =	vmul.f32 v5, v4;
	v5 =	vor.u32 v0, v15;
	v12 =	vld.idx.msk [tilespmem:v14+s22+$0x0], $0xffff  }
0x1ef: {  	v18 =	vor.u32 v0, v18;
	v8 =	vmul.f32 v3, v8;
	v3 =	vadd.f32 v6, v7;
	v15 =	vld.idx.msk [tilespmem:v14+s21+$0x0], $0xffff  }
0x1f0: {  	v13 =	vmul.f32 v13, v4;
	v14 =	vld.idx.msk [tilespmem:v14+s23+$0x0], $0xffff  }
0x1f1: {  	v6 =	vadd.f32 v9, v3;
	v4 =	vld.idx.msk [tilespmem:v2+s21+$0x0], $0xffff  }
0x1f2: {  	v7 =	vmul.f32 v10, v16;
	v3 =	vld.idx.msk [tilespmem:v2+s23+$0x0], $0xffff  }
.Ltmp10:
0x1f3: {  	v8 =	vadd.f32 v8, v6;
	v6 =	vld.idx.msk [tilespmem:v5+s21+$0x0], $0xffff;
	(pc) =	sbr.rel @p0 .LBB2_23-.Ltmp10, $4  }
0x1f4: {  	v9 =	vand.u32 $0x7F, v17;
	v11 =	vmul.f32 v11, v7;
	v7 =	vld.idx.msk [tilespmem:v18+s22+$0x0], $0xffff  }
0x1f5: {  	v9 =	vor.u32 v0, v9;
	v13 =	vadd.f32 v13, v8;
	v15 =	vmul.f32 v15, v12;
	v10 =	vld.idx.msk [tilespmem:v18+s21+$0x0], $0xffff  }
0x1f6: {  	v1 =	vadd.s32 $0x8, v1;
	v8 =	vld.idx.msk [tilespmem:v18+s23+$0x0], $0xffff  }
0x1f7: {  	v1 =	vand.u32 $0x7F, v1;
	v12 =	vadd.f32 v11, v13;
	v13 =	vmul.f32 v14, v15;
	v11 =	vld.idx.msk [tilespmem:v5+s22+$0x0], $0xffff  }
0x1f8: {  	_ =	sdelay $0x3  }
0x1f9: {  	v0 =	vld.idx.msk [tilespmem:v2+s22+$0x0], $0xffff;
	_ =	sdelay $0x3  }
0x1fa: {  	v1 =	vld.idx.msk [tilespmem:v5+s23+$0x0], $0xffff  }
0x1fb: {  	v60 =	vld.idx.msk [tilespmem:v9+s22+$0x0], $0xffff;
	v0 =	vmul.f32 v4, v0  }
0x1fc: {  	v61 =	vld.idx.msk [tilespmem:v9+s21+$0x0], $0xffff  }
0x1fd: {  	v62 =	vadd.f32 v13, v12;
	v7 =	vmul.f32 v10, v7;
	v0 =	vmul.f32 v3, v0  }
0x1fe: {  	v63 =	vld.idx.msk [tilespmem:v9+s23+$0x0], $0xffff  }
0x1ff: {  	v7 =	vmul.f32 v8, v7;
	v6 =	vmul.f32 v6, v11;
	v0 =	vadd.f32 v0, v62;
	_ =	sdelay $0x1  }
0x200: {  	s5 =	sadd.s32 $0x1, s5;
	v2 =	vmul.f32 v61, v60;
	v1 =	vmul.f32 v1, v6;
	v0 =	vadd.f32 v7, v0  }
0x201: {  	p0 =	sne.s32 s5, $0x4  }
.Ltmp11:
0x202: {  	v2 =	vmul.f32 v63, v2;
	v0 =	vadd.f32 v1, v0;
	(pc) =	sbr.rel @p0 .LBB2_22-.Ltmp11, $3  }
0x203: {  	_ = 	snop  }
0x204: {  	v0 =	vadd.f32 v2, v0;
	_ =	sdelay $0x1  }
0x205: {  	[tilespmem:s6+$0x2C0] =	vst v0  }
0x206: {  	s4 =	sadd.s32 $0x1, s4  }
0x207: {  	p0 =	sne.s32 s4, s18  }
.Ltmp12:
0x208: {  	s5 =	simm.s32 $0x180;
	(pc) =	sbr.rel @p0 .LBB2_1-.Ltmp12, $4  }
0x209: {  	[hbm4b:s17+s3] =	stream.linear.scatter [tilespmem:s5], [sflag:$0x4], $0x180, $0x38;
	[tilespmem:$0x12300] =	vst v63  }
0x20a: {  	_ =	swait.ge [sflag:s19], $0x180  }
0x20b: {  	[sflag:s19] =	ssyncset.done $0x0  }
0x20c: {  	[sflag:s19] =	ssyncadd.s32 $0xFFFFFE80  }
0x20d: {  	_ =	sfence.sel $0x180000  }
0x20e: {  	[bflag:$0x0] =	sbarrier.arrive $0xFFFF  }
0x20f: {  	_ =	strace $0x90000047  }
0x210: {  	s0 =	stileid.u32;
	[bflag:$0x2] =	sbarrier.arrive $0xFFFF  }
0x211: {  	p0 =	sne.s32 s0, $0x0;
	s0 =	rddreg [dreg:$0x5]  }
0x212: {  	s0 =	sadd.s32 @!p0 $0x100000, s0  }
0x213: {  	[sflag:s0] =	ssyncadd.tile.s32 @!p0 $0x1;
	_ =	shalt  }
.Lfunc_end2:
_tile_overlayer_lowered:
.L_overlay_start_2:
0x214: {  	(tag) =	ssettag $0x2  }
0x215: {  	s0 =	rddreg [dreg:$0x0];
	s2 =	stileid.u32  }
0x216: {  	s1 =	rddreg [dreg:$0x1];
	p0 =	sne.s32 s2, $0x0  }
0x217: {  	s3 =	rddreg [dreg:$0x2];
	[bflag:$0x3] =	sbarrier.arrive $0xFFFF;
	s2 =	simm.s32 @!p0 $0x1C04  }
0x218: {  	[timem:s3], [sflag:s2] =	dma.local @!p0 [hbm:s0], s1  }
0x219: {  	s0 =	simm.s32 @!p0 $0x4  }
0x21a: {  	_ =	swait.ge @!p0 [sflag:s0], s1  }
0x21b: {  	s1 =	ssub.s32 @!p0 $0x0, s1;
	[sflag:s0] =	ssyncset.done @!p0 $0x0  }
0x21c: {  	[sflag:s0] =	ssyncadd.s32 @!p0 s1  }
0x21d: {  	[bflag:$0x3] =	sbarrier.arrive $0xFFFF  }
0x21e: {  	_ =	shalt  }

</sc_bundles>
